<compile_context>
chip_gen: v7x
topology: tpu7x:2x2x1
jax: 0.10.2.dev20260603
libtpu: 0.0.44.dev20260713+nightly
codegen_flags: <defaults>
</compile_context>

<pallas_src>
import functools

import jax
import jax.numpy as jnp
from jax import lax
from jax.experimental import pallas as pl
from jax.experimental.pallas import tpu as pltpu
from jax.experimental.pallas import tpu_sc as plsc

VOCAB = 1000000
DIM = 16
NEG = 20
B = 4096
N = B * (1 + NEG)
NW = 32
BPW = B // NW
RPW = N // NW
LANE = 128
NCH = RPW // LANE
IDXROWS = 24
ROWS2D = N // LANE
POS_ROWS = B // LANE
CSZ = 2048
TB = VOCAB // LANE * LANE
BASEMAX = TB - CSZ
CPW = B // NW

_mesh = plsc.VectorSubcoreMesh(core_axis_name="c", subcore_axis_name="s")


def _window_base(cols, done, base):
    mincol = jnp.min(jnp.where(done, VOCAB, cols))
    inwin = jnp.logical_and(mincol >= base, mincol < base + CSZ)
    nb = jnp.minimum((mincol // LANE) * LANE, BASEMAX)
    return jnp.where(inwin, base, nb)


@functools.partial(
    pl.kernel,
    out_type=jax.ShapeDtypeStruct((B // 8, LANE), jnp.float32),
    mesh=_mesh,
    scratch_types=[
        pltpu.VMEM((1, LANE), jnp.int32),
        pltpu.VMEM((DIM, CSZ), jnp.float32),
        pltpu.VMEM((DIM, 64), jnp.float32),
        pltpu.VMEM((16, LANE), jnp.float32),
    ],
    compiler_params=pltpu.CompilerParams(needs_layout_passes=False),
)
def _build_cent(emb_t, tail, csort, out, cs_v, chunk_v, tail_v, stage_v):
    wid = lax.axis_index("s") * 2 + lax.axis_index("c")
    pltpu.sync_copy(csort.at[wid], cs_v)
    pltpu.sync_copy(tail, tail_v)
    iota16 = lax.iota(jnp.int32, 16)

    def blk(b, base):
        cols = cs_v[0, pl.ds(b * 16, 16)]
        pos = b * 16 + iota16
        rowv = pos // 8
        lanev = (pos % 8) * DIM
        tmask = cols >= TB

        def extract(src, colloc, mask):
            for d in range(DIM):
                vals = plsc.load_gather(
                    src, [jnp.full((16,), d, jnp.int32), colloc])
                plsc.store_scatter(stage_v, [rowv, lanev + d], vals, mask=mask)

        @pl.when(jnp.any(tmask))
        def _():
            extract(tail_v, jnp.clip(cols - TB, 0, 63), tmask)

        def cond(st):
            return jnp.logical_not(jnp.all(st[0]))

        def body(st):
            done, base = st
            nb = _window_base(cols, done, base)

            @pl.when(nb != base)
            def _():
                pltpu.sync_copy(
                    emb_t.at[:, pl.ds(pl.multiple_of(nb, LANE), CSZ)], chunk_v)

            mask = jnp.logical_and(
                jnp.logical_not(done),
                jnp.logical_and(cols >= nb, cols < nb + CSZ))
            extract(chunk_v, jnp.clip(cols - nb, 0, CSZ - 1), mask)
            return jnp.logical_or(done, mask), nb

        _, base = lax.while_loop(cond, body, (tmask, base))
        return base

    lax.fori_loop(0, CPW // 16, blk, 0)
    pltpu.sync_copy(stage_v, out.at[pl.ds(wid * 16, 16)])


@functools.partial(
    pl.kernel,
    out_type=jax.ShapeDtypeStruct((N,), jnp.float32),
    mesh=_mesh,
    scratch_types=[
        pltpu.VMEM((IDXROWS, LANE), jnp.int32),
        pltpu.VMEM((IDXROWS, LANE), jnp.int32),
        pltpu.VMEM((LANE, LANE), jnp.float32),
        pltpu.VMEM((LANE, LANE), jnp.float32),
        pltpu.VMEM((B // 8, LANE), jnp.float32),
        pltpu.VMEM((B // LANE, LANE), jnp.int32),
        pltpu.VMEM((RPW,), jnp.float32),
        pltpu.SemaphoreType.DMA,
    ],
    compiler_params=pltpu.CompilerParams(needs_layout_passes=False),
)
def _sc_scores(emb_u, ug, us, cent, invc, out,
               ug_v, usub_v, ubufa, ubufb, cent_v, invc_v,
               scores_v, usem):
    wid = lax.axis_index("s") * 2 + lax.axis_index("c")

    pltpu.sync_copy(ug.at[wid], ug_v)
    pltpu.sync_copy(us.at[wid], usub_v)
    pltpu.async_copy(emb_u.at[ug_v.at[0]], ubufa, usem)
    pltpu.sync_copy(cent, cent_v)
    pltpu.sync_copy(invc, invc_v)

    iota16 = lax.iota(jnp.int32, 16)

    def score_chunk(j, buf):
        def blk(b, carry):
            row = j * LANE + b * 16
            svec = usub_v[row // LANE, pl.ds(row % LANE, 16)]
            slot = b * 16 + iota16
            rvec = row + iota16
            bvec = jnp.where(rvec < BPW, rvec, (rvec - BPW) // NEG)
            gb = wid * BPW + bvec
            pcv = plsc.load_gather(invc_v, [gb // LANE, gb % LANE])
            pg = pcv // 8
            plane = (pcv % 8) * DIM
            acc = jnp.zeros((16,), jnp.float32)
            for d in range(DIM):
                uc = plsc.load_gather(buf, [slot, svec + d])
                vc = plsc.load_gather(cent_v, [pg, plane + d])
                acc = acc + uc * vc
            scores_v[pl.ds(row, 16)] = acc
            return carry

        lax.fori_loop(0, LANE // 16, blk, 0)

    def u_chunk(j, carry):
        even = j % 2 == 0

        @pl.when(jnp.logical_and(j + 1 < NCH, even))
        def _():
            pltpu.async_copy(emb_u.at[ug_v.at[j + 1]], ubufb, usem)

        @pl.when(jnp.logical_and(j + 1 < NCH, jnp.logical_not(even)))
        def _():
            pltpu.async_copy(emb_u.at[ug_v.at[j + 1]], ubufa, usem)

        @pl.when(even)
        def _():
            pltpu.make_async_copy(emb_u.at[ug_v.at[j]], ubufa, usem).wait()
            score_chunk(j, ubufa)

        @pl.when(jnp.logical_not(even))
        def _():
            pltpu.make_async_copy(emb_u.at[ug_v.at[j]], ubufb, usem).wait()
            score_chunk(j, ubufb)

        return carry

    lax.fori_loop(0, NCH, u_chunk, 0)

    pltpu.sync_copy(scores_v.at[pl.ds(0, BPW)], out.at[pl.ds(wid * BPW, BPW)])
    pltpu.sync_copy(scores_v.at[pl.ds(BPW, RPW - BPW)],
                    out.at[pl.ds(B + wid * (RPW - BPW), RPW - BPW)])


def _tc_reduce_body(s_ref, o_ref):
    s = s_ref[...]
    ridx = lax.broadcasted_iota(jnp.int32, (ROWS2D, LANE), 0)
    t = jnp.where(ridx < POS_ROWS, s, -s)
    ls = jnp.minimum(t, 0.0) - jnp.log1p(jnp.exp(-jnp.abs(t)))
    o_ref[0, 0] = -jnp.sum(ls) / B


_tc_reduce = pl.pallas_call(
    _tc_reduce_body,
    out_shape=jax.ShapeDtypeStruct((1, 1), jnp.float32),
    out_specs=pl.BlockSpec(memory_space=pltpu.SMEM),
)


def _pad_rows(x2d, rows):
    out = jnp.zeros((NW, rows * LANE), x2d.dtype)
    out = lax.dynamic_update_slice(out, x2d, (0, 0))
    return out.reshape(NW, rows, LANE)


def kernel(embedding_v, embedding_u, center_words, target_words, negative_words):
    c = center_words.reshape(-1).astype(jnp.int32)
    t = target_words.reshape(-1).astype(jnp.int32)
    n = negative_words.reshape(-1).astype(jnp.int32)
    uidx = jnp.concatenate(
        [t.reshape(NW, BPW), n.reshape(NW, RPW - BPW)], axis=1)
    ug = _pad_rows(uidx // 8, IDXROWS)
    us = _pad_rows((uidx % 8) * DIM, IDXROWS)
    sort_c, ord_c = lax.sort_key_val(c, lax.iota(jnp.int32, B))
    inv_c = jnp.zeros((B,), jnp.int32).at[ord_c].set(lax.iota(jnp.int32, B))
    emb_v_t = embedding_v.T
    v_tail = emb_v_t[:, TB:]
    cent = _build_cent(emb_v_t, v_tail, sort_c.reshape(NW, 1, LANE))
    emb_u2 = embedding_u.reshape(VOCAB // 8, 8 * DIM)
    scores = _sc_scores(emb_u2, ug, us, cent, inv_c.reshape(B // LANE, LANE))
    loss = _tc_reduce(scores.reshape(ROWS2D, LANE))
    return loss[0, 0]

# --- scband reference (transcript-rebuilt; emitter-appended) ---
"""Pipeline reference for scband-skipgram-neg-sampling-46952582480430 (READ-ONLY COPY).

The authoritative reference and input builder live on the scoring server;
editing this copy changes nothing except your own understanding.
"""

import jax, jax.numpy as jnp
import numpy as np

VOCAB = 1000000
DIM = 16
B = 4096
NEG = 20

def setup_inputs(seed: int = 0) -> dict:
    key = jax.random.key(seed)
    k1, k2, k3, k4, k5 = jax.random.split(key, 5)
    initrange = float(np.sqrt(2.0 / (VOCAB + DIM)))
    embedding_v = jax.random.uniform(k1, (VOCAB, DIM), minval=-initrange, maxval=initrange, dtype=jnp.float32)
    embedding_u = jax.random.uniform(k2, (VOCAB, DIM), minval=-initrange, maxval=initrange, dtype=jnp.float32)
    center_words = jax.random.randint(k3, (B, 1), 0, VOCAB, dtype=jnp.int64 if jax.config.jax_enable_x64 else jnp.int32)
    target_words = jax.random.randint(k4, (B, 1), 0, VOCAB, dtype=jnp.int64 if jax.config.jax_enable_x64 else jnp.int32)
    negative_words = jax.random.randint(k5, (B, NEG), 0, VOCAB, dtype=jnp.int64 if jax.config.jax_enable_x64 else jnp.int32)
    return {
        "embedding_v": embedding_v,
        "embedding_u": embedding_u,
        "center_words": center_words,
        "target_words": target_words,
        "negative_words": negative_words,
    }

def reference(embedding_v, embedding_u, center_words, target_words, negative_words):
    # embedding lookups (gathers)
    center_embeds = jnp.take(embedding_v, center_words, axis=0)      # [B, 1, D]
    target_embeds = jnp.take(embedding_u, target_words, axis=0)      # [B, 1, D]
    negative_embeds = jnp.take(embedding_u, negative_words, axis=0)  # [B, NEG, D]
    # bmm(target, center^T).squeeze(2)
    positive_score = jnp.einsum('bid,bjd->bij', target_embeds, center_embeds)[:, :, 0]   # [B, 1]
    negative_scores = jnp.einsum('bid,bjd->bij', negative_embeds, center_embeds)[:, :, 0]  # [B, NEG]
    # faithful to original torch broadcasting: [B,1] + [B] -> [B,B]
    neg_term = jnp.sum(jax.nn.log_sigmoid(-negative_scores).reshape(negative_words.shape[0], -1), axis=1)  # [B]
    loss = jax.nn.log_sigmoid(positive_score) + neg_term  # broadcasts to [B, B]
    return -jnp.mean(loss)

if __name__ == "__main__":
    import jax
    _d = setup_inputs()
    print(jax.jit(kernel)(*tuple(_d.values())))

</pallas_src>

<mosaic_0001>
#map = affine_map<(d0, d1) -> (0, 0)>
#map1 = affine_map<(d0, d1) -> (0, 0, 0)>
#map2 = affine_map<(d0, d1) -> (0)>
module attributes {stable_mosaic.version = 14 : i64} {
  func.func @_sc_scores(%arg0: i32, %arg1: i32, %arg2: memref<125000x128xf32, #tpu.memory_space<hbm>>, %arg3: memref<32x24x128xi32, #tpu.memory_space<hbm>>, %arg4: memref<32x24x128xi32, #tpu.memory_space<hbm>>, %arg5: memref<512x128xf32, #tpu.memory_space<hbm>>, %arg6: memref<32x128xi32, #tpu.memory_space<hbm>>, %arg7: memref<86016xf32, #tpu.memory_space<hbm>>, %arg8: memref<24x128xi32, #tpu.memory_space<vmem>>, %arg9: memref<24x128xi32, #tpu.memory_space<vmem>>, %arg10: memref<128x128xf32, #tpu.memory_space<vmem>>, %arg11: memref<128x128xf32, #tpu.memory_space<vmem>>, %arg12: memref<512x128xf32, #tpu.memory_space<vmem>>, %arg13: memref<32x128xi32, #tpu.memory_space<vmem>>, %arg14: memref<2688xf32, #tpu.memory_space<vmem>>, %arg15: memref<!tpu.dma_semaphore, #tpu.memory_space<semaphore_mem>>) attributes {dimension_semantics = [#tpu.dimension_semantics<core_parallel>, #tpu.dimension_semantics<subcore_parallel>], iteration_bounds = array<i64: 2, 16>, scalar_prefetch = 0 : i64, scratch_operands = 8 : i64, tpu.core_type = #tpu.core_type<sc_vector_subcore>, window_params = [{transform_indices = #map}, {transform_indices = #map1}, {transform_indices = #map1}, {transform_indices = #map}, {transform_indices = #map}, {transform_indices = #map2}]} {
    %mul3A = arith.constant 2 : i32
    %mul3A_0 = arith.muli %arg1, %mul3A : i32
    %add3A = arith.addi %mul3A_0, %arg0 : i32
    "tpu.region"() ({
      %run_scoped3A = tpu.sem_alloc : memref<!tpu.dma_semaphore, #tpu.memory_space<semaphore_mem>>
      %dma_start3A_18 = arith.constant 0 : i32
      %dma_start3A_19 = arith.constant 0 : i32
      %dma_start3A_20 = tpu.memref_slice %arg3[%add3A, %dma_start3A_18, %dma_start3A_19] : memref<32x24x128xi32, #tpu.memory_space<hbm>> -> memref<1x24x128xi32, #tpu.memory_space<hbm>>
      %dma_start3A_21 = tpu.memref_squeeze %dma_start3A_20 : memref<1x24x128xi32, #tpu.memory_space<hbm>> -> memref<24x128xi32, #tpu.memory_space<hbm>>
      %dma_start3A_22 = arith.constant 0 : i32
      %dma_start3A_23 = arith.constant 0 : i32
      %dma_start3A_24 = tpu.memref_slice %arg3[%add3A, %dma_start3A_22, %dma_start3A_23] : memref<32x24x128xi32, #tpu.memory_space<hbm>> -> memref<1x24x128xi32, #tpu.memory_space<hbm>>
      %dma_start3A_25 = tpu.memref_squeeze %dma_start3A_24 : memref<1x24x128xi32, #tpu.memory_space<hbm>> -> memref<24x128xi32, #tpu.memory_space<hbm>>
      tpu.enqueue_dma source(%dma_start3A_25 : memref<24x128xi32, #tpu.memory_space<hbm>>) target(%arg8 : memref<24x128xi32, #tpu.memory_space<vmem>>) target_semaphore(%run_scoped3A : memref<!tpu.dma_semaphore, #tpu.memory_space<semaphore_mem>>)
      %dma_wait3A = arith.constant 0 : i32
      %dma_wait3A_26 = arith.constant 0 : i32
      %dma_wait3A_27 = tpu.memref_slice %arg3[%add3A, %dma_wait3A, %dma_wait3A_26] : memref<32x24x128xi32, #tpu.memory_space<hbm>> -> memref<1x24x128xi32, #tpu.memory_space<hbm>>
      %dma_wait3A_28 = tpu.memref_squeeze %dma_wait3A_27 : memref<1x24x128xi32, #tpu.memory_space<hbm>> -> memref<24x128xi32, #tpu.memory_space<hbm>>
      %dma_wait3A_29 = arith.constant 0 : i32
      %dma_wait3A_30 = arith.constant 0 : i32
      %dma_wait3A_31 = tpu.memref_slice %arg3[%add3A, %dma_wait3A_29, %dma_wait3A_30] : memref<32x24x128xi32, #tpu.memory_space<hbm>> -> memref<1x24x128xi32, #tpu.memory_space<hbm>>
      %dma_wait3A_32 = tpu.memref_squeeze %dma_wait3A_31 : memref<1x24x128xi32, #tpu.memory_space<hbm>> -> memref<24x128xi32, #tpu.memory_space<hbm>>
      tpu.wait_dma2 semaphore(%run_scoped3A : memref<!tpu.dma_semaphore, #tpu.memory_space<semaphore_mem>>) src(%dma_wait3A_32 : memref<24x128xi32, #tpu.memory_space<hbm>>) dst(%arg8 : memref<24x128xi32, #tpu.memory_space<vmem>>)
      tpu.yield
    }) : () -> ()
    "tpu.region"() ({
      %run_scoped3A = tpu.sem_alloc : memref<!tpu.dma_semaphore, #tpu.memory_space<semaphore_mem>>
      %dma_start3A_18 = arith.constant 0 : i32
      %dma_start3A_19 = arith.constant 0 : i32
      %dma_start3A_20 = tpu.memref_slice %arg4[%add3A, %dma_start3A_18, %dma_start3A_19] : memref<32x24x128xi32, #tpu.memory_space<hbm>> -> memref<1x24x128xi32, #tpu.memory_space<hbm>>
      %dma_start3A_21 = tpu.memref_squeeze %dma_start3A_20 : memref<1x24x128xi32, #tpu.memory_space<hbm>> -> memref<24x128xi32, #tpu.memory_space<hbm>>
      %dma_start3A_22 = arith.constant 0 : i32
      %dma_start3A_23 = arith.constant 0 : i32
      %dma_start3A_24 = tpu.memref_slice %arg4[%add3A, %dma_start3A_22, %dma_start3A_23] : memref<32x24x128xi32, #tpu.memory_space<hbm>> -> memref<1x24x128xi32, #tpu.memory_space<hbm>>
      %dma_start3A_25 = tpu.memref_squeeze %dma_start3A_24 : memref<1x24x128xi32, #tpu.memory_space<hbm>> -> memref<24x128xi32, #tpu.memory_space<hbm>>
      tpu.enqueue_dma source(%dma_start3A_25 : memref<24x128xi32, #tpu.memory_space<hbm>>) target(%arg9 : memref<24x128xi32, #tpu.memory_space<vmem>>) target_semaphore(%run_scoped3A : memref<!tpu.dma_semaphore, #tpu.memory_space<semaphore_mem>>)
      %dma_wait3A = arith.constant 0 : i32
      %dma_wait3A_26 = arith.constant 0 : i32
      %dma_wait3A_27 = tpu.memref_slice %arg4[%add3A, %dma_wait3A, %dma_wait3A_26] : memref<32x24x128xi32, #tpu.memory_space<hbm>> -> memref<1x24x128xi32, #tpu.memory_space<hbm>>
      %dma_wait3A_28 = tpu.memref_squeeze %dma_wait3A_27 : memref<1x24x128xi32, #tpu.memory_space<hbm>> -> memref<24x128xi32, #tpu.memory_space<hbm>>
      %dma_wait3A_29 = arith.constant 0 : i32
      %dma_wait3A_30 = arith.constant 0 : i32
      %dma_wait3A_31 = tpu.memref_slice %arg4[%add3A, %dma_wait3A_29, %dma_wait3A_30] : memref<32x24x128xi32, #tpu.memory_space<hbm>> -> memref<1x24x128xi32, #tpu.memory_space<hbm>>
      %dma_wait3A_32 = tpu.memref_squeeze %dma_wait3A_31 : memref<1x24x128xi32, #tpu.memory_space<hbm>> -> memref<24x128xi32, #tpu.memory_space<hbm>>
      tpu.wait_dma2 semaphore(%run_scoped3A : memref<!tpu.dma_semaphore, #tpu.memory_space<semaphore_mem>>) src(%dma_wait3A_32 : memref<24x128xi32, #tpu.memory_space<hbm>>) dst(%arg9 : memref<24x128xi32, #tpu.memory_space<vmem>>)
      tpu.yield
    }) : () -> ()
    %dma_start3A = arith.constant 0 : i32
    %dma_start3A_1 = arith.constant 0 : i32
    %dma_start3A_2 = tpu.memref_slice %arg8[%dma_start3A, %dma_start3A_1] : memref<24x128xi32, #tpu.memory_space<vmem>> -> memref<1x128xi32, #tpu.memory_space<vmem>>
    %dma_start3A_3 = tpu.memref_squeeze %dma_start3A_2 : memref<1x128xi32, #tpu.memory_space<vmem>> -> memref<128xi32, #tpu.memory_space<vmem>>
    %dma_start3A_4 = arith.constant 0 : i32
    %dma_start3A_5 = arith.constant 0 : i32
    %dma_start3A_6 = tpu.memref_slice %arg2[%dma_start3A_4, %dma_start3A_5] : memref<125000x128xf32, #tpu.memory_space<hbm>> -> memref<125000x128xf32, #tpu.memory_space<hbm>>
    tpu.enqueue_indirect_dma source(%dma_start3A_6 : memref<125000x128xf32, #tpu.memory_space<hbm>>) target(%arg10 : memref<128x128xf32, #tpu.memory_space<vmem>>) offsets(%dma_start3A_3 : memref<128xi32, #tpu.memory_space<vmem>>) semaphore(%arg15 : memref<!tpu.dma_semaphore, #tpu.memory_space<semaphore_mem>>)
    "tpu.region"() ({
      %run_scoped3A = tpu.sem_alloc : memref<!tpu.dma_semaphore, #tpu.memory_space<semaphore_mem>>
      tpu.enqueue_dma source(%arg5 : memref<512x128xf32, #tpu.memory_space<hbm>>) target(%arg12 : memref<512x128xf32, #tpu.memory_space<vmem>>) target_semaphore(%run_scoped3A : memref<!tpu.dma_semaphore, #tpu.memory_space<semaphore_mem>>)
      tpu.wait_dma2 semaphore(%run_scoped3A : memref<!tpu.dma_semaphore, #tpu.memory_space<semaphore_mem>>) src(%arg5 : memref<512x128xf32, #tpu.memory_space<hbm>>) dst(%arg12 : memref<512x128xf32, #tpu.memory_space<vmem>>)
      tpu.yield
    }) : () -> ()
    "tpu.region"() ({
      %run_scoped3A = tpu.sem_alloc : memref<!tpu.dma_semaphore, #tpu.memory_space<semaphore_mem>>
      tpu.enqueue_dma source(%arg6 : memref<32x128xi32, #tpu.memory_space<hbm>>) target(%arg13 : memref<32x128xi32, #tpu.memory_space<vmem>>) target_semaphore(%run_scoped3A : memref<!tpu.dma_semaphore, #tpu.memory_space<semaphore_mem>>)
      tpu.wait_dma2 semaphore(%run_scoped3A : memref<!tpu.dma_semaphore, #tpu.memory_space<semaphore_mem>>) src(%arg6 : memref<32x128xi32, #tpu.memory_space<hbm>>) dst(%arg13 : memref<32x128xi32, #tpu.memory_space<vmem>>)
      tpu.yield
    }) : () -> ()
    %iota3A = tpu.iota {dimensions = array<i32: 0>} : vector<16xi32>
    %scan3A = arith.constant 0 : i32
    %scan3A_7 = arith.constant 0 : i32
    %scan3A_8 = arith.constant 21 : i32
    %scan3A_9 = arith.addi %scan3A_7, %scan3A_8 : i32
    %scan3A_10 = arith.constant 1 : i32
    scf.for %scan3A_18 = %scan3A_7 to %scan3A_9 step %scan3A_10  : i32 {
      %jit3A = arith.constant 2 : i32
      %eq3A = arith.constant 0 : i32
      %eq3A_19 = arith.cmpi eq, %jit3A, %eq3A : i32
      %jit3A_20 = arith.constant 1 : i32
      %select_n3A = arith.select %eq3A_19, %jit3A_20, %jit3A : i32
      %rem3A = arith.remsi %scan3A_18, %select_n3A : i32
      %ne3A = arith.constant 0 : i32
      %ne3A_21 = arith.cmpi ne, %rem3A, %ne3A : i32
      %lt3A = arith.constant 0 : i32
      %lt3A_22 = arith.cmpi slt, %rem3A, %lt3A : i32
      %lt3A_23 = arith.constant 0 : i32
      %lt3A_24 = arith.cmpi slt, %select_n3A, %lt3A_23 : i32
      %ne3A_25 = arith.xori %lt3A_22, %lt3A_24 : i1
      %and3A = arith.andi %ne3A_25, %ne3A_21 : i1
      %add3A_26 = arith.addi %rem3A, %select_n3A : i32
      %select_n3A_27 = arith.select %and3A, %add3A_26, %rem3A : i32
      %eq3A_28 = arith.constant 0 : i32
      %eq3A_29 = arith.cmpi eq, %select_n3A_27, %eq3A_28 : i32
      %add3A_30 = arith.constant 1 : i32
      %add3A_31 = arith.addi %scan3A_18, %add3A_30 : i32
      %lt3A_32 = arith.constant 21 : i32
      %lt3A_33 = arith.cmpi slt, %add3A_31, %lt3A_32 : i32
      %and3A_34 = arith.andi %lt3A_33, %eq3A_29 : i1
      %convert_element_type3A = arith.extui %and3A_34 : i1 to i32
      %cond3A = arith.constant 0 : i32
      %cond3A_35 = arith.cmpi ne, %convert_element_type3A, %cond3A : i32
      scf.if %cond3A_35 {
        %add3A_53 = arith.constant 1 : i32
        %add3A_54 = arith.addi %scan3A_18, %add3A_53 : i32
        %dma_start3A_55 = arith.constant 0 : i32
        %dma_start3A_56 = tpu.memref_slice %arg8[%add3A_54, %dma_start3A_55] : memref<24x128xi32, #tpu.memory_space<vmem>> -> memref<1x128xi32, #tpu.memory_space<vmem>>
        %dma_start3A_57 = tpu.memref_squeeze %dma_start3A_56 : memref<1x128xi32, #tpu.memory_space<vmem>> -> memref<128xi32, #tpu.memory_space<vmem>>
        %dma_start3A_58 = arith.constant 0 : i32
        %dma_start3A_59 = arith.constant 0 : i32
        %dma_start3A_60 = tpu.memref_slice %arg2[%dma_start3A_58, %dma_start3A_59] : memref<125000x128xf32, #tpu.memory_space<hbm>> -> memref<125000x128xf32, #tpu.memory_space<hbm>>
        tpu.enqueue_indirect_dma source(%dma_start3A_60 : memref<125000x128xf32, #tpu.memory_space<hbm>>) target(%arg11 : memref<128x128xf32, #tpu.memory_space<vmem>>) offsets(%dma_start3A_57 : memref<128xi32, #tpu.memory_space<vmem>>) semaphore(%arg15 : memref<!tpu.dma_semaphore, #tpu.memory_space<semaphore_mem>>)
      } else {
      }
      %add3A_36 = arith.constant 1 : i32
      %add3A_37 = arith.addi %scan3A_18, %add3A_36 : i32
      %lt3A_38 = arith.constant 21 : i32
      %lt3A_39 = arith.cmpi slt, %add3A_37, %lt3A_38 : i32
      %not3A = arith.constant true
      %not3A_40 = arith.xori %eq3A_29, %not3A : i1
      %and3A_41 = arith.andi %lt3A_39, %not3A_40 : i1
      %convert_element_type3A_42 = arith.extui %and3A_41 : i1 to i32
      %cond3A_43 = arith.constant 0 : i32
      %cond3A_44 = arith.cmpi ne, %convert_element_type3A_42, %cond3A_43 : i32
      scf.if %cond3A_44 {
        %add3A_53 = arith.constant 1 : i32
        %add3A_54 = arith.addi %scan3A_18, %add3A_53 : i32
        %dma_start3A_55 = arith.constant 0 : i32
        %dma_start3A_56 = tpu.memref_slice %arg8[%add3A_54, %dma_start3A_55] : memref<24x128xi32, #tpu.memory_space<vmem>> -> memref<1x128xi32, #tpu.memory_space<vmem>>
        %dma_start3A_57 = tpu.memref_squeeze %dma_start3A_56 : memref<1x128xi32, #tpu.memory_space<vmem>> -> memref<128xi32, #tpu.memory_space<vmem>>
        %dma_start3A_58 = arith.constant 0 : i32
        %dma_start3A_59 = arith.constant 0 : i32
        %dma_start3A_60 = tpu.memref_slice %arg2[%dma_start3A_58, %dma_start3A_59] : memref<125000x128xf32, #tpu.memory_space<hbm>> -> memref<125000x128xf32, #tpu.memory_space<hbm>>
        tpu.enqueue_indirect_dma source(%dma_start3A_60 : memref<125000x128xf32, #tpu.memory_space<hbm>>) target(%arg10 : memref<128x128xf32, #tpu.memory_space<vmem>>) offsets(%dma_start3A_57 : memref<128xi32, #tpu.memory_space<vmem>>) semaphore(%arg15 : memref<!tpu.dma_semaphore, #tpu.memory_space<semaphore_mem>>)
      } else {
      }
      %convert_element_type3A_45 = arith.extui %eq3A_29 : i1 to i32
      %cond3A_46 = arith.constant 0 : i32
      %cond3A_47 = arith.cmpi ne, %convert_element_type3A_45, %cond3A_46 : i32
      scf.if %cond3A_47 {
        %dma_wait3A = arith.constant 0 : i32
        %dma_wait3A_53 = tpu.memref_slice %arg8[%scan3A_18, %dma_wait3A] : memref<24x128xi32, #tpu.memory_space<vmem>> -> memref<1x128xi32, #tpu.memory_space<vmem>>
        %dma_wait3A_54 = tpu.memref_squeeze %dma_wait3A_53 : memref<1x128xi32, #tpu.memory_space<vmem>> -> memref<128xi32, #tpu.memory_space<vmem>>
        %dma_wait3A_55 = arith.constant 0 : i32
        %dma_wait3A_56 = arith.constant 0 : i32
        %dma_wait3A_57 = tpu.memref_slice %arg2[%dma_wait3A_55, %dma_wait3A_56] : memref<125000x128xf32, #tpu.memory_space<hbm>> -> memref<125000x128xf32, #tpu.memory_space<hbm>>
        tpu.wait_indirect_dma semaphore(%arg15 : memref<!tpu.dma_semaphore, #tpu.memory_space<semaphore_mem>>) src(%dma_wait3A_57 : memref<125000x128xf32, #tpu.memory_space<hbm>>) dst(%arg10 : memref<128x128xf32, #tpu.memory_space<vmem>>)
        %scan3A_58 = arith.constant 0 : i32
        %scan3A_59 = arith.constant 0 : i32
        %scan3A_60 = arith.constant 8 : i32
        %scan3A_61 = arith.addi %scan3A_59, %scan3A_60 : i32
        %scan3A_62 = arith.constant 1 : i32
        scf.for %scan3A_64 = %scan3A_59 to %scan3A_61 step %scan3A_62  : i32 {
          %mul3A_65 = arith.constant 128 : i32
          %mul3A_66 = arith.muli %scan3A_18, %mul3A_65 : i32
          %mul3A_67 = arith.constant 16 : i32
          %mul3A_68 = arith.muli %scan3A_64, %mul3A_67 : i32
          %add3A_69 = arith.addi %mul3A_66, %mul3A_68 : i32
          %jit3A_70 = arith.constant 128 : i32
          %div3A = arith.divsi %add3A_69, %jit3A_70 : i32
          %sign3A = arith.constant 0 : i32
          %sign3A_71 = arith.cmpi sgt, %add3A_69, %sign3A : i32
          %sign3A_72 = arith.extui %sign3A_71 : i1 to i32
          %sign3A_73 = arith.constant 0 : i32
          %sign3A_74 = arith.cmpi slt, %add3A_69, %sign3A_73 : i32
          %sign3A_75 = arith.extui %sign3A_74 : i1 to i32
          %sign3A_76 = arith.subi %sign3A_72, %sign3A_75 : i32
          %sign3A_77 = arith.constant 0 : i32
          %sign3A_78 = arith.cmpi sgt, %jit3A_70, %sign3A_77 : i32
          %sign3A_79 = arith.extui %sign3A_78 : i1 to i32
          %sign3A_80 = arith.constant 0 : i32
          %sign3A_81 = arith.cmpi slt, %jit3A_70, %sign3A_80 : i32
          %sign3A_82 = arith.extui %sign3A_81 : i1 to i32
          %sign3A_83 = arith.subi %sign3A_79, %sign3A_82 : i32
          %ne3A_84 = arith.cmpi ne, %sign3A_76, %sign3A_83 : i32
          %rem3A_85 = arith.remsi %add3A_69, %jit3A_70 : i32
          %ne3A_86 = arith.constant 0 : i32
          %ne3A_87 = arith.cmpi ne, %rem3A_85, %ne3A_86 : i32
          %and3A_88 = arith.andi %ne3A_84, %ne3A_87 : i1
          %sub3A = arith.constant 1 : i32
          %sub3A_89 = arith.subi %div3A, %sub3A : i32
          %select_n3A_90 = arith.select %and3A_88, %sub3A_89, %div3A : i32
          %jit3A_91 = arith.constant 128 : i32
          %eq3A_92 = arith.constant 0 : i32
          %eq3A_93 = arith.cmpi eq, %jit3A_91, %eq3A_92 : i32
          %jit3A_94 = arith.constant 1 : i32
          %select_n3A_95 = arith.select %eq3A_93, %jit3A_94, %jit3A_91 : i32
          %rem3A_96 = arith.remsi %add3A_69, %select_n3A_95 : i32
          %ne3A_97 = arith.constant 0 : i32
          %ne3A_98 = arith.cmpi ne, %rem3A_96, %ne3A_97 : i32
          %lt3A_99 = arith.constant 0 : i32
          %lt3A_100 = arith.cmpi slt, %rem3A_96, %lt3A_99 : i32
          %lt3A_101 = arith.constant 0 : i32
          %lt3A_102 = arith.cmpi slt, %select_n3A_95, %lt3A_101 : i32
          %ne3A_103 = arith.xori %lt3A_100, %lt3A_102 : i1
          %and3A_104 = arith.andi %ne3A_103, %ne3A_98 : i1
          %add3A_105 = arith.addi %rem3A_96, %select_n3A_95 : i32
          %select_n3A_106 = arith.select %and3A_104, %add3A_105, %rem3A_96 : i32
          %get3A = arith.index_cast %select_n3A_90 : i32 to index
          %get3A_107 = arith.index_cast %select_n3A_106 : i32 to index
          %get3A_108 = tpu.vector_load %arg9[%get3A, %get3A_107] {strides = array<i32>} : memref<24x128xi32, #tpu.memory_space<vmem>>, vector<16xi32>,
          %mul3A_109 = arith.constant 16 : i32
          %mul3A_110 = arith.muli %scan3A_64, %mul3A_109 : i32
          %add3A_111 = vector.broadcast %mul3A_110 : i32 to vector<16xi32>
          %add3A_112 = arith.addi %add3A_111, %iota3A : vector<16xi32>
          %add3A_113 = vector.broadcast %add3A_69 : i32 to vector<16xi32>
          %add3A_114 = arith.addi %add3A_113, %iota3A : vector<16xi32>
          %lt3A_115 = arith.constant 128 : i32
          %lt3A_116 = vector.broadcast %lt3A_115 : i32 to vector<16xi32>
          %lt3A_117 = arith.cmpi slt, %add3A_114, %lt3A_116 : vector<16xi32>
          %sub3A_118 = arith.constant 128 : i32
          %sub3A_119 = vector.broadcast %sub3A_118 : i32 to vector<16xi32>
          %sub3A_120 = arith.subi %add3A_114, %sub3A_119 : vector<16xi32>
          %jit3A_121 = arith.constant 20 : i32
          %div3A_122 = vector.broadcast %jit3A_121 : i32 to vector<16xi32>
          %div3A_123 = arith.divsi %sub3A_120, %div3A_122 : vector<16xi32>
          %sign3A_124 = arith.constant 0 : i32
          %sign3A_125 = vector.broadcast %sign3A_124 : i32 to vector<16xi32>
          %sign3A_126 = arith.cmpi sgt, %sub3A_120, %sign3A_125 : vector<16xi32>
          %sign3A_127 = arith.extui %sign3A_126 : vector<16xi1> to vector<16xi32>
          %sign3A_128 = arith.constant 0 : i32
          %sign3A_129 = vector.broadcast %sign3A_128 : i32 to vector<16xi32>
          %sign3A_130 = arith.cmpi slt, %sub3A_120, %sign3A_129 : vector<16xi32>
          %sign3A_131 = arith.extui %sign3A_130 : vector<16xi1> to vector<16xi32>
          %sign3A_132 = arith.subi %sign3A_127, %sign3A_131 : vector<16xi32>
          %sign3A_133 = arith.constant 0 : i32
          %sign3A_134 = arith.cmpi sgt, %jit3A_121, %sign3A_133 : i32
          %sign3A_135 = arith.extui %sign3A_134 : i1 to i32
          %sign3A_136 = arith.constant 0 : i32
          %sign3A_137 = arith.cmpi slt, %jit3A_121, %sign3A_136 : i32
          %sign3A_138 = arith.extui %sign3A_137 : i1 to i32
          %sign3A_139 = arith.subi %sign3A_135, %sign3A_138 : i32
          %ne3A_140 = vector.broadcast %sign3A_139 : i32 to vector<16xi32>
          %ne3A_141 = arith.cmpi ne, %sign3A_132, %ne3A_140 : vector<16xi32>
          %rem3A_142 = vector.broadcast %jit3A_121 : i32 to vector<16xi32>
          %rem3A_143 = arith.remsi %sub3A_120, %rem3A_142 : vector<16xi32>
          %ne3A_144 = arith.constant 0 : i32
          %ne3A_145 = vector.broadcast %ne3A_144 : i32 to vector<16xi32>
          %ne3A_146 = arith.cmpi ne, %rem3A_143, %ne3A_145 : vector<16xi32>
          %and3A_147 = arith.andi %ne3A_141, %ne3A_146 : vector<16xi1>
          %sub3A_148 = arith.constant 1 : i32
          %sub3A_149 = vector.broadcast %sub3A_148 : i32 to vector<16xi32>
          %sub3A_150 = arith.subi %div3A_123, %sub3A_149 : vector<16xi32>
          %select_n3A_151 = arith.select %and3A_147, %sub3A_150, %div3A_123 : vector<16xi1>, vector<16xi32>
          %select_n3A_152 = arith.select %lt3A_117, %add3A_114, %select_n3A_151 : vector<16xi1>, vector<16xi32>
          %mul3A_153 = arith.constant 128 : i32
          %mul3A_154 = arith.muli %add3A, %mul3A_153 : i32
          %add3A_155 = vector.broadcast %mul3A_154 : i32 to vector<16xi32>
          %add3A_156 = arith.addi %add3A_155, %select_n3A_152 : vector<16xi32>
          %jit3A_157 = arith.constant 128 : i32
          %div3A_158 = vector.broadcast %jit3A_157 : i32 to vector<16xi32>
          %div3A_159 = arith.divsi %add3A_156, %div3A_158 : vector<16xi32>
          %sign3A_160 = arith.constant 0 : i32
          %sign3A_161 = vector.broadcast %sign3A_160 : i32 to vector<16xi32>
          %sign3A_162 = arith.cmpi sgt, %add3A_156, %sign3A_161 : vector<16xi32>
          %sign3A_163 = arith.extui %sign3A_162 : vector<16xi1> to vector<16xi32>
          %sign3A_164 = arith.constant 0 : i32
          %sign3A_165 = vector.broadcast %sign3A_164 : i32 to vector<16xi32>
          %sign3A_166 = arith.cmpi slt, %add3A_156, %sign3A_165 : vector<16xi32>
          %sign3A_167 = arith.extui %sign3A_166 : vector<16xi1> to vector<16xi32>
          %sign3A_168 = arith.subi %sign3A_163, %sign3A_167 : vector<16xi32>
          %sign3A_169 = arith.constant 0 : i32
          %sign3A_170 = arith.cmpi sgt, %jit3A_157, %sign3A_169 : i32
          %sign3A_171 = arith.extui %sign3A_170 : i1 to i32
          %sign3A_172 = arith.constant 0 : i32
          %sign3A_173 = arith.cmpi slt, %jit3A_157, %sign3A_172 : i32
          %sign3A_174 = arith.extui %sign3A_173 : i1 to i32
          %sign3A_175 = arith.subi %sign3A_171, %sign3A_174 : i32
          %ne3A_176 = vector.broadcast %sign3A_175 : i32 to vector<16xi32>
          %ne3A_177 = arith.cmpi ne, %sign3A_168, %ne3A_176 : vector<16xi32>
          %rem3A_178 = vector.broadcast %jit3A_157 : i32 to vector<16xi32>
          %rem3A_179 = arith.remsi %add3A_156, %rem3A_178 : vector<16xi32>
          %ne3A_180 = arith.constant 0 : i32
          %ne3A_181 = vector.broadcast %ne3A_180 : i32 to vector<16xi32>
          %ne3A_182 = arith.cmpi ne, %rem3A_179, %ne3A_181 : vector<16xi32>
          %and3A_183 = arith.andi %ne3A_177, %ne3A_182 : vector<16xi1>
          %sub3A_184 = arith.constant 1 : i32
          %sub3A_185 = vector.broadcast %sub3A_184 : i32 to vector<16xi32>
          %sub3A_186 = arith.subi %div3A_159, %sub3A_185 : vector<16xi32>
          %select_n3A_187 = arith.select %and3A_183, %sub3A_186, %div3A_159 : vector<16xi1>, vector<16xi32>
          %jit3A_188 = arith.constant 128 : i32
          %eq3A_189 = arith.constant 0 : i32
          %eq3A_190 = arith.cmpi eq, %jit3A_188, %eq3A_189 : i32
          %jit3A_191 = arith.constant 1 : i32
          %select_n3A_192 = arith.select %eq3A_190, %jit3A_191, %jit3A_188 : i32
          %rem3A_193 = vector.broadcast %select_n3A_192 : i32 to vector<16xi32>
          %rem3A_194 = arith.remsi %add3A_156, %rem3A_193 : vector<16xi32>
          %ne3A_195 = arith.constant 0 : i32
          %ne3A_196 = vector.broadcast %ne3A_195 : i32 to vector<16xi32>
          %ne3A_197 = arith.cmpi ne, %rem3A_194, %ne3A_196 : vector<16xi32>
          %lt3A_198 = arith.constant 0 : i32
          %lt3A_199 = vector.broadcast %lt3A_198 : i32 to vector<16xi32>
          %lt3A_200 = arith.cmpi slt, %rem3A_194, %lt3A_199 : vector<16xi32>
          %lt3A_201 = arith.constant 0 : i32
          %lt3A_202 = arith.cmpi slt, %select_n3A_192, %lt3A_201 : i32
          %ne3A_203 = vector.broadcast %lt3A_202 : i1 to vector<16xi1>
          %ne3A_204 = vector.broadcast %ne3A_203 : vector<16xi1> to vector<16xi1>
          %ne3A_205 = arith.xori %lt3A_200, %ne3A_204 : vector<16xi1>
          %and3A_206 = arith.andi %ne3A_205, %ne3A_197 : vector<16xi1>
          %add3A_207 = vector.broadcast %select_n3A_192 : i32 to vector<16xi32>
          %add3A_208 = arith.addi %rem3A_194, %add3A_207 : vector<16xi32>
          %select_n3A_209 = arith.select %and3A_206, %add3A_208, %rem3A_194 : vector<16xi1>, vector<16xi32>
          %gather3A = tpu.vector_load_idx %arg13[%select_n3A_187, %select_n3A_209] : memref<32x128xi32, #tpu.memory_space<vmem>>[vector<16xi32>, vector<16xi32>], vector<16xi32>,
          %jit3A_210 = arith.constant 8 : i32
          %div3A_211 = vector.broadcast %jit3A_210 : i32 to vector<16xi32>
          %div3A_212 = arith.divsi %gather3A, %div3A_211 : vector<16xi32>
          %sign3A_213 = arith.constant 0 : i32
          %sign3A_214 = vector.broadcast %sign3A_213 : i32 to vector<16xi32>
          %sign3A_215 = arith.cmpi sgt, %gather3A, %sign3A_214 : vector<16xi32>
          %sign3A_216 = arith.extui %sign3A_215 : vector<16xi1> to vector<16xi32>
          %sign3A_217 = arith.constant 0 : i32
          %sign3A_218 = vector.broadcast %sign3A_217 : i32 to vector<16xi32>
          %sign3A_219 = arith.cmpi slt, %gather3A, %sign3A_218 : vector<16xi32>
          %sign3A_220 = arith.extui %sign3A_219 : vector<16xi1> to vector<16xi32>
          %sign3A_221 = arith.subi %sign3A_216, %sign3A_220 : vector<16xi32>
          %sign3A_222 = arith.constant 0 : i32
          %sign3A_223 = arith.cmpi sgt, %jit3A_210, %sign3A_222 : i32
          %sign3A_224 = arith.extui %sign3A_223 : i1 to i32
          %sign3A_225 = arith.constant 0 : i32
          %sign3A_226 = arith.cmpi slt, %jit3A_210, %sign3A_225 : i32
          %sign3A_227 = arith.extui %sign3A_226 : i1 to i32
          %sign3A_228 = arith.subi %sign3A_224, %sign3A_227 : i32
          %ne3A_229 = vector.broadcast %sign3A_228 : i32 to vector<16xi32>
          %ne3A_230 = arith.cmpi ne, %sign3A_221, %ne3A_229 : vector<16xi32>
          %rem3A_231 = vector.broadcast %jit3A_210 : i32 to vector<16xi32>
          %rem3A_232 = arith.remsi %gather3A, %rem3A_231 : vector<16xi32>
          %ne3A_233 = arith.constant 0 : i32
          %ne3A_234 = vector.broadcast %ne3A_233 : i32 to vector<16xi32>
          %ne3A_235 = arith.cmpi ne, %rem3A_232, %ne3A_234 : vector<16xi32>
          %and3A_236 = arith.andi %ne3A_230, %ne3A_235 : vector<16xi1>
          %sub3A_237 = arith.constant 1 : i32
          %sub3A_238 = vector.broadcast %sub3A_237 : i32 to vector<16xi32>
          %sub3A_239 = arith.subi %div3A_212, %sub3A_238 : vector<16xi32>
          %select_n3A_240 = arith.select %and3A_236, %sub3A_239, %div3A_212 : vector<16xi1>, vector<16xi32>
          %jit3A_241 = arith.constant 8 : i32
          %eq3A_242 = arith.constant 0 : i32
          %eq3A_243 = arith.cmpi eq, %jit3A_241, %eq3A_242 : i32
          %jit3A_244 = arith.constant 1 : i32
          %select_n3A_245 = arith.select %eq3A_243, %jit3A_244, %jit3A_241 : i32
          %rem3A_246 = vector.broadcast %select_n3A_245 : i32 to vector<16xi32>
          %rem3A_247 = arith.remsi %gather3A, %rem3A_246 : vector<16xi32>
          %ne3A_248 = arith.constant 0 : i32
          %ne3A_249 = vector.broadcast %ne3A_248 : i32 to vector<16xi32>
          %ne3A_250 = arith.cmpi ne, %rem3A_247, %ne3A_249 : vector<16xi32>
          %lt3A_251 = arith.constant 0 : i32
          %lt3A_252 = vector.broadcast %lt3A_251 : i32 to vector<16xi32>
          %lt3A_253 = arith.cmpi slt, %rem3A_247, %lt3A_252 : vector<16xi32>
          %lt3A_254 = arith.constant 0 : i32
          %lt3A_255 = arith.cmpi slt, %select_n3A_245, %lt3A_254 : i32
          %ne3A_256 = vector.broadcast %lt3A_255 : i1 to vector<16xi1>
          %ne3A_257 = vector.broadcast %ne3A_256 : vector<16xi1> to vector<16xi1>
          %ne3A_258 = arith.xori %lt3A_253, %ne3A_257 : vector<16xi1>
          %and3A_259 = arith.andi %ne3A_258, %ne3A_250 : vector<16xi1>
          %add3A_260 = vector.broadcast %select_n3A_245 : i32 to vector<16xi32>
          %add3A_261 = arith.addi %rem3A_247, %add3A_260 : vector<16xi32>
          %select_n3A_262 = arith.select %and3A_259, %add3A_261, %rem3A_247 : vector<16xi1>, vector<16xi32>
          %mul3A_263 = arith.constant 16 : i32
          %mul3A_264 = vector.broadcast %mul3A_263 : i32 to vector<16xi32>
          %mul3A_265 = arith.muli %select_n3A_262, %mul3A_264 : vector<16xi32>
          %broadcast_in_dim3A = arith.constant 0.000000e+00 : f32
          %broadcast_in_dim3A_266 = vector.broadcast %broadcast_in_dim3A : f32 to vector<16xf32>
          %add3A_267 = arith.constant 0 : i32
          %add3A_268 = vector.broadcast %add3A_267 : i32 to vector<16xi32>
          %add3A_269 = arith.addi %get3A_108, %add3A_268 : vector<16xi32>
          %gather3A_270 = tpu.vector_load_idx %arg10[%add3A_112, %add3A_269] : memref<128x128xf32, #tpu.memory_space<vmem>>[vector<16xi32>, vector<16xi32>], vector<16xf32>,
          %add3A_271 = arith.constant 0 : i32
          %add3A_272 = vector.broadcast %add3A_271 : i32 to vector<16xi32>
          %add3A_273 = arith.addi %mul3A_265, %add3A_272 : vector<16xi32>
          %gather3A_274 = tpu.vector_load_idx %arg12[%select_n3A_240, %add3A_273] : memref<512x128xf32, #tpu.memory_space<vmem>>[vector<16xi32>, vector<16xi32>], vector<16xf32>,
          %mul3A_275 = arith.mulf %gather3A_270, %gather3A_274 : vector<16xf32>
          %add3A_276 = arith.addf %broadcast_in_dim3A_266, %mul3A_275 : vector<16xf32>
          %add3A_277 = arith.constant 1 : i32
          %add3A_278 = vector.broadcast %add3A_277 : i32 to vector<16xi32>
          %add3A_279 = arith.addi %get3A_108, %add3A_278 : vector<16xi32>
          %gather3A_280 = tpu.vector_load_idx %arg10[%add3A_112, %add3A_279] : memref<128x128xf32, #tpu.memory_space<vmem>>[vector<16xi32>, vector<16xi32>], vector<16xf32>,
          %add3A_281 = arith.constant 1 : i32
          %add3A_282 = vector.broadcast %add3A_281 : i32 to vector<16xi32>
          %add3A_283 = arith.addi %mul3A_265, %add3A_282 : vector<16xi32>
          %gather3A_284 = tpu.vector_load_idx %arg12[%select_n3A_240, %add3A_283] : memref<512x128xf32, #tpu.memory_space<vmem>>[vector<16xi32>, vector<16xi32>], vector<16xf32>,
          %mul3A_285 = arith.mulf %gather3A_280, %gather3A_284 : vector<16xf32>
          %add3A_286 = arith.addf %add3A_276, %mul3A_285 : vector<16xf32>
          %add3A_287 = arith.constant 2 : i32
          %add3A_288 = vector.broadcast %add3A_287 : i32 to vector<16xi32>
          %add3A_289 = arith.addi %get3A_108, %add3A_288 : vector<16xi32>
          %gather3A_290 = tpu.vector_load_idx %arg10[%add3A_112, %add3A_289] : memref<128x128xf32, #tpu.memory_space<vmem>>[vector<16xi32>, vector<16xi32>], vector<16xf32>,
          %add3A_291 = arith.constant 2 : i32
          %add3A_292 = vector.broadcast %add3A_291 : i32 to vector<16xi32>
          %add3A_293 = arith.addi %mul3A_265, %add3A_292 : vector<16xi32>
          %gather3A_294 = tpu.vector_load_idx %arg12[%select_n3A_240, %add3A_293] : memref<512x128xf32, #tpu.memory_space<vmem>>[vector<16xi32>, vector<16xi32>], vector<16xf32>,
          %mul3A_295 = arith.mulf %gather3A_290, %gather3A_294 : vector<16xf32>
          %add3A_296 = arith.addf %add3A_286, %mul3A_295 : vector<16xf32>
          %add3A_297 = arith.constant 3 : i32
          %add3A_298 = vector.broadcast %add3A_297 : i32 to vector<16xi32>
          %add3A_299 = arith.addi %get3A_108, %add3A_298 : vector<16xi32>
          %gather3A_300 = tpu.vector_load_idx %arg10[%add3A_112, %add3A_299] : memref<128x128xf32, #tpu.memory_space<vmem>>[vector<16xi32>, vector<16xi32>], vector<16xf32>,
          %add3A_301 = arith.constant 3 : i32
          %add3A_302 = vector.broadcast %add3A_301 : i32 to vector<16xi32>
          %add3A_303 = arith.addi %mul3A_265, %add3A_302 : vector<16xi32>
          %gather3A_304 = tpu.vector_load_idx %arg12[%select_n3A_240, %add3A_303] : memref<512x128xf32, #tpu.memory_space<vmem>>[vector<16xi32>, vector<16xi32>], vector<16xf32>,
          %mul3A_305 = arith.mulf %gather3A_300, %gather3A_304 : vector<16xf32>
          %add3A_306 = arith.addf %add3A_296, %mul3A_305 : vector<16xf32>
          %add3A_307 = arith.constant 4 : i32
          %add3A_308 = vector.broadcast %add3A_307 : i32 to vector<16xi32>
          %add3A_309 = arith.addi %get3A_108, %add3A_308 : vector<16xi32>
          %gather3A_310 = tpu.vector_load_idx %arg10[%add3A_112, %add3A_309] : memref<128x128xf32, #tpu.memory_space<vmem>>[vector<16xi32>, vector<16xi32>], vector<16xf32>,
          %add3A_311 = arith.constant 4 : i32
          %add3A_312 = vector.broadcast %add3A_311 : i32 to vector<16xi32>
          %add3A_313 = arith.addi %mul3A_265, %add3A_312 : vector<16xi32>
          %gather3A_314 = tpu.vector_load_idx %arg12[%select_n3A_240, %add3A_313] : memref<512x128xf32, #tpu.memory_space<vmem>>[vector<16xi32>, vector<16xi32>], vector<16xf32>,
          %mul3A_315 = arith.mulf %gather3A_310, %gather3A_314 : vector<16xf32>
          %add3A_316 = arith.addf %add3A_306, %mul3A_315 : vector<16xf32>
          %add3A_317 = arith.constant 5 : i32
          %add3A_318 = vector.broadcast %add3A_317 : i32 to vector<16xi32>
          %add3A_319 = arith.addi %get3A_108, %add3A_318 : vector<16xi32>
          %gather3A_320 = tpu.vector_load_idx %arg10[%add3A_112, %add3A_319] : memref<128x128xf32, #tpu.memory_space<vmem>>[vector<16xi32>, vector<16xi32>], vector<16xf32>,
          %add3A_321 = arith.constant 5 : i32
          %add3A_322 = vector.broadcast %add3A_321 : i32 to vector<16xi32>
          %add3A_323 = arith.addi %mul3A_265, %add3A_322 : vector<16xi32>
          %gather3A_324 = tpu.vector_load_idx %arg12[%select_n3A_240, %add3A_323] : memref<512x128xf32, #tpu.memory_space<vmem>>[vector<16xi32>, vector<16xi32>], vector<16xf32>,
          %mul3A_325 = arith.mulf %gather3A_320, %gather3A_324 : vector<16xf32>
          %add3A_326 = arith.addf %add3A_316, %mul3A_325 : vector<16xf32>
          %add3A_327 = arith.constant 6 : i32
          %add3A_328 = vector.broadcast %add3A_327 : i32 to vector<16xi32>
          %add3A_329 = arith.addi %get3A_108, %add3A_328 : vector<16xi32>
          %gather3A_330 = tpu.vector_load_idx %arg10[%add3A_112, %add3A_329] : memref<128x128xf32, #tpu.memory_space<vmem>>[vector<16xi32>, vector<16xi32>], vector<16xf32>,
          %add3A_331 = arith.constant 6 : i32
          %add3A_332 = vector.broadcast %add3A_331 : i32 to vector<16xi32>
          %add3A_333 = arith.addi %mul3A_265, %add3A_332 : vector<16xi32>
          %gather3A_334 = tpu.vector_load_idx %arg12[%select_n3A_240, %add3A_333] : memref<512x128xf32, #tpu.memory_space<vmem>>[vector<16xi32>, vector<16xi32>], vector<16xf32>,
          %mul3A_335 = arith.mulf %gather3A_330, %gather3A_334 : vector<16xf32>
          %add3A_336 = arith.addf %add3A_326, %mul3A_335 : vector<16xf32>
          %add3A_337 = arith.constant 7 : i32
          %add3A_338 = vector.broadcast %add3A_337 : i32 to vector<16xi32>
          %add3A_339 = arith.addi %get3A_108, %add3A_338 : vector<16xi32>
          %gather3A_340 = tpu.vector_load_idx %arg10[%add3A_112, %add3A_339] : memref<128x128xf32, #tpu.memory_space<vmem>>[vector<16xi32>, vector<16xi32>], vector<16xf32>,
          %add3A_341 = arith.constant 7 : i32
          %add3A_342 = vector.broadcast %add3A_341 : i32 to vector<16xi32>
          %add3A_343 = arith.addi %mul3A_265, %add3A_342 : vector<16xi32>
          %gather3A_344 = tpu.vector_load_idx %arg12[%select_n3A_240, %add3A_343] : memref<512x128xf32, #tpu.memory_space<vmem>>[vector<16xi32>, vector<16xi32>], vector<16xf32>,
          %mul3A_345 = arith.mulf %gather3A_340, %gather3A_344 : vector<16xf32>
          %add3A_346 = arith.addf %add3A_336, %mul3A_345 : vector<16xf32>
          %add3A_347 = arith.constant 8 : i32
          %add3A_348 = vector.broadcast %add3A_347 : i32 to vector<16xi32>
          %add3A_349 = arith.addi %get3A_108, %add3A_348 : vector<16xi32>
          %gather3A_350 = tpu.vector_load_idx %arg10[%add3A_112, %add3A_349] : memref<128x128xf32, #tpu.memory_space<vmem>>[vector<16xi32>, vector<16xi32>], vector<16xf32>,
          %add3A_351 = arith.constant 8 : i32
          %add3A_352 = vector.broadcast %add3A_351 : i32 to vector<16xi32>
          %add3A_353 = arith.addi %mul3A_265, %add3A_352 : vector<16xi32>
          %gather3A_354 = tpu.vector_load_idx %arg12[%select_n3A_240, %add3A_353] : memref<512x128xf32, #tpu.memory_space<vmem>>[vector<16xi32>, vector<16xi32>], vector<16xf32>,
          %mul3A_355 = arith.mulf %gather3A_350, %gather3A_354 : vector<16xf32>
          %add3A_356 = arith.addf %add3A_346, %mul3A_355 : vector<16xf32>
          %add3A_357 = arith.constant 9 : i32
          %add3A_358 = vector.broadcast %add3A_357 : i32 to vector<16xi32>
          %add3A_359 = arith.addi %get3A_108, %add3A_358 : vector<16xi32>
          %gather3A_360 = tpu.vector_load_idx %arg10[%add3A_112, %add3A_359] : memref<128x128xf32, #tpu.memory_space<vmem>>[vector<16xi32>, vector<16xi32>], vector<16xf32>,
          %add3A_361 = arith.constant 9 : i32
          %add3A_362 = vector.broadcast %add3A_361 : i32 to vector<16xi32>
          %add3A_363 = arith.addi %mul3A_265, %add3A_362 : vector<16xi32>
          %gather3A_364 = tpu.vector_load_idx %arg12[%select_n3A_240, %add3A_363] : memref<512x128xf32, #tpu.memory_space<vmem>>[vector<16xi32>, vector<16xi32>], vector<16xf32>,
          %mul3A_365 = arith.mulf %gather3A_360, %gather3A_364 : vector<16xf32>
          %add3A_366 = arith.addf %add3A_356, %mul3A_365 : vector<16xf32>
          %add3A_367 = arith.constant 10 : i32
          %add3A_368 = vector.broadcast %add3A_367 : i32 to vector<16xi32>
          %add3A_369 = arith.addi %get3A_108, %add3A_368 : vector<16xi32>
          %gather3A_370 = tpu.vector_load_idx %arg10[%add3A_112, %add3A_369] : memref<128x128xf32, #tpu.memory_space<vmem>>[vector<16xi32>, vector<16xi32>], vector<16xf32>,
          %add3A_371 = arith.constant 10 : i32
          %add3A_372 = vector.broadcast %add3A_371 : i32 to vector<16xi32>
          %add3A_373 = arith.addi %mul3A_265, %add3A_372 : vector<16xi32>
          %gather3A_374 = tpu.vector_load_idx %arg12[%select_n3A_240, %add3A_373] : memref<512x128xf32, #tpu.memory_space<vmem>>[vector<16xi32>, vector<16xi32>], vector<16xf32>,
          %mul3A_375 = arith.mulf %gather3A_370, %gather3A_374 : vector<16xf32>
          %add3A_376 = arith.addf %add3A_366, %mul3A_375 : vector<16xf32>
          %add3A_377 = arith.constant 11 : i32
          %add3A_378 = vector.broadcast %add3A_377 : i32 to vector<16xi32>
          %add3A_379 = arith.addi %get3A_108, %add3A_378 : vector<16xi32>
          %gather3A_380 = tpu.vector_load_idx %arg10[%add3A_112, %add3A_379] : memref<128x128xf32, #tpu.memory_space<vmem>>[vector<16xi32>, vector<16xi32>], vector<16xf32>,
          %add3A_381 = arith.constant 11 : i32
          %add3A_382 = vector.broadcast %add3A_381 : i32 to vector<16xi32>
          %add3A_383 = arith.addi %mul3A_265, %add3A_382 : vector<16xi32>
          %gather3A_384 = tpu.vector_load_idx %arg12[%select_n3A_240, %add3A_383] : memref<512x128xf32, #tpu.memory_space<vmem>>[vector<16xi32>, vector<16xi32>], vector<16xf32>,
          %mul3A_385 = arith.mulf %gather3A_380, %gather3A_384 : vector<16xf32>
          %add3A_386 = arith.addf %add3A_376, %mul3A_385 : vector<16xf32>
          %add3A_387 = arith.constant 12 : i32
          %add3A_388 = vector.broadcast %add3A_387 : i32 to vector<16xi32>
          %add3A_389 = arith.addi %get3A_108, %add3A_388 : vector<16xi32>
          %gather3A_390 = tpu.vector_load_idx %arg10[%add3A_112, %add3A_389] : memref<128x128xf32, #tpu.memory_space<vmem>>[vector<16xi32>, vector<16xi32>], vector<16xf32>,
          %add3A_391 = arith.constant 12 : i32
          %add3A_392 = vector.broadcast %add3A_391 : i32 to vector<16xi32>
          %add3A_393 = arith.addi %mul3A_265, %add3A_392 : vector<16xi32>
          %gather3A_394 = tpu.vector_load_idx %arg12[%select_n3A_240, %add3A_393] : memref<512x128xf32, #tpu.memory_space<vmem>>[vector<16xi32>, vector<16xi32>], vector<16xf32>,
          %mul3A_395 = arith.mulf %gather3A_390, %gather3A_394 : vector<16xf32>
          %add3A_396 = arith.addf %add3A_386, %mul3A_395 : vector<16xf32>
          %add3A_397 = arith.constant 13 : i32
          %add3A_398 = vector.broadcast %add3A_397 : i32 to vector<16xi32>
          %add3A_399 = arith.addi %get3A_108, %add3A_398 : vector<16xi32>
          %gather3A_400 = tpu.vector_load_idx %arg10[%add3A_112, %add3A_399] : memref<128x128xf32, #tpu.memory_space<vmem>>[vector<16xi32>, vector<16xi32>], vector<16xf32>,
          %add3A_401 = arith.constant 13 : i32
          %add3A_402 = vector.broadcast %add3A_401 : i32 to vector<16xi32>
          %add3A_403 = arith.addi %mul3A_265, %add3A_402 : vector<16xi32>
          %gather3A_404 = tpu.vector_load_idx %arg12[%select_n3A_240, %add3A_403] : memref<512x128xf32, #tpu.memory_space<vmem>>[vector<16xi32>, vector<16xi32>], vector<16xf32>,
          %mul3A_405 = arith.mulf %gather3A_400, %gather3A_404 : vector<16xf32>
          %add3A_406 = arith.addf %add3A_396, %mul3A_405 : vector<16xf32>
          %add3A_407 = arith.constant 14 : i32
          %add3A_408 = vector.broadcast %add3A_407 : i32 to vector<16xi32>
          %add3A_409 = arith.addi %get3A_108, %add3A_408 : vector<16xi32>
          %gather3A_410 = tpu.vector_load_idx %arg10[%add3A_112, %add3A_409] : memref<128x128xf32, #tpu.memory_space<vmem>>[vector<16xi32>, vector<16xi32>], vector<16xf32>,
          %add3A_411 = arith.constant 14 : i32
          %add3A_412 = vector.broadcast %add3A_411 : i32 to vector<16xi32>
          %add3A_413 = arith.addi %mul3A_265, %add3A_412 : vector<16xi32>
          %gather3A_414 = tpu.vector_load_idx %arg12[%select_n3A_240, %add3A_413] : memref<512x128xf32, #tpu.memory_space<vmem>>[vector<16xi32>, vector<16xi32>], vector<16xf32>,
          %mul3A_415 = arith.mulf %gather3A_410, %gather3A_414 : vector<16xf32>
          %add3A_416 = arith.addf %add3A_406, %mul3A_415 : vector<16xf32>
          %add3A_417 = arith.constant 15 : i32
          %add3A_418 = vector.broadcast %add3A_417 : i32 to vector<16xi32>
          %add3A_419 = arith.addi %get3A_108, %add3A_418 : vector<16xi32>
          %gather3A_420 = tpu.vector_load_idx %arg10[%add3A_112, %add3A_419] : memref<128x128xf32, #tpu.memory_space<vmem>>[vector<16xi32>, vector<16xi32>], vector<16xf32>,
          %add3A_421 = arith.constant 15 : i32
          %add3A_422 = vector.broadcast %add3A_421 : i32 to vector<16xi32>
          %add3A_423 = arith.addi %mul3A_265, %add3A_422 : vector<16xi32>
          %gather3A_424 = tpu.vector_load_idx %arg12[%select_n3A_240, %add3A_423] : memref<512x128xf32, #tpu.memory_space<vmem>>[vector<16xi32>, vector<16xi32>], vector<16xf32>,
          %mul3A_425 = arith.mulf %gather3A_420, %gather3A_424 : vector<16xf32>
          %add3A_426 = arith.addf %add3A_416, %mul3A_425 : vector<16xf32>
          %swap3A = arith.index_cast %add3A_69 : i32 to index
          %swap3A_427 = tpu.vector_load %arg14[%swap3A] {strides = array<i32>} : memref<2688xf32, #tpu.memory_space<vmem>>, vector<16xf32>,
          tpu.vector_store %arg14[%swap3A], %add3A_426 {strides = array<i32>} : memref<2688xf32, #tpu.memory_space<vmem>>, vector<16xf32>,
        }
        %scan3A_63 = arith.constant 8 : i32
      } else {
      }
      %not3A_48 = arith.constant true
      %not3A_49 = arith.xori %eq3A_29, %not3A_48 : i1
      %convert_element_type3A_50 = arith.extui %not3A_49 : i1 to i32
      %cond3A_51 = arith.constant 0 : i32
      %cond3A_52 = arith.cmpi ne, %convert_element_type3A_50, %cond3A_51 : i32
      scf.if %cond3A_52 {
        %dma_wait3A = arith.constant 0 : i32
        %dma_wait3A_53 = tpu.memref_slice %arg8[%scan3A_18, %dma_wait3A] : memref<24x128xi32, #tpu.memory_space<vmem>> -> memref<1x128xi32, #tpu.memory_space<vmem>>
        %dma_wait3A_54 = tpu.memref_squeeze %dma_wait3A_53 : memref<1x128xi32, #tpu.memory_space<vmem>> -> memref<128xi32, #tpu.memory_space<vmem>>
        %dma_wait3A_55 = arith.constant 0 : i32
        %dma_wait3A_56 = arith.constant 0 : i32
        %dma_wait3A_57 = tpu.memref_slice %arg2[%dma_wait3A_55, %dma_wait3A_56] : memref<125000x128xf32, #tpu.memory_space<hbm>> -> memref<125000x128xf32, #tpu.memory_space<hbm>>
        tpu.wait_indirect_dma semaphore(%arg15 : memref<!tpu.dma_semaphore, #tpu.memory_space<semaphore_mem>>) src(%dma_wait3A_57 : memref<125000x128xf32, #tpu.memory_space<hbm>>) dst(%arg11 : memref<128x128xf32, #tpu.memory_space<vmem>>)
        %scan3A_58 = arith.constant 0 : i32
        %scan3A_59 = arith.constant 0 : i32
        %scan3A_60 = arith.constant 8 : i32
        %scan3A_61 = arith.addi %scan3A_59, %scan3A_60 : i32
        %scan3A_62 = arith.constant 1 : i32
        scf.for %scan3A_64 = %scan3A_59 to %scan3A_61 step %scan3A_62  : i32 {
          %mul3A_65 = arith.constant 128 : i32
          %mul3A_66 = arith.muli %scan3A_18, %mul3A_65 : i32
          %mul3A_67 = arith.constant 16 : i32
          %mul3A_68 = arith.muli %scan3A_64, %mul3A_67 : i32
          %add3A_69 = arith.addi %mul3A_66, %mul3A_68 : i32
          %jit3A_70 = arith.constant 128 : i32
          %div3A = arith.divsi %add3A_69, %jit3A_70 : i32
          %sign3A = arith.constant 0 : i32
          %sign3A_71 = arith.cmpi sgt, %add3A_69, %sign3A : i32
          %sign3A_72 = arith.extui %sign3A_71 : i1 to i32
          %sign3A_73 = arith.constant 0 : i32
          %sign3A_74 = arith.cmpi slt, %add3A_69, %sign3A_73 : i32
          %sign3A_75 = arith.extui %sign3A_74 : i1 to i32
          %sign3A_76 = arith.subi %sign3A_72, %sign3A_75 : i32
          %sign3A_77 = arith.constant 0 : i32
          %sign3A_78 = arith.cmpi sgt, %jit3A_70, %sign3A_77 : i32
          %sign3A_79 = arith.extui %sign3A_78 : i1 to i32
          %sign3A_80 = arith.constant 0 : i32
          %sign3A_81 = arith.cmpi slt, %jit3A_70, %sign3A_80 : i32
          %sign3A_82 = arith.extui %sign3A_81 : i1 to i32
          %sign3A_83 = arith.subi %sign3A_79, %sign3A_82 : i32
          %ne3A_84 = arith.cmpi ne, %sign3A_76, %sign3A_83 : i32
          %rem3A_85 = arith.remsi %add3A_69, %jit3A_70 : i32
          %ne3A_86 = arith.constant 0 : i32
          %ne3A_87 = arith.cmpi ne, %rem3A_85, %ne3A_86 : i32
          %and3A_88 = arith.andi %ne3A_84, %ne3A_87 : i1
          %sub3A = arith.constant 1 : i32
          %sub3A_89 = arith.subi %div3A, %sub3A : i32
          %select_n3A_90 = arith.select %and3A_88, %sub3A_89, %div3A : i32
          %jit3A_91 = arith.constant 128 : i32
          %eq3A_92 = arith.constant 0 : i32
          %eq3A_93 = arith.cmpi eq, %jit3A_91, %eq3A_92 : i32
          %jit3A_94 = arith.constant 1 : i32
          %select_n3A_95 = arith.select %eq3A_93, %jit3A_94, %jit3A_91 : i32
          %rem3A_96 = arith.remsi %add3A_69, %select_n3A_95 : i32
          %ne3A_97 = arith.constant 0 : i32
          %ne3A_98 = arith.cmpi ne, %rem3A_96, %ne3A_97 : i32
          %lt3A_99 = arith.constant 0 : i32
          %lt3A_100 = arith.cmpi slt, %rem3A_96, %lt3A_99 : i32
          %lt3A_101 = arith.constant 0 : i32
          %lt3A_102 = arith.cmpi slt, %select_n3A_95, %lt3A_101 : i32
          %ne3A_103 = arith.xori %lt3A_100, %lt3A_102 : i1
          %and3A_104 = arith.andi %ne3A_103, %ne3A_98 : i1
          %add3A_105 = arith.addi %rem3A_96, %select_n3A_95 : i32
          %select_n3A_106 = arith.select %and3A_104, %add3A_105, %rem3A_96 : i32
          %get3A = arith.index_cast %select_n3A_90 : i32 to index
          %get3A_107 = arith.index_cast %select_n3A_106 : i32 to index
          %get3A_108 = tpu.vector_load %arg9[%get3A, %get3A_107] {strides = array<i32>} : memref<24x128xi32, #tpu.memory_space<vmem>>, vector<16xi32>,
          %mul3A_109 = arith.constant 16 : i32
          %mul3A_110 = arith.muli %scan3A_64, %mul3A_109 : i32
          %add3A_111 = vector.broadcast %mul3A_110 : i32 to vector<16xi32>
          %add3A_112 = arith.addi %add3A_111, %iota3A : vector<16xi32>
          %add3A_113 = vector.broadcast %add3A_69 : i32 to vector<16xi32>
          %add3A_114 = arith.addi %add3A_113, %iota3A : vector<16xi32>
          %lt3A_115 = arith.constant 128 : i32
          %lt3A_116 = vector.broadcast %lt3A_115 : i32 to vector<16xi32>
          %lt3A_117 = arith.cmpi slt, %add3A_114, %lt3A_116 : vector<16xi32>
          %sub3A_118 = arith.constant 128 : i32
          %sub3A_119 = vector.broadcast %sub3A_118 : i32 to vector<16xi32>
          %sub3A_120 = arith.subi %add3A_114, %sub3A_119 : vector<16xi32>
          %jit3A_121 = arith.constant 20 : i32
          %div3A_122 = vector.broadcast %jit3A_121 : i32 to vector<16xi32>
          %div3A_123 = arith.divsi %sub3A_120, %div3A_122 : vector<16xi32>
          %sign3A_124 = arith.constant 0 : i32
          %sign3A_125 = vector.broadcast %sign3A_124 : i32 to vector<16xi32>
          %sign3A_126 = arith.cmpi sgt, %sub3A_120, %sign3A_125 : vector<16xi32>
          %sign3A_127 = arith.extui %sign3A_126 : vector<16xi1> to vector<16xi32>
          %sign3A_128 = arith.constant 0 : i32
          %sign3A_129 = vector.broadcast %sign3A_128 : i32 to vector<16xi32>
          %sign3A_130 = arith.cmpi slt, %sub3A_120, %sign3A_129 : vector<16xi32>
          %sign3A_131 = arith.extui %sign3A_130 : vector<16xi1> to vector<16xi32>
          %sign3A_132 = arith.subi %sign3A_127, %sign3A_131 : vector<16xi32>
          %sign3A_133 = arith.constant 0 : i32
          %sign3A_134 = arith.cmpi sgt, %jit3A_121, %sign3A_133 : i32
          %sign3A_135 = arith.extui %sign3A_134 : i1 to i32
          %sign3A_136 = arith.constant 0 : i32
          %sign3A_137 = arith.cmpi slt, %jit3A_121, %sign3A_136 : i32
          %sign3A_138 = arith.extui %sign3A_137 : i1 to i32
          %sign3A_139 = arith.subi %sign3A_135, %sign3A_138 : i32
          %ne3A_140 = vector.broadcast %sign3A_139 : i32 to vector<16xi32>
          %ne3A_141 = arith.cmpi ne, %sign3A_132, %ne3A_140 : vector<16xi32>
          %rem3A_142 = vector.broadcast %jit3A_121 : i32 to vector<16xi32>
          %rem3A_143 = arith.remsi %sub3A_120, %rem3A_142 : vector<16xi32>
          %ne3A_144 = arith.constant 0 : i32
          %ne3A_145 = vector.broadcast %ne3A_144 : i32 to vector<16xi32>
          %ne3A_146 = arith.cmpi ne, %rem3A_143, %ne3A_145 : vector<16xi32>
          %and3A_147 = arith.andi %ne3A_141, %ne3A_146 : vector<16xi1>
          %sub3A_148 = arith.constant 1 : i32
          %sub3A_149 = vector.broadcast %sub3A_148 : i32 to vector<16xi32>
          %sub3A_150 = arith.subi %div3A_123, %sub3A_149 : vector<16xi32>
          %select_n3A_151 = arith.select %and3A_147, %sub3A_150, %div3A_123 : vector<16xi1>, vector<16xi32>
          %select_n3A_152 = arith.select %lt3A_117, %add3A_114, %select_n3A_151 : vector<16xi1>, vector<16xi32>
          %mul3A_153 = arith.constant 128 : i32
          %mul3A_154 = arith.muli %add3A, %mul3A_153 : i32
          %add3A_155 = vector.broadcast %mul3A_154 : i32 to vector<16xi32>
          %add3A_156 = arith.addi %add3A_155, %select_n3A_152 : vector<16xi32>
          %jit3A_157 = arith.constant 128 : i32
          %div3A_158 = vector.broadcast %jit3A_157 : i32 to vector<16xi32>
          %div3A_159 = arith.divsi %add3A_156, %div3A_158 : vector<16xi32>
          %sign3A_160 = arith.constant 0 : i32
          %sign3A_161 = vector.broadcast %sign3A_160 : i32 to vector<16xi32>
          %sign3A_162 = arith.cmpi sgt, %add3A_156, %sign3A_161 : vector<16xi32>
          %sign3A_163 = arith.extui %sign3A_162 : vector<16xi1> to vector<16xi32>
          %sign3A_164 = arith.constant 0 : i32
          %sign3A_165 = vector.broadcast %sign3A_164 : i32 to vector<16xi32>
          %sign3A_166 = arith.cmpi slt, %add3A_156, %sign3A_165 : vector<16xi32>
          %sign3A_167 = arith.extui %sign3A_166 : vector<16xi1> to vector<16xi32>
          %sign3A_168 = arith.subi %sign3A_163, %sign3A_167 : vector<16xi32>
          %sign3A_169 = arith.constant 0 : i32
          %sign3A_170 = arith.cmpi sgt, %jit3A_157, %sign3A_169 : i32
          %sign3A_171 = arith.extui %sign3A_170 : i1 to i32
          %sign3A_172 = arith.constant 0 : i32
          %sign3A_173 = arith.cmpi slt, %jit3A_157, %sign3A_172 : i32
          %sign3A_174 = arith.extui %sign3A_173 : i1 to i32
          %sign3A_175 = arith.subi %sign3A_171, %sign3A_174 : i32
          %ne3A_176 = vector.broadcast %sign3A_175 : i32 to vector<16xi32>
          %ne3A_177 = arith.cmpi ne, %sign3A_168, %ne3A_176 : vector<16xi32>
          %rem3A_178 = vector.broadcast %jit3A_157 : i32 to vector<16xi32>
          %rem3A_179 = arith.remsi %add3A_156, %rem3A_178 : vector<16xi32>
          %ne3A_180 = arith.constant 0 : i32
          %ne3A_181 = vector.broadcast %ne3A_180 : i32 to vector<16xi32>
          %ne3A_182 = arith.cmpi ne, %rem3A_179, %ne3A_181 : vector<16xi32>
          %and3A_183 = arith.andi %ne3A_177, %ne3A_182 : vector<16xi1>
          %sub3A_184 = arith.constant 1 : i32
          %sub3A_185 = vector.broadcast %sub3A_184 : i32 to vector<16xi32>
          %sub3A_186 = arith.subi %div3A_159, %sub3A_185 : vector<16xi32>
          %select_n3A_187 = arith.select %and3A_183, %sub3A_186, %div3A_159 : vector<16xi1>, vector<16xi32>
          %jit3A_188 = arith.constant 128 : i32
          %eq3A_189 = arith.constant 0 : i32
          %eq3A_190 = arith.cmpi eq, %jit3A_188, %eq3A_189 : i32
          %jit3A_191 = arith.constant 1 : i32
          %select_n3A_192 = arith.select %eq3A_190, %jit3A_191, %jit3A_188 : i32
          %rem3A_193 = vector.broadcast %select_n3A_192 : i32 to vector<16xi32>
          %rem3A_194 = arith.remsi %add3A_156, %rem3A_193 : vector<16xi32>
          %ne3A_195 = arith.constant 0 : i32
          %ne3A_196 = vector.broadcast %ne3A_195 : i32 to vector<16xi32>
          %ne3A_197 = arith.cmpi ne, %rem3A_194, %ne3A_196 : vector<16xi32>
          %lt3A_198 = arith.constant 0 : i32
          %lt3A_199 = vector.broadcast %lt3A_198 : i32 to vector<16xi32>
          %lt3A_200 = arith.cmpi slt, %rem3A_194, %lt3A_199 : vector<16xi32>
          %lt3A_201 = arith.constant 0 : i32
          %lt3A_202 = arith.cmpi slt, %select_n3A_192, %lt3A_201 : i32
          %ne3A_203 = vector.broadcast %lt3A_202 : i1 to vector<16xi1>
          %ne3A_204 = vector.broadcast %ne3A_203 : vector<16xi1> to vector<16xi1>
          %ne3A_205 = arith.xori %lt3A_200, %ne3A_204 : vector<16xi1>
          %and3A_206 = arith.andi %ne3A_205, %ne3A_197 : vector<16xi1>
          %add3A_207 = vector.broadcast %select_n3A_192 : i32 to vector<16xi32>
          %add3A_208 = arith.addi %rem3A_194, %add3A_207 : vector<16xi32>
          %select_n3A_209 = arith.select %and3A_206, %add3A_208, %rem3A_194 : vector<16xi1>, vector<16xi32>
          %gather3A = tpu.vector_load_idx %arg13[%select_n3A_187, %select_n3A_209] : memref<32x128xi32, #tpu.memory_space<vmem>>[vector<16xi32>, vector<16xi32>], vector<16xi32>,
          %jit3A_210 = arith.constant 8 : i32
          %div3A_211 = vector.broadcast %jit3A_210 : i32 to vector<16xi32>
          %div3A_212 = arith.divsi %gather3A, %div3A_211 : vector<16xi32>
          %sign3A_213 = arith.constant 0 : i32
          %sign3A_214 = vector.broadcast %sign3A_213 : i32 to vector<16xi32>
          %sign3A_215 = arith.cmpi sgt, %gather3A, %sign3A_214 : vector<16xi32>
          %sign3A_216 = arith.extui %sign3A_215 : vector<16xi1> to vector<16xi32>
          %sign3A_217 = arith.constant 0 : i32
          %sign3A_218 = vector.broadcast %sign3A_217 : i32 to vector<16xi32>
          %sign3A_219 = arith.cmpi slt, %gather3A, %sign3A_218 : vector<16xi32>
          %sign3A_220 = arith.extui %sign3A_219 : vector<16xi1> to vector<16xi32>
          %sign3A_221 = arith.subi %sign3A_216, %sign3A_220 : vector<16xi32>
          %sign3A_222 = arith.constant 0 : i32
          %sign3A_223 = arith.cmpi sgt, %jit3A_210, %sign3A_222 : i32
          %sign3A_224 = arith.extui %sign3A_223 : i1 to i32
          %sign3A_225 = arith.constant 0 : i32
          %sign3A_226 = arith.cmpi slt, %jit3A_210, %sign3A_225 : i32
          %sign3A_227 = arith.extui %sign3A_226 : i1 to i32
          %sign3A_228 = arith.subi %sign3A_224, %sign3A_227 : i32
          %ne3A_229 = vector.broadcast %sign3A_228 : i32 to vector<16xi32>
          %ne3A_230 = arith.cmpi ne, %sign3A_221, %ne3A_229 : vector<16xi32>
          %rem3A_231 = vector.broadcast %jit3A_210 : i32 to vector<16xi32>
          %rem3A_232 = arith.remsi %gather3A, %rem3A_231 : vector<16xi32>
          %ne3A_233 = arith.constant 0 : i32
          %ne3A_234 = vector.broadcast %ne3A_233 : i32 to vector<16xi32>
          %ne3A_235 = arith.cmpi ne, %rem3A_232, %ne3A_234 : vector<16xi32>
          %and3A_236 = arith.andi %ne3A_230, %ne3A_235 : vector<16xi1>
          %sub3A_237 = arith.constant 1 : i32
          %sub3A_238 = vector.broadcast %sub3A_237 : i32 to vector<16xi32>
          %sub3A_239 = arith.subi %div3A_212, %sub3A_238 : vector<16xi32>
          %select_n3A_240 = arith.select %and3A_236, %sub3A_239, %div3A_212 : vector<16xi1>, vector<16xi32>
          %jit3A_241 = arith.constant 8 : i32
          %eq3A_242 = arith.constant 0 : i32
          %eq3A_243 = arith.cmpi eq, %jit3A_241, %eq3A_242 : i32
          %jit3A_244 = arith.constant 1 : i32
          %select_n3A_245 = arith.select %eq3A_243, %jit3A_244, %jit3A_241 : i32
          %rem3A_246 = vector.broadcast %select_n3A_245 : i32 to vector<16xi32>
          %rem3A_247 = arith.remsi %gather3A, %rem3A_246 : vector<16xi32>
          %ne3A_248 = arith.constant 0 : i32
          %ne3A_249 = vector.broadcast %ne3A_248 : i32 to vector<16xi32>
          %ne3A_250 = arith.cmpi ne, %rem3A_247, %ne3A_249 : vector<16xi32>
          %lt3A_251 = arith.constant 0 : i32
          %lt3A_252 = vector.broadcast %lt3A_251 : i32 to vector<16xi32>
          %lt3A_253 = arith.cmpi slt, %rem3A_247, %lt3A_252 : vector<16xi32>
          %lt3A_254 = arith.constant 0 : i32
          %lt3A_255 = arith.cmpi slt, %select_n3A_245, %lt3A_254 : i32
          %ne3A_256 = vector.broadcast %lt3A_255 : i1 to vector<16xi1>
          %ne3A_257 = vector.broadcast %ne3A_256 : vector<16xi1> to vector<16xi1>
          %ne3A_258 = arith.xori %lt3A_253, %ne3A_257 : vector<16xi1>
          %and3A_259 = arith.andi %ne3A_258, %ne3A_250 : vector<16xi1>
          %add3A_260 = vector.broadcast %select_n3A_245 : i32 to vector<16xi32>
          %add3A_261 = arith.addi %rem3A_247, %add3A_260 : vector<16xi32>
          %select_n3A_262 = arith.select %and3A_259, %add3A_261, %rem3A_247 : vector<16xi1>, vector<16xi32>
          %mul3A_263 = arith.constant 16 : i32
          %mul3A_264 = vector.broadcast %mul3A_263 : i32 to vector<16xi32>
          %mul3A_265 = arith.muli %select_n3A_262, %mul3A_264 : vector<16xi32>
          %broadcast_in_dim3A = arith.constant 0.000000e+00 : f32
          %broadcast_in_dim3A_266 = vector.broadcast %broadcast_in_dim3A : f32 to vector<16xf32>
          %add3A_267 = arith.constant 0 : i32
          %add3A_268 = vector.broadcast %add3A_267 : i32 to vector<16xi32>
          %add3A_269 = arith.addi %get3A_108, %add3A_268 : vector<16xi32>
          %gather3A_270 = tpu.vector_load_idx %arg11[%add3A_112, %add3A_269] : memref<128x128xf32, #tpu.memory_space<vmem>>[vector<16xi32>, vector<16xi32>], vector<16xf32>,
          %add3A_271 = arith.constant 0 : i32
          %add3A_272 = vector.broadcast %add3A_271 : i32 to vector<16xi32>
          %add3A_273 = arith.addi %mul3A_265, %add3A_272 : vector<16xi32>
          %gather3A_274 = tpu.vector_load_idx %arg12[%select_n3A_240, %add3A_273] : memref<512x128xf32, #tpu.memory_space<vmem>>[vector<16xi32>, vector<16xi32>], vector<16xf32>,
          %mul3A_275 = arith.mulf %gather3A_270, %gather3A_274 : vector<16xf32>
          %add3A_276 = arith.addf %broadcast_in_dim3A_266, %mul3A_275 : vector<16xf32>
          %add3A_277 = arith.constant 1 : i32
          %add3A_278 = vector.broadcast %add3A_277 : i32 to vector<16xi32>
          %add3A_279 = arith.addi %get3A_108, %add3A_278 : vector<16xi32>
          %gather3A_280 = tpu.vector_load_idx %arg11[%add3A_112, %add3A_279] : memref<128x128xf32, #tpu.memory_space<vmem>>[vector<16xi32>, vector<16xi32>], vector<16xf32>,
          %add3A_281 = arith.constant 1 : i32
          %add3A_282 = vector.broadcast %add3A_281 : i32 to vector<16xi32>
          %add3A_283 = arith.addi %mul3A_265, %add3A_282 : vector<16xi32>
          %gather3A_284 = tpu.vector_load_idx %arg12[%select_n3A_240, %add3A_283] : memref<512x128xf32, #tpu.memory_space<vmem>>[vector<16xi32>, vector<16xi32>], vector<16xf32>,
          %mul3A_285 = arith.mulf %gather3A_280, %gather3A_284 : vector<16xf32>
          %add3A_286 = arith.addf %add3A_276, %mul3A_285 : vector<16xf32>
          %add3A_287 = arith.constant 2 : i32
          %add3A_288 = vector.broadcast %add3A_287 : i32 to vector<16xi32>
          %add3A_289 = arith.addi %get3A_108, %add3A_288 : vector<16xi32>
          %gather3A_290 = tpu.vector_load_idx %arg11[%add3A_112, %add3A_289] : memref<128x128xf32, #tpu.memory_space<vmem>>[vector<16xi32>, vector<16xi32>], vector<16xf32>,
          %add3A_291 = arith.constant 2 : i32
          %add3A_292 = vector.broadcast %add3A_291 : i32 to vector<16xi32>
          %add3A_293 = arith.addi %mul3A_265, %add3A_292 : vector<16xi32>
          %gather3A_294 = tpu.vector_load_idx %arg12[%select_n3A_240, %add3A_293] : memref<512x128xf32, #tpu.memory_space<vmem>>[vector<16xi32>, vector<16xi32>], vector<16xf32>,
          %mul3A_295 = arith.mulf %gather3A_290, %gather3A_294 : vector<16xf32>
          %add3A_296 = arith.addf %add3A_286, %mul3A_295 : vector<16xf32>
          %add3A_297 = arith.constant 3 : i32
          %add3A_298 = vector.broadcast %add3A_297 : i32 to vector<16xi32>
          %add3A_299 = arith.addi %get3A_108, %add3A_298 : vector<16xi32>
          %gather3A_300 = tpu.vector_load_idx %arg11[%add3A_112, %add3A_299] : memref<128x128xf32, #tpu.memory_space<vmem>>[vector<16xi32>, vector<16xi32>], vector<16xf32>,
          %add3A_301 = arith.constant 3 : i32
          %add3A_302 = vector.broadcast %add3A_301 : i32 to vector<16xi32>
          %add3A_303 = arith.addi %mul3A_265, %add3A_302 : vector<16xi32>
          %gather3A_304 = tpu.vector_load_idx %arg12[%select_n3A_240, %add3A_303] : memref<512x128xf32, #tpu.memory_space<vmem>>[vector<16xi32>, vector<16xi32>], vector<16xf32>,
          %mul3A_305 = arith.mulf %gather3A_300, %gather3A_304 : vector<16xf32>
          %add3A_306 = arith.addf %add3A_296, %mul3A_305 : vector<16xf32>
          %add3A_307 = arith.constant 4 : i32
          %add3A_308 = vector.broadcast %add3A_307 : i32 to vector<16xi32>
          %add3A_309 = arith.addi %get3A_108, %add3A_308 : vector<16xi32>
          %gather3A_310 = tpu.vector_load_idx %arg11[%add3A_112, %add3A_309] : memref<128x128xf32, #tpu.memory_space<vmem>>[vector<16xi32>, vector<16xi32>], vector<16xf32>,
          %add3A_311 = arith.constant 4 : i32
          %add3A_312 = vector.broadcast %add3A_311 : i32 to vector<16xi32>
          %add3A_313 = arith.addi %mul3A_265, %add3A_312 : vector<16xi32>
          %gather3A_314 = tpu.vector_load_idx %arg12[%select_n3A_240, %add3A_313] : memref<512x128xf32, #tpu.memory_space<vmem>>[vector<16xi32>, vector<16xi32>], vector<16xf32>,
          %mul3A_315 = arith.mulf %gather3A_310, %gather3A_314 : vector<16xf32>
          %add3A_316 = arith.addf %add3A_306, %mul3A_315 : vector<16xf32>
          %add3A_317 = arith.constant 5 : i32
          %add3A_318 = vector.broadcast %add3A_317 : i32 to vector<16xi32>
          %add3A_319 = arith.addi %get3A_108, %add3A_318 : vector<16xi32>
          %gather3A_320 = tpu.vector_load_idx %arg11[%add3A_112, %add3A_319] : memref<128x128xf32, #tpu.memory_space<vmem>>[vector<16xi32>, vector<16xi32>], vector<16xf32>,
          %add3A_321 = arith.constant 5 : i32
          %add3A_322 = vector.broadcast %add3A_321 : i32 to vector<16xi32>
          %add3A_323 = arith.addi %mul3A_265, %add3A_322 : vector<16xi32>
          %gather3A_324 = tpu.vector_load_idx %arg12[%select_n3A_240, %add3A_323] : memref<512x128xf32, #tpu.memory_space<vmem>>[vector<16xi32>, vector<16xi32>], vector<16xf32>,
          %mul3A_325 = arith.mulf %gather3A_320, %gather3A_324 : vector<16xf32>
          %add3A_326 = arith.addf %add3A_316, %mul3A_325 : vector<16xf32>
          %add3A_327 = arith.constant 6 : i32
          %add3A_328 = vector.broadcast %add3A_327 : i32 to vector<16xi32>
          %add3A_329 = arith.addi %get3A_108, %add3A_328 : vector<16xi32>
          %gather3A_330 = tpu.vector_load_idx %arg11[%add3A_112, %add3A_329] : memref<128x128xf32, #tpu.memory_space<vmem>>[vector<16xi32>, vector<16xi32>], vector<16xf32>,
          %add3A_331 = arith.constant 6 : i32
          %add3A_332 = vector.broadcast %add3A_331 : i32 to vector<16xi32>
          %add3A_333 = arith.addi %mul3A_265, %add3A_332 : vector<16xi32>
          %gather3A_334 = tpu.vector_load_idx %arg12[%select_n3A_240, %add3A_333] : memref<512x128xf32, #tpu.memory_space<vmem>>[vector<16xi32>, vector<16xi32>], vector<16xf32>,
          %mul3A_335 = arith.mulf %gather3A_330, %gather3A_334 : vector<16xf32>
          %add3A_336 = arith.addf %add3A_326, %mul3A_335 : vector<16xf32>
          %add3A_337 = arith.constant 7 : i32
          %add3A_338 = vector.broadcast %add3A_337 : i32 to vector<16xi32>
          %add3A_339 = arith.addi %get3A_108, %add3A_338 : vector<16xi32>
          %gather3A_340 = tpu.vector_load_idx %arg11[%add3A_112, %add3A_339] : memref<128x128xf32, #tpu.memory_space<vmem>>[vector<16xi32>, vector<16xi32>], vector<16xf32>,
          %add3A_341 = arith.constant 7 : i32
          %add3A_342 = vector.broadcast %add3A_341 : i32 to vector<16xi32>
          %add3A_343 = arith.addi %mul3A_265, %add3A_342 : vector<16xi32>
          %gather3A_344 = tpu.vector_load_idx %arg12[%select_n3A_240, %add3A_343] : memref<512x128xf32, #tpu.memory_space<vmem>>[vector<16xi32>, vector<16xi32>], vector<16xf32>,
          %mul3A_345 = arith.mulf %gather3A_340, %gather3A_344 : vector<16xf32>
          %add3A_346 = arith.addf %add3A_336, %mul3A_345 : vector<16xf32>
          %add3A_347 = arith.constant 8 : i32
          %add3A_348 = vector.broadcast %add3A_347 : i32 to vector<16xi32>
          %add3A_349 = arith.addi %get3A_108, %add3A_348 : vector<16xi32>
          %gather3A_350 = tpu.vector_load_idx %arg11[%add3A_112, %add3A_349] : memref<128x128xf32, #tpu.memory_space<vmem>>[vector<16xi32>, vector<16xi32>], vector<16xf32>,
          %add3A_351 = arith.constant 8 : i32
          %add3A_352 = vector.broadcast %add3A_351 : i32 to vector<16xi32>
          %add3A_353 = arith.addi %mul3A_265, %add3A_352 : vector<16xi32>
          %gather3A_354 = tpu.vector_load_idx %arg12[%select_n3A_240, %add3A_353] : memref<512x128xf32, #tpu.memory_space<vmem>>[vector<16xi32>, vector<16xi32>], vector<16xf32>,
          %mul3A_355 = arith.mulf %gather3A_350, %gather3A_354 : vector<16xf32>
          %add3A_356 = arith.addf %add3A_346, %mul3A_355 : vector<16xf32>
          %add3A_357 = arith.constant 9 : i32
          %add3A_358 = vector.broadcast %add3A_357 : i32 to vector<16xi32>
          %add3A_359 = arith.addi %get3A_108, %add3A_358 : vector<16xi32>
          %gather3A_360 = tpu.vector_load_idx %arg11[%add3A_112, %add3A_359] : memref<128x128xf32, #tpu.memory_space<vmem>>[vector<16xi32>, vector<16xi32>], vector<16xf32>,
          %add3A_361 = arith.constant 9 : i32
          %add3A_362 = vector.broadcast %add3A_361 : i32 to vector<16xi32>
          %add3A_363 = arith.addi %mul3A_265, %add3A_362 : vector<16xi32>
          %gather3A_364 = tpu.vector_load_idx %arg12[%select_n3A_240, %add3A_363] : memref<512x128xf32, #tpu.memory_space<vmem>>[vector<16xi32>, vector<16xi32>], vector<16xf32>,
          %mul3A_365 = arith.mulf %gather3A_360, %gather3A_364 : vector<16xf32>
          %add3A_366 = arith.addf %add3A_356, %mul3A_365 : vector<16xf32>
          %add3A_367 = arith.constant 10 : i32
          %add3A_368 = vector.broadcast %add3A_367 : i32 to vector<16xi32>
          %add3A_369 = arith.addi %get3A_108, %add3A_368 : vector<16xi32>
          %gather3A_370 = tpu.vector_load_idx %arg11[%add3A_112, %add3A_369] : memref<128x128xf32, #tpu.memory_space<vmem>>[vector<16xi32>, vector<16xi32>], vector<16xf32>,
          %add3A_371 = arith.constant 10 : i32
          %add3A_372 = vector.broadcast %add3A_371 : i32 to vector<16xi32>
          %add3A_373 = arith.addi %mul3A_265, %add3A_372 : vector<16xi32>
          %gather3A_374 = tpu.vector_load_idx %arg12[%select_n3A_240, %add3A_373] : memref<512x128xf32, #tpu.memory_space<vmem>>[vector<16xi32>, vector<16xi32>], vector<16xf32>,
          %mul3A_375 = arith.mulf %gather3A_370, %gather3A_374 : vector<16xf32>
          %add3A_376 = arith.addf %add3A_366, %mul3A_375 : vector<16xf32>
          %add3A_377 = arith.constant 11 : i32
          %add3A_378 = vector.broadcast %add3A_377 : i32 to vector<16xi32>
          %add3A_379 = arith.addi %get3A_108, %add3A_378 : vector<16xi32>
          %gather3A_380 = tpu.vector_load_idx %arg11[%add3A_112, %add3A_379] : memref<128x128xf32, #tpu.memory_space<vmem>>[vector<16xi32>, vector<16xi32>], vector<16xf32>,
          %add3A_381 = arith.constant 11 : i32
          %add3A_382 = vector.broadcast %add3A_381 : i32 to vector<16xi32>
          %add3A_383 = arith.addi %mul3A_265, %add3A_382 : vector<16xi32>
          %gather3A_384 = tpu.vector_load_idx %arg12[%select_n3A_240, %add3A_383] : memref<512x128xf32, #tpu.memory_space<vmem>>[vector<16xi32>, vector<16xi32>], vector<16xf32>,
          %mul3A_385 = arith.mulf %gather3A_380, %gather3A_384 : vector<16xf32>
          %add3A_386 = arith.addf %add3A_376, %mul3A_385 : vector<16xf32>
          %add3A_387 = arith.constant 12 : i32
          %add3A_388 = vector.broadcast %add3A_387 : i32 to vector<16xi32>
          %add3A_389 = arith.addi %get3A_108, %add3A_388 : vector<16xi32>
          %gather3A_390 = tpu.vector_load_idx %arg11[%add3A_112, %add3A_389] : memref<128x128xf32, #tpu.memory_space<vmem>>[vector<16xi32>, vector<16xi32>], vector<16xf32>,
          %add3A_391 = arith.constant 12 : i32
          %add3A_392 = vector.broadcast %add3A_391 : i32 to vector<16xi32>
          %add3A_393 = arith.addi %mul3A_265, %add3A_392 : vector<16xi32>
          %gather3A_394 = tpu.vector_load_idx %arg12[%select_n3A_240, %add3A_393] : memref<512x128xf32, #tpu.memory_space<vmem>>[vector<16xi32>, vector<16xi32>], vector<16xf32>,
          %mul3A_395 = arith.mulf %gather3A_390, %gather3A_394 : vector<16xf32>
          %add3A_396 = arith.addf %add3A_386, %mul3A_395 : vector<16xf32>
          %add3A_397 = arith.constant 13 : i32
          %add3A_398 = vector.broadcast %add3A_397 : i32 to vector<16xi32>
          %add3A_399 = arith.addi %get3A_108, %add3A_398 : vector<16xi32>
          %gather3A_400 = tpu.vector_load_idx %arg11[%add3A_112, %add3A_399] : memref<128x128xf32, #tpu.memory_space<vmem>>[vector<16xi32>, vector<16xi32>], vector<16xf32>,
          %add3A_401 = arith.constant 13 : i32
          %add3A_402 = vector.broadcast %add3A_401 : i32 to vector<16xi32>
          %add3A_403 = arith.addi %mul3A_265, %add3A_402 : vector<16xi32>
          %gather3A_404 = tpu.vector_load_idx %arg12[%select_n3A_240, %add3A_403] : memref<512x128xf32, #tpu.memory_space<vmem>>[vector<16xi32>, vector<16xi32>], vector<16xf32>,
          %mul3A_405 = arith.mulf %gather3A_400, %gather3A_404 : vector<16xf32>
          %add3A_406 = arith.addf %add3A_396, %mul3A_405 : vector<16xf32>
          %add3A_407 = arith.constant 14 : i32
          %add3A_408 = vector.broadcast %add3A_407 : i32 to vector<16xi32>
          %add3A_409 = arith.addi %get3A_108, %add3A_408 : vector<16xi32>
          %gather3A_410 = tpu.vector_load_idx %arg11[%add3A_112, %add3A_409] : memref<128x128xf32, #tpu.memory_space<vmem>>[vector<16xi32>, vector<16xi32>], vector<16xf32>,
          %add3A_411 = arith.constant 14 : i32
          %add3A_412 = vector.broadcast %add3A_411 : i32 to vector<16xi32>
          %add3A_413 = arith.addi %mul3A_265, %add3A_412 : vector<16xi32>
          %gather3A_414 = tpu.vector_load_idx %arg12[%select_n3A_240, %add3A_413] : memref<512x128xf32, #tpu.memory_space<vmem>>[vector<16xi32>, vector<16xi32>], vector<16xf32>,
          %mul3A_415 = arith.mulf %gather3A_410, %gather3A_414 : vector<16xf32>
          %add3A_416 = arith.addf %add3A_406, %mul3A_415 : vector<16xf32>
          %add3A_417 = arith.constant 15 : i32
          %add3A_418 = vector.broadcast %add3A_417 : i32 to vector<16xi32>
          %add3A_419 = arith.addi %get3A_108, %add3A_418 : vector<16xi32>
          %gather3A_420 = tpu.vector_load_idx %arg11[%add3A_112, %add3A_419] : memref<128x128xf32, #tpu.memory_space<vmem>>[vector<16xi32>, vector<16xi32>], vector<16xf32>,
          %add3A_421 = arith.constant 15 : i32
          %add3A_422 = vector.broadcast %add3A_421 : i32 to vector<16xi32>
          %add3A_423 = arith.addi %mul3A_265, %add3A_422 : vector<16xi32>
          %gather3A_424 = tpu.vector_load_idx %arg12[%select_n3A_240, %add3A_423] : memref<512x128xf32, #tpu.memory_space<vmem>>[vector<16xi32>, vector<16xi32>], vector<16xf32>,
          %mul3A_425 = arith.mulf %gather3A_420, %gather3A_424 : vector<16xf32>
          %add3A_426 = arith.addf %add3A_416, %mul3A_425 : vector<16xf32>
          %swap3A = arith.index_cast %add3A_69 : i32 to index
          %swap3A_427 = tpu.vector_load %arg14[%swap3A] {strides = array<i32>} : memref<2688xf32, #tpu.memory_space<vmem>>, vector<16xf32>,
          tpu.vector_store %arg14[%swap3A], %add3A_426 {strides = array<i32>} : memref<2688xf32, #tpu.memory_space<vmem>>, vector<16xf32>,
        }
        %scan3A_63 = arith.constant 8 : i32
      } else {
      }
    }
    %scan3A_11 = arith.constant 21 : i32
    %mul3A_12 = arith.constant 128 : i32
    %mul3A_13 = arith.muli %add3A, %mul3A_12 : i32
    "tpu.region"() ({
      %run_scoped3A = tpu.sem_alloc : memref<!tpu.dma_semaphore, #tpu.memory_space<semaphore_mem>>
      %dma_start3A_18 = arith.constant 0 : i32
      %dma_start3A_19 = tpu.memref_slice %arg14[%dma_start3A_18] : memref<2688xf32, #tpu.memory_space<vmem>> -> memref<128xf32, #tpu.memory_space<vmem>>
      %dma_start3A_20 = tpu.memref_slice %arg7[%mul3A_13] : memref<86016xf32, #tpu.memory_space<hbm>> -> memref<128xf32, #tpu.memory_space<hbm>>
      %dma_start3A_21 = tpu.memref_slice %arg7[%mul3A_13] : memref<86016xf32, #tpu.memory_space<hbm>> -> memref<128xf32, #tpu.memory_space<hbm>>
      %dma_start3A_22 = arith.constant 0 : i32
      %dma_start3A_23 = tpu.memref_slice %arg14[%dma_start3A_22] : memref<2688xf32, #tpu.memory_space<vmem>> -> memref<128xf32, #tpu.memory_space<vmem>>
      tpu.enqueue_dma source(%dma_start3A_23 : memref<128xf32, #tpu.memory_space<vmem>>) target(%dma_start3A_21 : memref<128xf32, #tpu.memory_space<hbm>>) target_semaphore(%run_scoped3A : memref<!tpu.dma_semaphore, #tpu.memory_space<semaphore_mem>>)
      %dma_wait3A = arith.constant 0 : i32
      %dma_wait3A_24 = tpu.memref_slice %arg14[%dma_wait3A] : memref<2688xf32, #tpu.memory_space<vmem>> -> memref<128xf32, #tpu.memory_space<vmem>>
      %dma_wait3A_25 = tpu.memref_slice %arg7[%mul3A_13] : memref<86016xf32, #tpu.memory_space<hbm>> -> memref<128xf32, #tpu.memory_space<hbm>>
      %dma_wait3A_26 = tpu.memref_slice %arg7[%mul3A_13] : memref<86016xf32, #tpu.memory_space<hbm>> -> memref<128xf32, #tpu.memory_space<hbm>>
      %dma_wait3A_27 = arith.constant 0 : i32
      %dma_wait3A_28 = tpu.memref_slice %arg14[%dma_wait3A_27] : memref<2688xf32, #tpu.memory_space<vmem>> -> memref<128xf32, #tpu.memory_space<vmem>>
      tpu.wait_dma2 semaphore(%run_scoped3A : memref<!tpu.dma_semaphore, #tpu.memory_space<semaphore_mem>>) src(%dma_wait3A_28 : memref<128xf32, #tpu.memory_space<vmem>>) dst(%dma_wait3A_26 : memref<128xf32, #tpu.memory_space<hbm>>)
      tpu.yield
    }) : () -> ()
    %mul3A_14 = arith.constant 2560 : i32
    %mul3A_15 = arith.muli %add3A, %mul3A_14 : i32
    %add3A_16 = arith.constant 4096 : i32
    %add3A_17 = arith.addi %add3A_16, %mul3A_15 : i32
    "tpu.region"() ({
      %run_scoped3A = tpu.sem_alloc : memref<!tpu.dma_semaphore, #tpu.memory_space<semaphore_mem>>
      %dma_start3A_18 = arith.constant 128 : i32
      %dma_start3A_19 = tpu.memref_slice %arg14[%dma_start3A_18] : memref<2688xf32, #tpu.memory_space<vmem>> -> memref<2560xf32, #tpu.memory_space<vmem>>
      %dma_start3A_20 = tpu.memref_slice %arg7[%add3A_17] : memref<86016xf32, #tpu.memory_space<hbm>> -> memref<2560xf32, #tpu.memory_space<hbm>>
      %dma_start3A_21 = tpu.memref_slice %arg7[%add3A_17] : memref<86016xf32, #tpu.memory_space<hbm>> -> memref<2560xf32, #tpu.memory_space<hbm>>
      %dma_start3A_22 = arith.constant 128 : i32
      %dma_start3A_23 = tpu.memref_slice %arg14[%dma_start3A_22] : memref<2688xf32, #tpu.memory_space<vmem>> -> memref<2560xf32, #tpu.memory_space<vmem>>
      tpu.enqueue_dma source(%dma_start3A_23 : memref<2560xf32, #tpu.memory_space<vmem>>) target(%dma_start3A_21 : memref<2560xf32, #tpu.memory_space<hbm>>) target_semaphore(%run_scoped3A : memref<!tpu.dma_semaphore, #tpu.memory_space<semaphore_mem>>)
      %dma_wait3A = arith.constant 128 : i32
      %dma_wait3A_24 = tpu.memref_slice %arg14[%dma_wait3A] : memref<2688xf32, #tpu.memory_space<vmem>> -> memref<2560xf32, #tpu.memory_space<vmem>>
      %dma_wait3A_25 = tpu.memref_slice %arg7[%add3A_17] : memref<86016xf32, #tpu.memory_space<hbm>> -> memref<2560xf32, #tpu.memory_space<hbm>>
      %dma_wait3A_26 = tpu.memref_slice %arg7[%add3A_17] : memref<86016xf32, #tpu.memory_space<hbm>> -> memref<2560xf32, #tpu.memory_space<hbm>>
      %dma_wait3A_27 = arith.constant 128 : i32
      %dma_wait3A_28 = tpu.memref_slice %arg14[%dma_wait3A_27] : memref<2688xf32, #tpu.memory_space<vmem>> -> memref<2560xf32, #tpu.memory_space<vmem>>
      tpu.wait_dma2 semaphore(%run_scoped3A : memref<!tpu.dma_semaphore, #tpu.memory_space<semaphore_mem>>) src(%dma_wait3A_28 : memref<2560xf32, #tpu.memory_space<vmem>>) dst(%dma_wait3A_26 : memref<2560xf32, #tpu.memory_space<hbm>>)
      tpu.yield
    }) : () -> ()
    return
  }
}

#map = affine_map<(d0, d1) -> (0, 0)>
#map1 = affine_map<(d0, d1) -> (0, 0, 0)>
module attributes {stable_mosaic.version = 14 : i64} {
  func.func @_build_cent(%arg0: i32, %arg1: i32, %arg2: memref<16x1000000xf32, #tpu.memory_space<hbm>>, %arg3: memref<16x64xf32, #tpu.memory_space<hbm>>, %arg4: memref<32x1x128xi32, #tpu.memory_space<hbm>>, %arg5: memref<512x128xf32, #tpu.memory_space<hbm>>, %arg6: memref<1x128xi32, #tpu.memory_space<vmem>>, %arg7: memref<16x2048xf32, #tpu.memory_space<vmem>>, %arg8: memref<16x64xf32, #tpu.memory_space<vmem>>, %arg9: memref<16x128xf32, #tpu.memory_space<vmem>>) attributes {dimension_semantics = [#tpu.dimension_semantics<core_parallel>, #tpu.dimension_semantics<subcore_parallel>], iteration_bounds = array<i64: 2, 16>, scalar_prefetch = 0 : i64, scratch_operands = 4 : i64, tpu.core_type = #tpu.core_type<sc_vector_subcore>, window_params = [{transform_indices = #map}, {transform_indices = #map}, {transform_indices = #map1}, {transform_indices = #map}]} {
    %mul3A = arith.constant 2 : i32
    %mul3A_0 = arith.muli %arg1, %mul3A : i32
    %add3A = arith.addi %mul3A_0, %arg0 : i32
    "tpu.region"() ({
      %run_scoped3A = tpu.sem_alloc : memref<!tpu.dma_semaphore, #tpu.memory_space<semaphore_mem>>
      %dma_start3A = arith.constant 0 : i32
      %dma_start3A_9 = arith.constant 0 : i32
      %dma_start3A_10 = tpu.memref_slice %arg4[%add3A, %dma_start3A, %dma_start3A_9] : memref<32x1x128xi32, #tpu.memory_space<hbm>> -> memref<1x1x128xi32, #tpu.memory_space<hbm>>
      %dma_start3A_11 = tpu.memref_squeeze %dma_start3A_10 : memref<1x1x128xi32, #tpu.memory_space<hbm>> -> memref<1x128xi32, #tpu.memory_space<hbm>>
      %dma_start3A_12 = arith.constant 0 : i32
      %dma_start3A_13 = arith.constant 0 : i32
      %dma_start3A_14 = tpu.memref_slice %arg4[%add3A, %dma_start3A_12, %dma_start3A_13] : memref<32x1x128xi32, #tpu.memory_space<hbm>> -> memref<1x1x128xi32, #tpu.memory_space<hbm>>
      %dma_start3A_15 = tpu.memref_squeeze %dma_start3A_14 : memref<1x1x128xi32, #tpu.memory_space<hbm>> -> memref<1x128xi32, #tpu.memory_space<hbm>>
      tpu.enqueue_dma source(%dma_start3A_15 : memref<1x128xi32, #tpu.memory_space<hbm>>) target(%arg6 : memref<1x128xi32, #tpu.memory_space<vmem>>) target_semaphore(%run_scoped3A : memref<!tpu.dma_semaphore, #tpu.memory_space<semaphore_mem>>)
      %dma_wait3A = arith.constant 0 : i32
      %dma_wait3A_16 = arith.constant 0 : i32
      %dma_wait3A_17 = tpu.memref_slice %arg4[%add3A, %dma_wait3A, %dma_wait3A_16] : memref<32x1x128xi32, #tpu.memory_space<hbm>> -> memref<1x1x128xi32, #tpu.memory_space<hbm>>
      %dma_wait3A_18 = tpu.memref_squeeze %dma_wait3A_17 : memref<1x1x128xi32, #tpu.memory_space<hbm>> -> memref<1x128xi32, #tpu.memory_space<hbm>>
      %dma_wait3A_19 = arith.constant 0 : i32
      %dma_wait3A_20 = arith.constant 0 : i32
      %dma_wait3A_21 = tpu.memref_slice %arg4[%add3A, %dma_wait3A_19, %dma_wait3A_20] : memref<32x1x128xi32, #tpu.memory_space<hbm>> -> memref<1x1x128xi32, #tpu.memory_space<hbm>>
      %dma_wait3A_22 = tpu.memref_squeeze %dma_wait3A_21 : memref<1x1x128xi32, #tpu.memory_space<hbm>> -> memref<1x128xi32, #tpu.memory_space<hbm>>
      tpu.wait_dma2 semaphore(%run_scoped3A : memref<!tpu.dma_semaphore, #tpu.memory_space<semaphore_mem>>) src(%dma_wait3A_22 : memref<1x128xi32, #tpu.memory_space<hbm>>) dst(%arg6 : memref<1x128xi32, #tpu.memory_space<vmem>>)
      tpu.yield
    }) : () -> ()
    "tpu.region"() ({
      %run_scoped3A = tpu.sem_alloc : memref<!tpu.dma_semaphore, #tpu.memory_space<semaphore_mem>>
      tpu.enqueue_dma source(%arg3 : memref<16x64xf32, #tpu.memory_space<hbm>>) target(%arg8 : memref<16x64xf32, #tpu.memory_space<vmem>>) target_semaphore(%run_scoped3A : memref<!tpu.dma_semaphore, #tpu.memory_space<semaphore_mem>>)
      tpu.wait_dma2 semaphore(%run_scoped3A : memref<!tpu.dma_semaphore, #tpu.memory_space<semaphore_mem>>) src(%arg3 : memref<16x64xf32, #tpu.memory_space<hbm>>) dst(%arg8 : memref<16x64xf32, #tpu.memory_space<vmem>>)
      tpu.yield
    }) : () -> ()
    %iota3A = tpu.iota {dimensions = array<i32: 0>} : vector<16xi32>
    %scan3A = arith.constant 0 : i32
    %scan3A_1 = arith.constant 0 : i32
    %scan3A_2 = arith.constant 8 : i32
    %scan3A_3 = arith.addi %scan3A_1, %scan3A_2 : i32
    %scan3A_4 = arith.constant 1 : i32
    %scan3A_5 = scf.for %scan3A_9 = %scan3A_1 to %scan3A_3 step %scan3A_4 iter_args(%scan3A_10 = %scan3A) -> (i32)  : i32 {
      %mul3A_11 = arith.constant 16 : i32
      %mul3A_12 = arith.muli %scan3A_9, %mul3A_11 : i32
      %get3A = arith.constant 0 : i32
      %get3A_13 = arith.index_cast %get3A : i32 to index
      %get3A_14 = arith.index_cast %mul3A_12 : i32 to index
      %get3A_15 = tpu.vector_load %arg6[%get3A_13, %get3A_14] {strides = array<i32>} : memref<1x128xi32, #tpu.memory_space<vmem>>, vector<16xi32>,
      %mul3A_16 = arith.constant 16 : i32
      %mul3A_17 = arith.muli %scan3A_9, %mul3A_16 : i32
      %add3A_18 = vector.broadcast %mul3A_17 : i32 to vector<16xi32>
      %add3A_19 = arith.addi %add3A_18, %iota3A : vector<16xi32>
      %jit3A = arith.constant 8 : i32
      %div3A = vector.broadcast %jit3A : i32 to vector<16xi32>
      %div3A_20 = arith.divsi %add3A_19, %div3A : vector<16xi32>
      %sign3A = arith.constant 0 : i32
      %sign3A_21 = vector.broadcast %sign3A : i32 to vector<16xi32>
      %sign3A_22 = arith.cmpi sgt, %add3A_19, %sign3A_21 : vector<16xi32>
      %sign3A_23 = arith.extui %sign3A_22 : vector<16xi1> to vector<16xi32>
      %sign3A_24 = arith.constant 0 : i32
      %sign3A_25 = vector.broadcast %sign3A_24 : i32 to vector<16xi32>
      %sign3A_26 = arith.cmpi slt, %add3A_19, %sign3A_25 : vector<16xi32>
      %sign3A_27 = arith.extui %sign3A_26 : vector<16xi1> to vector<16xi32>
      %sign3A_28 = arith.subi %sign3A_23, %sign3A_27 : vector<16xi32>
      %sign3A_29 = arith.constant 0 : i32
      %sign3A_30 = arith.cmpi sgt, %jit3A, %sign3A_29 : i32
      %sign3A_31 = arith.extui %sign3A_30 : i1 to i32
      %sign3A_32 = arith.constant 0 : i32
      %sign3A_33 = arith.cmpi slt, %jit3A, %sign3A_32 : i32
      %sign3A_34 = arith.extui %sign3A_33 : i1 to i32
      %sign3A_35 = arith.subi %sign3A_31, %sign3A_34 : i32
      %ne3A = vector.broadcast %sign3A_35 : i32 to vector<16xi32>
      %ne3A_36 = arith.cmpi ne, %sign3A_28, %ne3A : vector<16xi32>
      %rem3A = vector.broadcast %jit3A : i32 to vector<16xi32>
      %rem3A_37 = arith.remsi %add3A_19, %rem3A : vector<16xi32>
      %ne3A_38 = arith.constant 0 : i32
      %ne3A_39 = vector.broadcast %ne3A_38 : i32 to vector<16xi32>
      %ne3A_40 = arith.cmpi ne, %rem3A_37, %ne3A_39 : vector<16xi32>
      %and3A = arith.andi %ne3A_36, %ne3A_40 : vector<16xi1>
      %sub3A = arith.constant 1 : i32
      %sub3A_41 = vector.broadcast %sub3A : i32 to vector<16xi32>
      %sub3A_42 = arith.subi %div3A_20, %sub3A_41 : vector<16xi32>
      %select_n3A = arith.select %and3A, %sub3A_42, %div3A_20 : vector<16xi1>, vector<16xi32>
      %jit3A_43 = arith.constant 8 : i32
      %eq3A = arith.constant 0 : i32
      %eq3A_44 = arith.cmpi eq, %jit3A_43, %eq3A : i32
      %jit3A_45 = arith.constant 1 : i32
      %select_n3A_46 = arith.select %eq3A_44, %jit3A_45, %jit3A_43 : i32
      %rem3A_47 = vector.broadcast %select_n3A_46 : i32 to vector<16xi32>
      %rem3A_48 = arith.remsi %add3A_19, %rem3A_47 : vector<16xi32>
      %ne3A_49 = arith.constant 0 : i32
      %ne3A_50 = vector.broadcast %ne3A_49 : i32 to vector<16xi32>
      %ne3A_51 = arith.cmpi ne, %rem3A_48, %ne3A_50 : vector<16xi32>
      %lt3A = arith.constant 0 : i32
      %lt3A_52 = vector.broadcast %lt3A : i32 to vector<16xi32>
      %lt3A_53 = arith.cmpi slt, %rem3A_48, %lt3A_52 : vector<16xi32>
      %lt3A_54 = arith.constant 0 : i32
      %lt3A_55 = arith.cmpi slt, %select_n3A_46, %lt3A_54 : i32
      %ne3A_56 = vector.broadcast %lt3A_55 : i1 to vector<16xi1>
      %ne3A_57 = vector.broadcast %ne3A_56 : vector<16xi1> to vector<16xi1>
      %ne3A_58 = arith.xori %lt3A_53, %ne3A_57 : vector<16xi1>
      %and3A_59 = arith.andi %ne3A_58, %ne3A_51 : vector<16xi1>
      %add3A_60 = vector.broadcast %select_n3A_46 : i32 to vector<16xi32>
      %add3A_61 = arith.addi %rem3A_48, %add3A_60 : vector<16xi32>
      %select_n3A_62 = arith.select %and3A_59, %add3A_61, %rem3A_48 : vector<16xi1>, vector<16xi32>
      %mul3A_63 = arith.constant 16 : i32
      %mul3A_64 = vector.broadcast %mul3A_63 : i32 to vector<16xi32>
      %mul3A_65 = arith.muli %select_n3A_62, %mul3A_64 : vector<16xi32>
      %ge3A = arith.constant 999936 : i32
      %ge3A_66 = vector.broadcast %ge3A : i32 to vector<16xi32>
      %ge3A_67 = arith.cmpi sge, %get3A_15, %ge3A_66 : vector<16xi32>
      %reduce_or3A = arith.constant 1.000000e+00 : f32
      %reduce_or3A_68 = arith.constant 0.000000e+00 : f32
      %reduce_or3A_69 = vector.broadcast %reduce_or3A : f32 to vector<16xf32>
      %reduce_or3A_70 = vector.broadcast %reduce_or3A_68 : f32 to vector<16xf32>
      %reduce_or3A_71 = arith.select %ge3A_67, %reduce_or3A_69, %reduce_or3A_70 : vector<16xi1>, vector<16xf32>
      %reduce_or3A_72 = arith.constant true
      %reduce_or3A_73 = vector.broadcast %reduce_or3A_72 : i1 to vector<16xi1>
      %reduce_or3A_74 = tpu.scan <max>, %reduce_or3A_71 masked %reduce_or3A_73 : vector<16xf32>, vector<16xi1> -> vector<16xf32>
      %reduce_or3A_75 = vector.extract %reduce_or3A_74[15] : f32 from vector<16xf32>
      %reduce_or3A_76 = arith.constant 0.000000e+00 : f32
      %reduce_or3A_77 = arith.cmpf ogt, %reduce_or3A_75, %reduce_or3A_76 : f32
      %convert_element_type3A = arith.extui %reduce_or3A_77 : i1 to i32
      %cond3A = arith.constant 0 : i32
      %cond3A_78 = arith.cmpi ne, %convert_element_type3A, %cond3A : i32
      scf.if %cond3A_78 {
        %sub3A_79 = arith.constant 999936 : i32
        %sub3A_80 = vector.broadcast %sub3A_79 : i32 to vector<16xi32>
        %sub3A_81 = arith.subi %get3A_15, %sub3A_80 : vector<16xi32>
        %jit3A_82 = arith.constant 0 : i32
        %jit3A_83 = arith.constant 63 : i32
        %max3A = vector.broadcast %jit3A_82 : i32 to vector<16xi32>
        %max3A_84 = arith.maxsi %max3A, %sub3A_81 : vector<16xi32>
        %min3A = vector.broadcast %jit3A_83 : i32 to vector<16xi32>
        %min3A_85 = arith.minsi %min3A, %max3A_84 : vector<16xi32>
        %broadcast_in_dim3A = arith.constant 0 : i32
        %broadcast_in_dim3A_86 = vector.broadcast %broadcast_in_dim3A : i32 to vector<16xi32>
        %gather3A = tpu.vector_load_idx %arg8[%broadcast_in_dim3A_86, %min3A_85] : memref<16x64xf32, #tpu.memory_space<vmem>>[vector<16xi32>, vector<16xi32>], vector<16xf32>,
        %add3A_87 = arith.constant 0 : i32
        %add3A_88 = vector.broadcast %add3A_87 : i32 to vector<16xi32>
        %add3A_89 = arith.addi %mul3A_65, %add3A_88 : vector<16xi32>
        tpu.vector_store_idx %arg9[%select_n3A, %add3A_89], %gather3A masked %ge3A_67 : memref<16x128xf32, #tpu.memory_space<vmem>>[vector<16xi32>, vector<16xi32>], vector<16xf32>, vector<16xi1>
        %broadcast_in_dim3A_90 = arith.constant 1 : i32
        %broadcast_in_dim3A_91 = vector.broadcast %broadcast_in_dim3A_90 : i32 to vector<16xi32>
        %gather3A_92 = tpu.vector_load_idx %arg8[%broadcast_in_dim3A_91, %min3A_85] : memref<16x64xf32, #tpu.memory_space<vmem>>[vector<16xi32>, vector<16xi32>], vector<16xf32>,
        %add3A_93 = arith.constant 1 : i32
        %add3A_94 = vector.broadcast %add3A_93 : i32 to vector<16xi32>
        %add3A_95 = arith.addi %mul3A_65, %add3A_94 : vector<16xi32>
        tpu.vector_store_idx %arg9[%select_n3A, %add3A_95], %gather3A_92 masked %ge3A_67 : memref<16x128xf32, #tpu.memory_space<vmem>>[vector<16xi32>, vector<16xi32>], vector<16xf32>, vector<16xi1>
        %broadcast_in_dim3A_96 = arith.constant 2 : i32
        %broadcast_in_dim3A_97 = vector.broadcast %broadcast_in_dim3A_96 : i32 to vector<16xi32>
        %gather3A_98 = tpu.vector_load_idx %arg8[%broadcast_in_dim3A_97, %min3A_85] : memref<16x64xf32, #tpu.memory_space<vmem>>[vector<16xi32>, vector<16xi32>], vector<16xf32>,
        %add3A_99 = arith.constant 2 : i32
        %add3A_100 = vector.broadcast %add3A_99 : i32 to vector<16xi32>
        %add3A_101 = arith.addi %mul3A_65, %add3A_100 : vector<16xi32>
        tpu.vector_store_idx %arg9[%select_n3A, %add3A_101], %gather3A_98 masked %ge3A_67 : memref<16x128xf32, #tpu.memory_space<vmem>>[vector<16xi32>, vector<16xi32>], vector<16xf32>, vector<16xi1>
        %broadcast_in_dim3A_102 = arith.constant 3 : i32
        %broadcast_in_dim3A_103 = vector.broadcast %broadcast_in_dim3A_102 : i32 to vector<16xi32>
        %gather3A_104 = tpu.vector_load_idx %arg8[%broadcast_in_dim3A_103, %min3A_85] : memref<16x64xf32, #tpu.memory_space<vmem>>[vector<16xi32>, vector<16xi32>], vector<16xf32>,
        %add3A_105 = arith.constant 3 : i32
        %add3A_106 = vector.broadcast %add3A_105 : i32 to vector<16xi32>
        %add3A_107 = arith.addi %mul3A_65, %add3A_106 : vector<16xi32>
        tpu.vector_store_idx %arg9[%select_n3A, %add3A_107], %gather3A_104 masked %ge3A_67 : memref<16x128xf32, #tpu.memory_space<vmem>>[vector<16xi32>, vector<16xi32>], vector<16xf32>, vector<16xi1>
        %broadcast_in_dim3A_108 = arith.constant 4 : i32
        %broadcast_in_dim3A_109 = vector.broadcast %broadcast_in_dim3A_108 : i32 to vector<16xi32>
        %gather3A_110 = tpu.vector_load_idx %arg8[%broadcast_in_dim3A_109, %min3A_85] : memref<16x64xf32, #tpu.memory_space<vmem>>[vector<16xi32>, vector<16xi32>], vector<16xf32>,
        %add3A_111 = arith.constant 4 : i32
        %add3A_112 = vector.broadcast %add3A_111 : i32 to vector<16xi32>
        %add3A_113 = arith.addi %mul3A_65, %add3A_112 : vector<16xi32>
        tpu.vector_store_idx %arg9[%select_n3A, %add3A_113], %gather3A_110 masked %ge3A_67 : memref<16x128xf32, #tpu.memory_space<vmem>>[vector<16xi32>, vector<16xi32>], vector<16xf32>, vector<16xi1>
        %broadcast_in_dim3A_114 = arith.constant 5 : i32
        %broadcast_in_dim3A_115 = vector.broadcast %broadcast_in_dim3A_114 : i32 to vector<16xi32>
        %gather3A_116 = tpu.vector_load_idx %arg8[%broadcast_in_dim3A_115, %min3A_85] : memref<16x64xf32, #tpu.memory_space<vmem>>[vector<16xi32>, vector<16xi32>], vector<16xf32>,
        %add3A_117 = arith.constant 5 : i32
        %add3A_118 = vector.broadcast %add3A_117 : i32 to vector<16xi32>
        %add3A_119 = arith.addi %mul3A_65, %add3A_118 : vector<16xi32>
        tpu.vector_store_idx %arg9[%select_n3A, %add3A_119], %gather3A_116 masked %ge3A_67 : memref<16x128xf32, #tpu.memory_space<vmem>>[vector<16xi32>, vector<16xi32>], vector<16xf32>, vector<16xi1>
        %broadcast_in_dim3A_120 = arith.constant 6 : i32
        %broadcast_in_dim3A_121 = vector.broadcast %broadcast_in_dim3A_120 : i32 to vector<16xi32>
        %gather3A_122 = tpu.vector_load_idx %arg8[%broadcast_in_dim3A_121, %min3A_85] : memref<16x64xf32, #tpu.memory_space<vmem>>[vector<16xi32>, vector<16xi32>], vector<16xf32>,
        %add3A_123 = arith.constant 6 : i32
        %add3A_124 = vector.broadcast %add3A_123 : i32 to vector<16xi32>
        %add3A_125 = arith.addi %mul3A_65, %add3A_124 : vector<16xi32>
        tpu.vector_store_idx %arg9[%select_n3A, %add3A_125], %gather3A_122 masked %ge3A_67 : memref<16x128xf32, #tpu.memory_space<vmem>>[vector<16xi32>, vector<16xi32>], vector<16xf32>, vector<16xi1>
        %broadcast_in_dim3A_126 = arith.constant 7 : i32
        %broadcast_in_dim3A_127 = vector.broadcast %broadcast_in_dim3A_126 : i32 to vector<16xi32>
        %gather3A_128 = tpu.vector_load_idx %arg8[%broadcast_in_dim3A_127, %min3A_85] : memref<16x64xf32, #tpu.memory_space<vmem>>[vector<16xi32>, vector<16xi32>], vector<16xf32>,
        %add3A_129 = arith.constant 7 : i32
        %add3A_130 = vector.broadcast %add3A_129 : i32 to vector<16xi32>
        %add3A_131 = arith.addi %mul3A_65, %add3A_130 : vector<16xi32>
        tpu.vector_store_idx %arg9[%select_n3A, %add3A_131], %gather3A_128 masked %ge3A_67 : memref<16x128xf32, #tpu.memory_space<vmem>>[vector<16xi32>, vector<16xi32>], vector<16xf32>, vector<16xi1>
        %broadcast_in_dim3A_132 = arith.constant 8 : i32
        %broadcast_in_dim3A_133 = vector.broadcast %broadcast_in_dim3A_132 : i32 to vector<16xi32>
        %gather3A_134 = tpu.vector_load_idx %arg8[%broadcast_in_dim3A_133, %min3A_85] : memref<16x64xf32, #tpu.memory_space<vmem>>[vector<16xi32>, vector<16xi32>], vector<16xf32>,
        %add3A_135 = arith.constant 8 : i32
        %add3A_136 = vector.broadcast %add3A_135 : i32 to vector<16xi32>
        %add3A_137 = arith.addi %mul3A_65, %add3A_136 : vector<16xi32>
        tpu.vector_store_idx %arg9[%select_n3A, %add3A_137], %gather3A_134 masked %ge3A_67 : memref<16x128xf32, #tpu.memory_space<vmem>>[vector<16xi32>, vector<16xi32>], vector<16xf32>, vector<16xi1>
        %broadcast_in_dim3A_138 = arith.constant 9 : i32
        %broadcast_in_dim3A_139 = vector.broadcast %broadcast_in_dim3A_138 : i32 to vector<16xi32>
        %gather3A_140 = tpu.vector_load_idx %arg8[%broadcast_in_dim3A_139, %min3A_85] : memref<16x64xf32, #tpu.memory_space<vmem>>[vector<16xi32>, vector<16xi32>], vector<16xf32>,
        %add3A_141 = arith.constant 9 : i32
        %add3A_142 = vector.broadcast %add3A_141 : i32 to vector<16xi32>
        %add3A_143 = arith.addi %mul3A_65, %add3A_142 : vector<16xi32>
        tpu.vector_store_idx %arg9[%select_n3A, %add3A_143], %gather3A_140 masked %ge3A_67 : memref<16x128xf32, #tpu.memory_space<vmem>>[vector<16xi32>, vector<16xi32>], vector<16xf32>, vector<16xi1>
        %broadcast_in_dim3A_144 = arith.constant 10 : i32
        %broadcast_in_dim3A_145 = vector.broadcast %broadcast_in_dim3A_144 : i32 to vector<16xi32>
        %gather3A_146 = tpu.vector_load_idx %arg8[%broadcast_in_dim3A_145, %min3A_85] : memref<16x64xf32, #tpu.memory_space<vmem>>[vector<16xi32>, vector<16xi32>], vector<16xf32>,
        %add3A_147 = arith.constant 10 : i32
        %add3A_148 = vector.broadcast %add3A_147 : i32 to vector<16xi32>
        %add3A_149 = arith.addi %mul3A_65, %add3A_148 : vector<16xi32>
        tpu.vector_store_idx %arg9[%select_n3A, %add3A_149], %gather3A_146 masked %ge3A_67 : memref<16x128xf32, #tpu.memory_space<vmem>>[vector<16xi32>, vector<16xi32>], vector<16xf32>, vector<16xi1>
        %broadcast_in_dim3A_150 = arith.constant 11 : i32
        %broadcast_in_dim3A_151 = vector.broadcast %broadcast_in_dim3A_150 : i32 to vector<16xi32>
        %gather3A_152 = tpu.vector_load_idx %arg8[%broadcast_in_dim3A_151, %min3A_85] : memref<16x64xf32, #tpu.memory_space<vmem>>[vector<16xi32>, vector<16xi32>], vector<16xf32>,
        %add3A_153 = arith.constant 11 : i32
        %add3A_154 = vector.broadcast %add3A_153 : i32 to vector<16xi32>
        %add3A_155 = arith.addi %mul3A_65, %add3A_154 : vector<16xi32>
        tpu.vector_store_idx %arg9[%select_n3A, %add3A_155], %gather3A_152 masked %ge3A_67 : memref<16x128xf32, #tpu.memory_space<vmem>>[vector<16xi32>, vector<16xi32>], vector<16xf32>, vector<16xi1>
        %broadcast_in_dim3A_156 = arith.constant 12 : i32
        %broadcast_in_dim3A_157 = vector.broadcast %broadcast_in_dim3A_156 : i32 to vector<16xi32>
        %gather3A_158 = tpu.vector_load_idx %arg8[%broadcast_in_dim3A_157, %min3A_85] : memref<16x64xf32, #tpu.memory_space<vmem>>[vector<16xi32>, vector<16xi32>], vector<16xf32>,
        %add3A_159 = arith.constant 12 : i32
        %add3A_160 = vector.broadcast %add3A_159 : i32 to vector<16xi32>
        %add3A_161 = arith.addi %mul3A_65, %add3A_160 : vector<16xi32>
        tpu.vector_store_idx %arg9[%select_n3A, %add3A_161], %gather3A_158 masked %ge3A_67 : memref<16x128xf32, #tpu.memory_space<vmem>>[vector<16xi32>, vector<16xi32>], vector<16xf32>, vector<16xi1>
        %broadcast_in_dim3A_162 = arith.constant 13 : i32
        %broadcast_in_dim3A_163 = vector.broadcast %broadcast_in_dim3A_162 : i32 to vector<16xi32>
        %gather3A_164 = tpu.vector_load_idx %arg8[%broadcast_in_dim3A_163, %min3A_85] : memref<16x64xf32, #tpu.memory_space<vmem>>[vector<16xi32>, vector<16xi32>], vector<16xf32>,
        %add3A_165 = arith.constant 13 : i32
        %add3A_166 = vector.broadcast %add3A_165 : i32 to vector<16xi32>
        %add3A_167 = arith.addi %mul3A_65, %add3A_166 : vector<16xi32>
        tpu.vector_store_idx %arg9[%select_n3A, %add3A_167], %gather3A_164 masked %ge3A_67 : memref<16x128xf32, #tpu.memory_space<vmem>>[vector<16xi32>, vector<16xi32>], vector<16xf32>, vector<16xi1>
        %broadcast_in_dim3A_168 = arith.constant 14 : i32
        %broadcast_in_dim3A_169 = vector.broadcast %broadcast_in_dim3A_168 : i32 to vector<16xi32>
        %gather3A_170 = tpu.vector_load_idx %arg8[%broadcast_in_dim3A_169, %min3A_85] : memref<16x64xf32, #tpu.memory_space<vmem>>[vector<16xi32>, vector<16xi32>], vector<16xf32>,
        %add3A_171 = arith.constant 14 : i32
        %add3A_172 = vector.broadcast %add3A_171 : i32 to vector<16xi32>
        %add3A_173 = arith.addi %mul3A_65, %add3A_172 : vector<16xi32>
        tpu.vector_store_idx %arg9[%select_n3A, %add3A_173], %gather3A_170 masked %ge3A_67 : memref<16x128xf32, #tpu.memory_space<vmem>>[vector<16xi32>, vector<16xi32>], vector<16xf32>, vector<16xi1>
        %broadcast_in_dim3A_174 = arith.constant 15 : i32
        %broadcast_in_dim3A_175 = vector.broadcast %broadcast_in_dim3A_174 : i32 to vector<16xi32>
        %gather3A_176 = tpu.vector_load_idx %arg8[%broadcast_in_dim3A_175, %min3A_85] : memref<16x64xf32, #tpu.memory_space<vmem>>[vector<16xi32>, vector<16xi32>], vector<16xf32>,
        %add3A_177 = arith.constant 15 : i32
        %add3A_178 = vector.broadcast %add3A_177 : i32 to vector<16xi32>
        %add3A_179 = arith.addi %mul3A_65, %add3A_178 : vector<16xi32>
        tpu.vector_store_idx %arg9[%select_n3A, %add3A_179], %gather3A_176 masked %ge3A_67 : memref<16x128xf32, #tpu.memory_space<vmem>>[vector<16xi32>, vector<16xi32>], vector<16xf32>, vector<16xi1>
      } else {
      }
      %while3A:2 = scf.while (%while3A_79 = %ge3A_67, %while3A_80 = %scan3A_10) : (vector<16xi1>, i32) -> (vector<16xi1>, i32) {
        %reduce_and3A = arith.constant 1.000000e+00 : f32
        %reduce_and3A_81 = arith.constant 0.000000e+00 : f32
        %reduce_and3A_82 = vector.broadcast %reduce_and3A : f32 to vector<16xf32>
        %reduce_and3A_83 = vector.broadcast %reduce_and3A_81 : f32 to vector<16xf32>
        %reduce_and3A_84 = arith.select %while3A_79, %reduce_and3A_82, %reduce_and3A_83 : vector<16xi1>, vector<16xf32>
        %reduce_and3A_85 = arith.constant true
        %reduce_and3A_86 = vector.broadcast %reduce_and3A_85 : i1 to vector<16xi1>
        %reduce_and3A_87 = tpu.scan <min>, %reduce_and3A_84 masked %reduce_and3A_86 : vector<16xf32>, vector<16xi1> -> vector<16xf32>
        %reduce_and3A_88 = vector.extract %reduce_and3A_87[15] : f32 from vector<16xf32>
        %reduce_and3A_89 = arith.constant 0.000000e+00 : f32
        %reduce_and3A_90 = arith.cmpf ogt, %reduce_and3A_88, %reduce_and3A_89 : f32
        %not3A = arith.constant true
        %not3A_91 = arith.xori %reduce_and3A_90, %not3A : i1
        scf.condition(%not3A_91) %while3A_79, %while3A_80 : vector<16xi1>, i32
      } do {
      ^bb0(%while3A_79: vector<16xi1>, %while3A_80: i32):
        %jit3A_81 = arith.constant 1000000 : i32
        %broadcast_in_dim3A = vector.broadcast %jit3A_81 : i32 to vector<16xi32>
        %select_n3A_82 = arith.select %while3A_79, %broadcast_in_dim3A, %get3A_15 : vector<16xi1>, vector<16xi32>
        %reduce_min3A = arith.constant true
        %reduce_min3A_83 = vector.broadcast %reduce_min3A : i1 to vector<16xi1>
        %reduce_min3A_84 = arith.constant -2147483648 : i32
        %reduce_min3A_85 = vector.broadcast %reduce_min3A_84 : i32 to vector<16xi32>
        %reduce_min3A_86 = arith.xori %select_n3A_82, %reduce_min3A_85 : vector<16xi32>
        %reduce_min3A_87 = tpu.scan <min>, %reduce_min3A_86 masked %reduce_min3A_83 : vector<16xi32>, vector<16xi1> -> vector<16xi32>
        %reduce_min3A_88 = arith.xori %reduce_min3A_87, %reduce_min3A_85 : vector<16xi32>
        %reduce_min3A_89 = vector.extract %reduce_min3A_88[15] : i32 from vector<16xi32>
        %ge3A_90 = arith.cmpi sge, %reduce_min3A_89, %while3A_80 : i32
        %add3A_91 = arith.constant 2048 : i32
        %add3A_92 = arith.addi %while3A_80, %add3A_91 : i32
        %lt3A_93 = arith.cmpi slt, %reduce_min3A_89, %add3A_92 : i32
        %and3A_94 = arith.andi %ge3A_90, %lt3A_93 : i1
        %jit3A_95 = arith.constant 128 : i32
        %div3A_96 = arith.divsi %reduce_min3A_89, %jit3A_95 : i32
        %sign3A_97 = arith.constant 0 : i32
        %sign3A_98 = arith.cmpi sgt, %reduce_min3A_89, %sign3A_97 : i32
        %sign3A_99 = arith.extui %sign3A_98 : i1 to i32
        %sign3A_100 = arith.constant 0 : i32
        %sign3A_101 = arith.cmpi slt, %reduce_min3A_89, %sign3A_100 : i32
        %sign3A_102 = arith.extui %sign3A_101 : i1 to i32
        %sign3A_103 = arith.subi %sign3A_99, %sign3A_102 : i32
        %sign3A_104 = arith.constant 0 : i32
        %sign3A_105 = arith.cmpi sgt, %jit3A_95, %sign3A_104 : i32
        %sign3A_106 = arith.extui %sign3A_105 : i1 to i32
        %sign3A_107 = arith.constant 0 : i32
        %sign3A_108 = arith.cmpi slt, %jit3A_95, %sign3A_107 : i32
        %sign3A_109 = arith.extui %sign3A_108 : i1 to i32
        %sign3A_110 = arith.subi %sign3A_106, %sign3A_109 : i32
        %ne3A_111 = arith.cmpi ne, %sign3A_103, %sign3A_110 : i32
        %rem3A_112 = arith.remsi %reduce_min3A_89, %jit3A_95 : i32
        %ne3A_113 = arith.constant 0 : i32
        %ne3A_114 = arith.cmpi ne, %rem3A_112, %ne3A_113 : i32
        %and3A_115 = arith.andi %ne3A_111, %ne3A_114 : i1
        %sub3A_116 = arith.constant 1 : i32
        %sub3A_117 = arith.subi %div3A_96, %sub3A_116 : i32
        %select_n3A_118 = arith.select %and3A_115, %sub3A_117, %div3A_96 : i32
        %mul3A_119 = arith.constant 128 : i32
        %mul3A_120 = arith.muli %select_n3A_118, %mul3A_119 : i32
        %min3A = arith.constant 997888 : i32
        %min3A_121 = arith.minsi %mul3A_120, %min3A : i32
        %select_n3A_122 = arith.select %and3A_94, %while3A_80, %min3A_121 : i32
        %ne3A_123 = arith.cmpi ne, %select_n3A_122, %while3A_80 : i32
        %convert_element_type3A_124 = arith.extui %ne3A_123 : i1 to i32
        %cond3A_125 = arith.constant 0 : i32
        %cond3A_126 = arith.cmpi ne, %convert_element_type3A_124, %cond3A_125 : i32
        scf.if %cond3A_126 {
          %multiple_of3A = tpu.assume_multiple %select_n3A_122, 128 : i32
          "tpu.region"() ({
            %run_scoped3A = tpu.sem_alloc : memref<!tpu.dma_semaphore, #tpu.memory_space<semaphore_mem>>
            %dma_start3A = arith.constant 0 : i32
            %dma_start3A_238 = tpu.memref_slice %arg2[%dma_start3A, %multiple_of3A] : memref<16x1000000xf32, #tpu.memory_space<hbm>> -> memref<16x2048xf32, #tpu.memory_space<hbm>>
            %dma_start3A_239 = arith.constant 0 : i32
            %dma_start3A_240 = tpu.memref_slice %arg2[%dma_start3A_239, %multiple_of3A] : memref<16x1000000xf32, #tpu.memory_space<hbm>> -> memref<16x2048xf32, #tpu.memory_space<hbm>>
            tpu.enqueue_dma source(%dma_start3A_240 : memref<16x2048xf32, #tpu.memory_space<hbm>>) target(%arg7 : memref<16x2048xf32, #tpu.memory_space<vmem>>) target_semaphore(%run_scoped3A : memref<!tpu.dma_semaphore, #tpu.memory_space<semaphore_mem>>)
            %dma_wait3A = arith.constant 0 : i32
            %dma_wait3A_241 = tpu.memref_slice %arg2[%dma_wait3A, %multiple_of3A] : memref<16x1000000xf32, #tpu.memory_space<hbm>> -> memref<16x2048xf32, #tpu.memory_space<hbm>>
            %dma_wait3A_242 = arith.constant 0 : i32
            %dma_wait3A_243 = tpu.memref_slice %arg2[%dma_wait3A_242, %multiple_of3A] : memref<16x1000000xf32, #tpu.memory_space<hbm>> -> memref<16x2048xf32, #tpu.memory_space<hbm>>
            tpu.wait_dma2 semaphore(%run_scoped3A : memref<!tpu.dma_semaphore, #tpu.memory_space<semaphore_mem>>) src(%dma_wait3A_243 : memref<16x2048xf32, #tpu.memory_space<hbm>>) dst(%arg7 : memref<16x2048xf32, #tpu.memory_space<vmem>>)
            tpu.yield
          }) : () -> ()
        } else {
        }
        %not3A = arith.constant dense<true> : vector<16xi1>
        %not3A_127 = arith.xori %while3A_79, %not3A : vector<16xi1>
        %ge3A_128 = vector.broadcast %select_n3A_122 : i32 to vector<16xi32>
        %ge3A_129 = arith.cmpi sge, %get3A_15, %ge3A_128 : vector<16xi32>
        %add3A_130 = arith.constant 2048 : i32
        %add3A_131 = arith.addi %select_n3A_122, %add3A_130 : i32
        %lt3A_132 = vector.broadcast %add3A_131 : i32 to vector<16xi32>
        %lt3A_133 = arith.cmpi slt, %get3A_15, %lt3A_132 : vector<16xi32>
        %and3A_134 = arith.andi %ge3A_129, %lt3A_133 : vector<16xi1>
        %and3A_135 = arith.andi %not3A_127, %and3A_134 : vector<16xi1>
        %sub3A_136 = vector.broadcast %select_n3A_122 : i32 to vector<16xi32>
        %sub3A_137 = arith.subi %get3A_15, %sub3A_136 : vector<16xi32>
        %jit3A_138 = arith.constant 0 : i32
        %jit3A_139 = arith.constant 2047 : i32
        %max3A = vector.broadcast %jit3A_138 : i32 to vector<16xi32>
        %max3A_140 = arith.maxsi %max3A, %sub3A_137 : vector<16xi32>
        %min3A_141 = vector.broadcast %jit3A_139 : i32 to vector<16xi32>
        %min3A_142 = arith.minsi %min3A_141, %max3A_140 : vector<16xi32>
        %broadcast_in_dim3A_143 = arith.constant 0 : i32
        %broadcast_in_dim3A_144 = vector.broadcast %broadcast_in_dim3A_143 : i32 to vector<16xi32>
        %gather3A = tpu.vector_load_idx %arg7[%broadcast_in_dim3A_144, %min3A_142] : memref<16x2048xf32, #tpu.memory_space<vmem>>[vector<16xi32>, vector<16xi32>], vector<16xf32>,
        %add3A_145 = arith.constant 0 : i32
        %add3A_146 = vector.broadcast %add3A_145 : i32 to vector<16xi32>
        %add3A_147 = arith.addi %mul3A_65, %add3A_146 : vector<16xi32>
        tpu.vector_store_idx %arg9[%select_n3A, %add3A_147], %gather3A masked %and3A_135 : memref<16x128xf32, #tpu.memory_space<vmem>>[vector<16xi32>, vector<16xi32>], vector<16xf32>, vector<16xi1>
        %broadcast_in_dim3A_148 = arith.constant 1 : i32
        %broadcast_in_dim3A_149 = vector.broadcast %broadcast_in_dim3A_148 : i32 to vector<16xi32>
        %gather3A_150 = tpu.vector_load_idx %arg7[%broadcast_in_dim3A_149, %min3A_142] : memref<16x2048xf32, #tpu.memory_space<vmem>>[vector<16xi32>, vector<16xi32>], vector<16xf32>,
        %add3A_151 = arith.constant 1 : i32
        %add3A_152 = vector.broadcast %add3A_151 : i32 to vector<16xi32>
        %add3A_153 = arith.addi %mul3A_65, %add3A_152 : vector<16xi32>
        tpu.vector_store_idx %arg9[%select_n3A, %add3A_153], %gather3A_150 masked %and3A_135 : memref<16x128xf32, #tpu.memory_space<vmem>>[vector<16xi32>, vector<16xi32>], vector<16xf32>, vector<16xi1>
        %broadcast_in_dim3A_154 = arith.constant 2 : i32
        %broadcast_in_dim3A_155 = vector.broadcast %broadcast_in_dim3A_154 : i32 to vector<16xi32>
        %gather3A_156 = tpu.vector_load_idx %arg7[%broadcast_in_dim3A_155, %min3A_142] : memref<16x2048xf32, #tpu.memory_space<vmem>>[vector<16xi32>, vector<16xi32>], vector<16xf32>,
        %add3A_157 = arith.constant 2 : i32
        %add3A_158 = vector.broadcast %add3A_157 : i32 to vector<16xi32>
        %add3A_159 = arith.addi %mul3A_65, %add3A_158 : vector<16xi32>
        tpu.vector_store_idx %arg9[%select_n3A, %add3A_159], %gather3A_156 masked %and3A_135 : memref<16x128xf32, #tpu.memory_space<vmem>>[vector<16xi32>, vector<16xi32>], vector<16xf32>, vector<16xi1>
        %broadcast_in_dim3A_160 = arith.constant 3 : i32
        %broadcast_in_dim3A_161 = vector.broadcast %broadcast_in_dim3A_160 : i32 to vector<16xi32>
        %gather3A_162 = tpu.vector_load_idx %arg7[%broadcast_in_dim3A_161, %min3A_142] : memref<16x2048xf32, #tpu.memory_space<vmem>>[vector<16xi32>, vector<16xi32>], vector<16xf32>,
        %add3A_163 = arith.constant 3 : i32
        %add3A_164 = vector.broadcast %add3A_163 : i32 to vector<16xi32>
        %add3A_165 = arith.addi %mul3A_65, %add3A_164 : vector<16xi32>
        tpu.vector_store_idx %arg9[%select_n3A, %add3A_165], %gather3A_162 masked %and3A_135 : memref<16x128xf32, #tpu.memory_space<vmem>>[vector<16xi32>, vector<16xi32>], vector<16xf32>, vector<16xi1>
        %broadcast_in_dim3A_166 = arith.constant 4 : i32
        %broadcast_in_dim3A_167 = vector.broadcast %broadcast_in_dim3A_166 : i32 to vector<16xi32>
        %gather3A_168 = tpu.vector_load_idx %arg7[%broadcast_in_dim3A_167, %min3A_142] : memref<16x2048xf32, #tpu.memory_space<vmem>>[vector<16xi32>, vector<16xi32>], vector<16xf32>,
        %add3A_169 = arith.constant 4 : i32
        %add3A_170 = vector.broadcast %add3A_169 : i32 to vector<16xi32>
        %add3A_171 = arith.addi %mul3A_65, %add3A_170 : vector<16xi32>
        tpu.vector_store_idx %arg9[%select_n3A, %add3A_171], %gather3A_168 masked %and3A_135 : memref<16x128xf32, #tpu.memory_space<vmem>>[vector<16xi32>, vector<16xi32>], vector<16xf32>, vector<16xi1>
        %broadcast_in_dim3A_172 = arith.constant 5 : i32
        %broadcast_in_dim3A_173 = vector.broadcast %broadcast_in_dim3A_172 : i32 to vector<16xi32>
        %gather3A_174 = tpu.vector_load_idx %arg7[%broadcast_in_dim3A_173, %min3A_142] : memref<16x2048xf32, #tpu.memory_space<vmem>>[vector<16xi32>, vector<16xi32>], vector<16xf32>,
        %add3A_175 = arith.constant 5 : i32
        %add3A_176 = vector.broadcast %add3A_175 : i32 to vector<16xi32>
        %add3A_177 = arith.addi %mul3A_65, %add3A_176 : vector<16xi32>
        tpu.vector_store_idx %arg9[%select_n3A, %add3A_177], %gather3A_174 masked %and3A_135 : memref<16x128xf32, #tpu.memory_space<vmem>>[vector<16xi32>, vector<16xi32>], vector<16xf32>, vector<16xi1>
        %broadcast_in_dim3A_178 = arith.constant 6 : i32
        %broadcast_in_dim3A_179 = vector.broadcast %broadcast_in_dim3A_178 : i32 to vector<16xi32>
        %gather3A_180 = tpu.vector_load_idx %arg7[%broadcast_in_dim3A_179, %min3A_142] : memref<16x2048xf32, #tpu.memory_space<vmem>>[vector<16xi32>, vector<16xi32>], vector<16xf32>,
        %add3A_181 = arith.constant 6 : i32
        %add3A_182 = vector.broadcast %add3A_181 : i32 to vector<16xi32>
        %add3A_183 = arith.addi %mul3A_65, %add3A_182 : vector<16xi32>
        tpu.vector_store_idx %arg9[%select_n3A, %add3A_183], %gather3A_180 masked %and3A_135 : memref<16x128xf32, #tpu.memory_space<vmem>>[vector<16xi32>, vector<16xi32>], vector<16xf32>, vector<16xi1>
        %broadcast_in_dim3A_184 = arith.constant 7 : i32
        %broadcast_in_dim3A_185 = vector.broadcast %broadcast_in_dim3A_184 : i32 to vector<16xi32>
        %gather3A_186 = tpu.vector_load_idx %arg7[%broadcast_in_dim3A_185, %min3A_142] : memref<16x2048xf32, #tpu.memory_space<vmem>>[vector<16xi32>, vector<16xi32>], vector<16xf32>,
        %add3A_187 = arith.constant 7 : i32
        %add3A_188 = vector.broadcast %add3A_187 : i32 to vector<16xi32>
        %add3A_189 = arith.addi %mul3A_65, %add3A_188 : vector<16xi32>
        tpu.vector_store_idx %arg9[%select_n3A, %add3A_189], %gather3A_186 masked %and3A_135 : memref<16x128xf32, #tpu.memory_space<vmem>>[vector<16xi32>, vector<16xi32>], vector<16xf32>, vector<16xi1>
        %broadcast_in_dim3A_190 = arith.constant 8 : i32
        %broadcast_in_dim3A_191 = vector.broadcast %broadcast_in_dim3A_190 : i32 to vector<16xi32>
        %gather3A_192 = tpu.vector_load_idx %arg7[%broadcast_in_dim3A_191, %min3A_142] : memref<16x2048xf32, #tpu.memory_space<vmem>>[vector<16xi32>, vector<16xi32>], vector<16xf32>,
        %add3A_193 = arith.constant 8 : i32
        %add3A_194 = vector.broadcast %add3A_193 : i32 to vector<16xi32>
        %add3A_195 = arith.addi %mul3A_65, %add3A_194 : vector<16xi32>
        tpu.vector_store_idx %arg9[%select_n3A, %add3A_195], %gather3A_192 masked %and3A_135 : memref<16x128xf32, #tpu.memory_space<vmem>>[vector<16xi32>, vector<16xi32>], vector<16xf32>, vector<16xi1>
        %broadcast_in_dim3A_196 = arith.constant 9 : i32
        %broadcast_in_dim3A_197 = vector.broadcast %broadcast_in_dim3A_196 : i32 to vector<16xi32>
        %gather3A_198 = tpu.vector_load_idx %arg7[%broadcast_in_dim3A_197, %min3A_142] : memref<16x2048xf32, #tpu.memory_space<vmem>>[vector<16xi32>, vector<16xi32>], vector<16xf32>,
        %add3A_199 = arith.constant 9 : i32
        %add3A_200 = vector.broadcast %add3A_199 : i32 to vector<16xi32>
        %add3A_201 = arith.addi %mul3A_65, %add3A_200 : vector<16xi32>
        tpu.vector_store_idx %arg9[%select_n3A, %add3A_201], %gather3A_198 masked %and3A_135 : memref<16x128xf32, #tpu.memory_space<vmem>>[vector<16xi32>, vector<16xi32>], vector<16xf32>, vector<16xi1>
        %broadcast_in_dim3A_202 = arith.constant 10 : i32
        %broadcast_in_dim3A_203 = vector.broadcast %broadcast_in_dim3A_202 : i32 to vector<16xi32>
        %gather3A_204 = tpu.vector_load_idx %arg7[%broadcast_in_dim3A_203, %min3A_142] : memref<16x2048xf32, #tpu.memory_space<vmem>>[vector<16xi32>, vector<16xi32>], vector<16xf32>,
        %add3A_205 = arith.constant 10 : i32
        %add3A_206 = vector.broadcast %add3A_205 : i32 to vector<16xi32>
        %add3A_207 = arith.addi %mul3A_65, %add3A_206 : vector<16xi32>
        tpu.vector_store_idx %arg9[%select_n3A, %add3A_207], %gather3A_204 masked %and3A_135 : memref<16x128xf32, #tpu.memory_space<vmem>>[vector<16xi32>, vector<16xi32>], vector<16xf32>, vector<16xi1>
        %broadcast_in_dim3A_208 = arith.constant 11 : i32
        %broadcast_in_dim3A_209 = vector.broadcast %broadcast_in_dim3A_208 : i32 to vector<16xi32>
        %gather3A_210 = tpu.vector_load_idx %arg7[%broadcast_in_dim3A_209, %min3A_142] : memref<16x2048xf32, #tpu.memory_space<vmem>>[vector<16xi32>, vector<16xi32>], vector<16xf32>,
        %add3A_211 = arith.constant 11 : i32
        %add3A_212 = vector.broadcast %add3A_211 : i32 to vector<16xi32>
        %add3A_213 = arith.addi %mul3A_65, %add3A_212 : vector<16xi32>
        tpu.vector_store_idx %arg9[%select_n3A, %add3A_213], %gather3A_210 masked %and3A_135 : memref<16x128xf32, #tpu.memory_space<vmem>>[vector<16xi32>, vector<16xi32>], vector<16xf32>, vector<16xi1>
        %broadcast_in_dim3A_214 = arith.constant 12 : i32
        %broadcast_in_dim3A_215 = vector.broadcast %broadcast_in_dim3A_214 : i32 to vector<16xi32>
        %gather3A_216 = tpu.vector_load_idx %arg7[%broadcast_in_dim3A_215, %min3A_142] : memref<16x2048xf32, #tpu.memory_space<vmem>>[vector<16xi32>, vector<16xi32>], vector<16xf32>,
        %add3A_217 = arith.constant 12 : i32
        %add3A_218 = vector.broadcast %add3A_217 : i32 to vector<16xi32>
        %add3A_219 = arith.addi %mul3A_65, %add3A_218 : vector<16xi32>
        tpu.vector_store_idx %arg9[%select_n3A, %add3A_219], %gather3A_216 masked %and3A_135 : memref<16x128xf32, #tpu.memory_space<vmem>>[vector<16xi32>, vector<16xi32>], vector<16xf32>, vector<16xi1>
        %broadcast_in_dim3A_220 = arith.constant 13 : i32
        %broadcast_in_dim3A_221 = vector.broadcast %broadcast_in_dim3A_220 : i32 to vector<16xi32>
        %gather3A_222 = tpu.vector_load_idx %arg7[%broadcast_in_dim3A_221, %min3A_142] : memref<16x2048xf32, #tpu.memory_space<vmem>>[vector<16xi32>, vector<16xi32>], vector<16xf32>,
        %add3A_223 = arith.constant 13 : i32
        %add3A_224 = vector.broadcast %add3A_223 : i32 to vector<16xi32>
        %add3A_225 = arith.addi %mul3A_65, %add3A_224 : vector<16xi32>
        tpu.vector_store_idx %arg9[%select_n3A, %add3A_225], %gather3A_222 masked %and3A_135 : memref<16x128xf32, #tpu.memory_space<vmem>>[vector<16xi32>, vector<16xi32>], vector<16xf32>, vector<16xi1>
        %broadcast_in_dim3A_226 = arith.constant 14 : i32
        %broadcast_in_dim3A_227 = vector.broadcast %broadcast_in_dim3A_226 : i32 to vector<16xi32>
        %gather3A_228 = tpu.vector_load_idx %arg7[%broadcast_in_dim3A_227, %min3A_142] : memref<16x2048xf32, #tpu.memory_space<vmem>>[vector<16xi32>, vector<16xi32>], vector<16xf32>,
        %add3A_229 = arith.constant 14 : i32
        %add3A_230 = vector.broadcast %add3A_229 : i32 to vector<16xi32>
        %add3A_231 = arith.addi %mul3A_65, %add3A_230 : vector<16xi32>
        tpu.vector_store_idx %arg9[%select_n3A, %add3A_231], %gather3A_228 masked %and3A_135 : memref<16x128xf32, #tpu.memory_space<vmem>>[vector<16xi32>, vector<16xi32>], vector<16xf32>, vector<16xi1>
        %broadcast_in_dim3A_232 = arith.constant 15 : i32
        %broadcast_in_dim3A_233 = vector.broadcast %broadcast_in_dim3A_232 : i32 to vector<16xi32>
        %gather3A_234 = tpu.vector_load_idx %arg7[%broadcast_in_dim3A_233, %min3A_142] : memref<16x2048xf32, #tpu.memory_space<vmem>>[vector<16xi32>, vector<16xi32>], vector<16xf32>,
        %add3A_235 = arith.constant 15 : i32
        %add3A_236 = vector.broadcast %add3A_235 : i32 to vector<16xi32>
        %add3A_237 = arith.addi %mul3A_65, %add3A_236 : vector<16xi32>
        tpu.vector_store_idx %arg9[%select_n3A, %add3A_237], %gather3A_234 masked %and3A_135 : memref<16x128xf32, #tpu.memory_space<vmem>>[vector<16xi32>, vector<16xi32>], vector<16xf32>, vector<16xi1>
        %or3A = arith.ori %while3A_79, %and3A_135 : vector<16xi1>
        scf.yield %or3A, %select_n3A_122 : vector<16xi1>, i32
      }
      scf.yield %while3A#1 : i32
    }
    %scan3A_6 = arith.constant 8 : i32
    %mul3A_7 = arith.constant 16 : i32
    %mul3A_8 = arith.muli %add3A, %mul3A_7 : i32
    "tpu.region"() ({
      %run_scoped3A = tpu.sem_alloc : memref<!tpu.dma_semaphore, #tpu.memory_space<semaphore_mem>>
      %dma_start3A = arith.constant 0 : i32
      %dma_start3A_9 = tpu.memref_slice %arg5[%mul3A_8, %dma_start3A] : memref<512x128xf32, #tpu.memory_space<hbm>> -> memref<16x128xf32, #tpu.memory_space<hbm>>
      %dma_start3A_10 = arith.constant 0 : i32
      %dma_start3A_11 = tpu.memref_slice %arg5[%mul3A_8, %dma_start3A_10] : memref<512x128xf32, #tpu.memory_space<hbm>> -> memref<16x128xf32, #tpu.memory_space<hbm>>
      tpu.enqueue_dma source(%arg9 : memref<16x128xf32, #tpu.memory_space<vmem>>) target(%dma_start3A_11 : memref<16x128xf32, #tpu.memory_space<hbm>>) target_semaphore(%run_scoped3A : memref<!tpu.dma_semaphore, #tpu.memory_space<semaphore_mem>>)
      %dma_wait3A = arith.constant 0 : i32
      %dma_wait3A_12 = tpu.memref_slice %arg5[%mul3A_8, %dma_wait3A] : memref<512x128xf32, #tpu.memory_space<hbm>> -> memref<16x128xf32, #tpu.memory_space<hbm>>
      %dma_wait3A_13 = arith.constant 0 : i32
      %dma_wait3A_14 = tpu.memref_slice %arg5[%mul3A_8, %dma_wait3A_13] : memref<512x128xf32, #tpu.memory_space<hbm>> -> memref<16x128xf32, #tpu.memory_space<hbm>>
      tpu.wait_dma2 semaphore(%run_scoped3A : memref<!tpu.dma_semaphore, #tpu.memory_space<semaphore_mem>>) src(%arg9 : memref<16x128xf32, #tpu.memory_space<vmem>>) dst(%dma_wait3A_14 : memref<16x128xf32, #tpu.memory_space<hbm>>)
      tpu.yield
    }) : () -> ()
    return
  }
}

module attributes {stable_mosaic.version = 14 : i64} {
  func.func @_tc_reduce_body(%arg0: memref<672x128xf32, #tpu.memory_space<vmem>>, %arg1: memref<1x1xf32, #tpu.memory_space<smem>>) attributes {dimension_semantics = [], scalar_prefetch = 0 : i64, scratch_operands = 0 : i64, tpu.core_type = #tpu.core_type<tc>} {
    %get3A = arith.constant 0 : index
    %get3A_0 = arith.constant 0 : index
    %get3A_1 = vector.load %arg0[%get3A, %get3A_0] : memref<672x128xf32, #tpu.memory_space<vmem>>, vector<672x128xf32>
    %iota3A = tpu.iota {dimensions = array<i32: 0>} : vector<672x128xi32>
    %lt3A = arith.constant 32 : i32
    %lt3A_2 = vector.broadcast %lt3A : i32 to vector<672x128xi32>
    %lt3A_3 = arith.cmpi slt, %iota3A, %lt3A_2 : vector<672x128xi32>
    %neg3A = arith.constant 0.000000e+00 : f32
    %neg3A_4 = vector.broadcast %neg3A : f32 to vector<672x128xf32>
    %neg3A_5 = arith.subf %neg3A_4, %get3A_1 : vector<672x128xf32>
    %select_n3A = arith.select %lt3A_3, %get3A_1, %neg3A_5 : vector<672x128xi1>, vector<672x128xf32>
    %min3A = arith.constant 0.000000e+00 : f32
    %min3A_6 = vector.broadcast %min3A : f32 to vector<672x128xf32>
    %min3A_7 = arith.minimumf %select_n3A, %min3A_6 : vector<672x128xf32>
    %abs3A = math.absf %select_n3A : vector<672x128xf32>
    %neg3A_8 = arith.constant 0.000000e+00 : f32
    %neg3A_9 = vector.broadcast %neg3A_8 : f32 to vector<672x128xf32>
    %neg3A_10 = arith.subf %neg3A_9, %abs3A : vector<672x128xf32>
    %exp3A = math.exp %neg3A_10 : vector<672x128xf32>
    %log1p3A = math.log1p %exp3A : vector<672x128xf32>
    %sub3A = arith.subf %min3A_7, %log1p3A : vector<672x128xf32>
    %reduce_sum3A = vector.shape_cast %sub3A : vector<672x128xf32> to vector<1x672x128xf32>
    %reduce_sum3A_11 = arith.constant dense<0.000000e+00> : vector<1xf32>
    %reduce_sum3A_12 = vector.multi_reduction <add>, %reduce_sum3A, %reduce_sum3A_11 [1, 2] : vector<1x672x128xf32> to vector<1xf32>
    %reduce_sum3A_13 = vector.shape_cast %reduce_sum3A_12 : vector<1xf32> to vector<1x1x1xf32>
    %reduce_sum3A_14 = vector.extract %reduce_sum3A_13[0, 0, 0] : f32 from vector<1x1x1xf32>
    %neg3A_15 = arith.constant 0.000000e+00 : f32
    %neg3A_16 = arith.subf %neg3A_15, %reduce_sum3A_14 : f32
    %div3A = arith.constant 4.096000e+03 : f32
    %div3A_17 = arith.divf %neg3A_16, %div3A : f32
    %swap3A = arith.constant 0 : index
    %swap3A_18 = arith.constant 0 : index
    %swap3A_19 = memref.load %arg1[%swap3A, %swap3A_18] : memref<1x1xf32, #tpu.memory_space<smem>>
    memref.store %div3A_17, %arg1[%swap3A, %swap3A_18] : memref<1x1xf32, #tpu.memory_space<smem>>
    return
  }
}

</mosaic_0001>

<sc_bundles>
// kernel: kernel.5.cloned.1.call-start
scs
__scs_entry_jumppad:
0x0: {  	(pc) =	sbr.rel $0x88, $3  }
0x1: {  	(tag) =	ssettag $0x0;
	lr =	simm.s32 $0x1  }
0x2: {  	[smem:$0x3F9C] =	sst lr;
	_ =	strace $0xD0000000  }
0x3: {  	_ = 	snop  }
0x4: {  	_ = 	snop  }
0x5: {  	_ = 	snop  }
0x6: {  	_ = 	snop  }
0x7: {  	_ = 	snop  }
__scs_overlays_trampoline_lowered:
0x8: {  	[smem:$0x3FAB] =	sst s0  }
0x9: {  	[smem:$0x3FAC] =	sst s1  }
0xa: {  	[smem:$0x3FAD] =	sst s2  }
0xb: {  	[smem:$0x3FAE] =	sst s3  }
0xc: {  	[smem:$0x3FAF] =	sst s4  }
0xd: {  	[smem:$0x3FB0] =	sst s5  }
0xe: {  	[smem:$0x3FB1] =	sst s6  }
0xf: {  	[smem:$0x3FB2] =	sst s7  }
0x10: {  	[smem:$0x3FB3] =	sst s8  }
0x11: {  	[smem:$0x3FB4] =	sst s9;
	s0 =	simm.s32 @!p0 $0x0  }
0x12: {  	s1 =	sld [smem:$0x3F9A];
	s0 =	simm.s32 @p0 $0x1  }
0x13: {  	[smem:$0x3FB5] =	sst s0;
	s0 =	simm.s32 @!p1 $0x0  }
0x14: {  	s2 =	sld [smem:$0x3F99];
	s0 =	simm.s32 @p1 $0x1  }
0x15: {  	[smem:$0x3FB6] =	sst s0;
	s0 =	simm.s32 @!p2 $0x0  }
0x16: {  	s3 =	sld [smem:$0x3FDB];
	s0 =	simm.s32 @p2 $0x1  }
0x17: {  	s4 =	simm.s32 $0x1BF5;
	[smem:$0x3FB8] =	sst s0  }
0x18: {  	s0 =	sld [smem:$0x3F9B];
	_ =	swait.ge [sflag:s4], $0x0  }
0x19: {  	s7 =	sld [smem:$0x3F9C]  }
0x1a: {  	s8 =	sadd.s32 $0xFFFFE003, lr  }
0x1b: {  	s9 =	sadd.s32 $0xFFFFFEF7, lr;
	s5 =	simm.s32 $0xFFFFFFFF;
	p2 =	slt.u32 s8, $0xFFFFF086  }
0x1c: {  	p1 =	slt.u32 s9, $0xF7A;
	s5 =	simm.s32 @!p2 $0x0  }
0x1d: {  	s5 =	simm.s32 @p1 $0x1;
	p0 =	seq.s32 s7, s2  }
0x1e: {  	s7 =	smul.u32 @!p0 $0xF7A, s2;
	p2 =	seq.s32 @!p0 s5, $0x0  }
0x1f: {  	s9 =	smul.u32 $0xF7A, s1;
	s8 =	simm.s32 @!p0 $0x1BF5;
	p2 =	por !p2, p0  }
0x20: {  	[sflag:s8] =	ssyncset.s32 @!p0 $0xFFFFF086;
	s6 =	sadd.s32 @!p0 s3, s7;
	s7 =	simm.s32 @!p0 $0x108  }
0x21: {  	s3 =	sadd.s32 s3, s9;
	s6 =	sadd.s32 @!p0 $0x88, s6;
	s7 =	simm.s32 @p2 $0x1082  }
0x22: {  	[simem:s7], [sflag:s8] =	dma.local @!p0 [hbm:s6], $0xF7A  }
0x23: {  	s9 =	sor.u32 $0xD0000000, s2;
	s6 =	simm.s32 $0x108;
	_ =	swait.ge @!p0 [sflag:s8], $0x0  }
0x24: {  	s3 =	sadd.s32 $0x88, s3;
	s6 =	simm.s32 @!p1 $0x1082;
	[sflag:s4] =	ssyncset.s32 $0xFFFFF086  }
0x25: {  	[simem:s6], [sflag:s4] =	dma.local [hbm:s3], $0xF7A  }
0x26: {  	[smem:$0x3F9C] =	sst s1;
	(tag) =	ssettag s2;
	_ =	strace s9  }
0x27: {  	s1 =	sld [smem:$0x3FAC]  }
0x28: {  	s2 =	sld [smem:$0x3FAD]  }
0x29: {  	s4 =	sld [smem:$0x3FAF]  }
0x2a: {  	p0 =	seq.s32 s5, $0x0;
	s5 =	sld [smem:$0x3FB0]  }
0x2b: {  	s6 =	sld [smem:$0x3FB1]  }
0x2c: {  	s7 =	sld [smem:$0x3FB2]  }
0x2d: {  	s3 =	simm.s32 $0x108;
	s8 =	sld [smem:$0x3FB3]  }
0x2e: {  	s3 =	simm.s32 @!p0 $0x1082;
	s9 =	sld [smem:$0x3FB4]  }
0x2f: {  	lr =	sadd.s32 s0, s3;
	s0 =	sld [smem:$0x3FAB]  }
0x30: {  	s3 =	sld [smem:$0x3FAE]  }
0x31: {  	[smem:$0x3FB7] =	sst s10  }
0x32: {  	s10 =	sld [smem:$0x3FB5];
	_ =	sdelay $0x3  }
0x33: {  	p0 =	seq.s32 s10, $0x1;
	s10 =	sld [smem:$0x3FB7];
	_ =	sdelay $0x3  }
0x34: {  	[smem:$0x3FB7] =	sst s10  }
0x35: {  	s10 =	sld [smem:$0x3FB6];
	_ =	sdelay $0x3  }
0x36: {  	p1 =	seq.s32 s10, $0x1;
	s10 =	sld [smem:$0x3FB7];
	_ =	sdelay $0x3  }
0x37: {  	[smem:$0x3FB7] =	sst s10  }
0x38: {  	s10 =	sld [smem:$0x3FB8]  }
0x39: {  	_ = 	snop;
	(pc) =	sbr.ind lr, $3  }
0x3a: {  	_ = 	snop  }
0x3b: {  	_ = 	snop  }
0x3c: {  	p2 =	seq.s32 s10, $0x1;
	s10 =	sld [smem:$0x3FB7]  }
0x3d: {  	_ =	shalt  }
0x3e: {  	_ =	shalt  }
0x3f: {  	_ =	shalt  }
0x40: {  	_ =	shalt  }
0x41: {  	_ =	shalt  }
0x42: {  	_ =	shalt  }
0x43: {  	_ =	shalt  }
0x44: {  	_ =	shalt  }
0x45: {  	_ =	shalt  }
0x46: {  	_ =	shalt  }
0x47: {  	_ =	shalt  }
0x48: {  	_ =	shalt  }
0x49: {  	_ =	shalt  }
0x4a: {  	_ =	shalt  }
0x4b: {  	_ =	shalt  }
0x4c: {  	_ =	shalt  }
0x4d: {  	_ =	shalt  }
0x4e: {  	_ =	shalt  }
0x4f: {  	_ =	shalt  }
0x50: {  	_ =	shalt  }
0x51: {  	_ =	shalt  }
0x52: {  	_ =	shalt  }
0x53: {  	_ =	shalt  }
0x54: {  	_ =	shalt  }
0x55: {  	_ =	shalt  }
0x56: {  	_ =	shalt  }
0x57: {  	_ =	shalt  }
0x58: {  	_ =	shalt  }
0x59: {  	_ =	shalt  }
0x5a: {  	_ =	shalt  }
0x5b: {  	_ =	shalt  }
0x5c: {  	_ =	shalt  }
0x5d: {  	_ =	shalt  }
0x5e: {  	_ =	shalt  }
0x5f: {  	_ =	shalt  }
0x60: {  	_ =	shalt  }
0x61: {  	_ =	shalt  }
0x62: {  	_ =	shalt  }
0x63: {  	_ =	shalt  }
0x64: {  	_ =	shalt  }
0x65: {  	_ =	shalt  }
0x66: {  	_ =	shalt  }
0x67: {  	_ =	shalt  }
0x68: {  	_ =	shalt  }
0x69: {  	_ =	shalt  }
0x6a: {  	_ =	shalt  }
0x6b: {  	_ =	shalt  }
0x6c: {  	_ =	shalt  }
0x6d: {  	_ =	shalt  }
0x6e: {  	_ =	shalt  }
0x6f: {  	_ =	shalt  }
0x70: {  	_ =	shalt  }
0x71: {  	_ =	shalt  }
0x72: {  	_ =	shalt  }
0x73: {  	_ =	shalt  }
0x74: {  	_ =	shalt  }
0x75: {  	_ =	shalt  }
0x76: {  	_ =	shalt  }
0x77: {  	_ =	shalt  }
0x78: {  	_ =	shalt  }
0x79: {  	_ =	shalt  }
0x7a: {  	_ =	shalt  }
0x7b: {  	_ =	shalt  }
0x7c: {  	_ =	shalt  }
0x7d: {  	_ =	shalt  }
0x7e: {  	_ =	shalt  }
0x7f: {  	_ =	shalt  }
0x80: {  	_ =	shalt  }
0x81: {  	_ =	shalt  }
0x82: {  	_ =	shalt  }
0x83: {  	_ =	shalt  }
0x84: {  	_ =	shalt  }
0x85: {  	_ =	shalt  }
0x86: {  	_ =	shalt  }
0x87: {  	_ =	shalt  }
.Lfunc_end0:
.L_simem_size_0:
called_computation_lowered:
.L_overlay_start_0:
0x88: {  	s2 =	sld [smem:$0x3FD9]  }
0x89: {  	s3 =	sld [smem:$0x3FFE];
	_ =	sdelay $0x1  }
0x8a: {  	s1 =	srdreg.scid  }
0x8b: {  	s0 =	sand.u32 $0x1, s1  }
0x8c: {  	s17 =	sshll.u32 s0, $0xA;
	s2 =	sadd.s32 s3, s2  }
0x8d: {  	s2 =	sadd.s32 s2, s17  }
0x8e: {  	[smem:$0x3FC3] =	sst s2  }
0x8f: {  	_ = 	snop  }
0x90: {  	s2 =	sld [smem:$0x3FC9];
	(tm) =	ssettm $0x1  }
0x91: {  	s18 =	sld [smem:$0x3FFB];
	_ =	sdelay $0x3  }
0x92: {  	_ =	strace s18  }
0x93: {  	s3 =	sld [smem:$0x3FFC];
	_ =	sdelay $0x3  }
0x94: {  	_ =	strace s3  }
0x95: {  	s3 =	sld [smem:$0x3FFD];
	_ =	sdelay $0x3  }
0x96: {  	_ =	strace s3  }
0x97: {  	_ =	strace $0x8FFFFFFF  }
0x98: {  	s19 =	sld [smem:$0x3FDB];
	_ =	sdelay $0x1  }
0x99: {  	s4 =	simm.s32 $_scs_section_size  }
0x9a: {  	s5 =	simm.s32 $_size__tile_overlayer_lowered;
	s6 =	simm.s32 $_tile_overlayer_lowered  }
0x9b: {  	s22 =	simm.s32 $0x1BFF;
	s21 =	sshll.u32 s6, $0x1;
	s3 =	sadd.s32 s4, s19  }
0x9c: {  	s7 =	simm.s32 $0x0;
	s20 =	sshll.u32 s5, $0x1;
	s5 =	sadd.s32 s21, s3  }
0x9d: {  	[timem:s7], [sflag:s22] =	dma.local [hbm:s5], s20  }
0x9e: {  	_ =	swait.ge [sflag:s22], s20  }
0x9f: {  	s4 =	ssub.s32 $0x0, s20;
	[sflag:s22] =	ssyncset.done $0x0  }
0xa0: {  	[sflag:s22] =	ssyncadd.s32 s4;
	_ =	sdelay $0x1  }
0xa1: {  	s23 =	simm.s32 $0x1B8B  }
0xa2: {  	_ =	swait.ge [sflag:s23], $0x1  }
0xa3: {  	[sflag:s23] =	ssyncset.done $0x0  }
0xa4: {  	s25 =	simm.s32 $0x1B8E;
	s24 =	sld [smem:$0x3FFE];
	[sflag:s23] =	ssyncadd.s32 $0xFFFFFFFF  }
0xa5: {  	s26 =	simm.s32 $execute0_lowered;
	[smem:$0x3FD2] =	sst s25  }
0xa6: {  	s5 =	sshll.u32 s26, $0x1;
	_ =	strace $0x80000046;
	[dreg:$0x1] =	wrdreg $0xFFFFFFFF  }
0xa7: {  	s28 =	simm.s32 $_size_execute0_lowered;
	s3 =	sadd.s32 s3, s5;
	[dreg:$0x0] =	wrdreg $0x0  }
0xa8: {  	s5 =	sshll.u32 s28, $0x1;
	[dreg:$0x2] =	wrdreg s3  }
0xa9: {  	[dreg:$0x3] =	wrdreg s5  }
0xaa: {  	[dreg:$0x4] =	wrdreg $0xC0  }
0xab: {  	_ =	task [dreg:s7], $0x5FFFF  }
0xac: {  	[dreg:$0x1] =	wrdreg $0xFFFFFFFF  }
0xad: {  	[dreg:$0x0] =	wrdreg $0x60  }
0xae: {  	[dreg:$0x2] =	wrdreg s2  }
0xaf: {  	[dreg:$0x3] =	wrdreg s24  }
0xb0: {  	[dreg:$0x4] =	wrdreg $0x9  }
0xb1: {  	_ =	task.clear_ibuf [dreg:s7], $0x5FFFF;
	_ =	strace $0x90000046  }
0xb2: {  	s29 =	simm.s32 $0x9;
	_ =	strace $0x80000048  }
0xb3: {  	_ =	swait.ge [sflag:s29], $0x1  }
0xb4: {  	[sflag:s29] =	ssyncadd.s32 $0xFFFFFFFF  }
0xb5: {  	_ =	strace $0x90000048  }
0xb6: {  	_ =	sfence  }
0xb7: {  	s30 =	sld [smem:$0x0];
	_ =	sdelay $0x2  }
0xb8: {  	s31 =	sshll.u32 s1, $0xD;
	s1 =	sshrl.u32 s1, $0x2  }
0xb9: {  	s3 =	sand.u32 $0x4000, s31;
	s1 =	sadd.s32 s1, s30  }
0xba: {  	s0 =	sor.u32 s3, s0;
	s1 =	sshll.u32 s1, $0x11  }
0xbb: {  	s0 =	sor.u32 s1, s0  }
0xbc: {  	s0 =	sadd.s32 $0x8F2B, s0  }
0xbd: {  	[sflag:s0] =	ssyncadd.remote.s32 $0x1  }
0xbe: {  	_ =	sfence.sel $0xFFFF  }
0xbf: {  	[dreg:$0x0] =	wrdreg $0xFFFFFFFF;
	(pc) =	sbr.abs _section_cstart, $3  }
0xc0: {  	[dreg:$0x1] =	wrdreg $0xFFFFFFFF  }
0xc1: {  	_ =	task.clear_ibuf [dreg:s7], $0x2FFFF;
	_ =	strace $0x9FFFFFFF  }
0xc2: {  	(tm) =	ssettm $0x7FFFFFFF  }
0xc3: {  	_ =	shalt  }
tec
execute0_lowered:
.L_overlay_start_1:
0x0: {  	(tag) =	ssettag $0x1  }
0x1: {  	s1 =	rddreg [dreg:$0x0]  }
0x2: {  	s5 =	rddreg [dreg:$0x1]  }
0x3: {  	s0 =	rddreg [dreg:$0x2];
	v0 =	vlaneseq.u32;
	s3 =	simm.s32 $0x0  }
0x4: {  	s4 =	srdreg.scid;
	s2 =	stileid.u32;
	s10 =	simm.s32 $0x8880;
	v1 =	vand.u32 $0x7, v0  }
0x5: {  	vm0 =	vcmask $0x3F24;
	vm1 =	vcmask $0x1F04;
	s11 =	simm.s32 $0x80;
	s12 =	simm.s32 $0x0;
	[smem:$0x7FF] =	sst s3;
	v1 =	vmul.u32 $0x10, v1  }
0x6: {  	v2 =	vimm.s32 $0x0;
	v3 =	vimm.f32 $0.0e+00;
	s6 =	sand.u32 $0x1, s4;
	s7 =	sshll.u32 s2, $0x1;
	s4 =	sadd.s32 $0x200, s5;
	vm0 =	vmor vm1, vm0  }
.Ltmp0:
0x7: {  	_ =	strace $0x80000047;
	s7 =	sor.u32 s6, s7;
	v4 =	vor.u32 $0x1, v1;
	v5 =	vor.u32 $0x2, v1;
	v6 =	vor.u32 $0x3, v1;
	(pc) =	sbr.rel .LBB2_1-.Ltmp0, $4  }
0x8: {  	s6 =	ssub.s32 $0x2, s6;
	s8 =	sshll.u32 s7, $0x4;
	s7 =	sshll.u32 s7, $0x8;
	v7 =	vor.u32 $0x4, v1;
	v8 =	vor.u32 $0x5, v1;
	v9 =	vor.u32 $0x6, v1  }
0x9: {  	s31 =	sshrl.u32 s6, $0x1;
	s8 =	sadd.s32 s8, s5;
	s7 =	sadd.s32 s7, s5;
	v10 =	vor.u32 $0x7, v1;
	v11 =	vor.u32 $0x8, v1;
	v12 =	vor.u32 $0x9, v1  }
0xa: {  	s9 =	ssub.s32 s6, s31;
	v13 =	vor.u32 $0xA, v1;
	v14 =	vor.u32 $0xB, v1;
	v15 =	vor.u32 $0xC, v1;
	s5 =	sadd.s32 $0x600, s8;
	s6 =	sadd.s32 $0x800, s7  }
0xb: {  	v16 =	vor.u32 $0xD, v1;
	v17 =	vor.u32 $0xE, v1;
	v18 =	vor.u32 $0xF, v1;
	s7 =	smax.u32 s9, $0x1;
	s8 =	simm.s32 $0x1;
	s9 =	simm.s32 $0x8080  }
.LBB2_8:
0xc: {  	s12 =	sadd.s32 $0x1, s12  }
0xd: {  	p0 =	sne.s32 s12, s7  }
.Ltmp1:
0xe: {  	_ = 	snop;
	(pc) =	sbr.rel @!p0 .LBB2_9-.Ltmp1, $4  }
0xf: {  	[hbm4b:s6+s3] =	stream.linear.scatter [tilespmem:s10], [sflag:$0x1], $0x800, $0x38;
	[tilespmem:$0x9080] =	vst v63  }
0x10: {  	_ =	swait.ge [sflag:s8], $0x800  }
0x11: {  	[sflag:s8] =	ssyncset.done $0x0  }
0x12: {  	[sflag:s8] =	ssyncadd.s32 $0xFFFFF800  }
.LBB2_1:
0x13: {  	[tilespmem:s3], [sflag:$0x1] =	stream.linear.gather [hbm4b:s5+s3], $0x80, $0x38;
	[tilespmem:$0x9080] =	vst v63  }
0x14: {  	_ =	swait.ge [sflag:s8], $0x80  }
0x15: {  	[sflag:s8] =	ssyncset.done $0x0  }
.Ltmp2:
0x16: {  	[sflag:s8] =	ssyncadd.s32 $0xFFFFFF80;
	(pc) =	sbr.rel .LBB2_2-.Ltmp2, $4  }
0x17: {  	[tilespmem:s9], [sflag:$0x1] =	stream.linear.gather [hbm4b:s4+s3], $0x800, $0x38;
	[tilespmem:$0x9080] =	vst v63  }
0x18: {  	_ =	swait.ge [sflag:s8], $0x800  }
0x19: {  	[sflag:s8] =	ssyncset.done $0x0  }
0x1a: {  	s14 =	simm.s32 $0x0;
	s13 =	simm.s32 $0x0;
	[sflag:s8] =	ssyncadd.s32 $0xFFFFF800  }
.LBB2_7:
0x1b: {  	s13 =	sadd.s32 $0x1, s13  }
0x1c: {  	p0 =	sne.s32 s13, $0x8  }
.Ltmp3:
0x1d: {  	_ = 	snop;
	(pc) =	sbr.rel @!p0 .LBB2_8-.Ltmp3, $1  }
0x1e: {  	_ =	sdelay $0x3  }
.LBB2_2:
0x1f: {  	s15 =	sshll.u32 s13, $0x4  }
0x20: {  	v19 =	vld [tilespmem:s15+$0x0];
	_ =	sdelay $0x4  }
0x21: {  	vm1 =	vgt.s32 v19, $0xF41FF  }
0x22: {  	v20 =	vsel vm1, $0x3F800000, v3  }
0x23: {  	(xrf0) =	vmax.scan.msk.f32 $0xffff, v20;
	_ =	sdelay $0x5  }
0x24: {  	v21, _, _ =	vpop (xrf0)  }
0x25: {  	(v2sf) =	vpush v21, $0xF;
	_ =	sdelay $0xe  }
0x26: {  	s16 =	spop (v2sf)  }
0x27: {  	p0 =	sgt.f32 s16, $0.0e+00  }
.Ltmp4:
0x28: {  	v21 =	vmov s15;
	(pc) =	sbr.rel @!p0 .LBB2_4-.Ltmp4, $4  }
0x29: {  	vm2 =	veq.s32 v21, v0  }
0x2a: {  	v21 =	vor.u32 s15, v0;
	vm2 =	vmand vm2, vm0  }
0x2b: {  	v21 =	vshrl.u32 v21, $0x3;
	v22 =	vsel vm2, $0xFFFFFFFF, v2  }
0x2c: {  	v21 =	vadd.s32 v22, v21  }
0x2d: {  	v22 =	vadd.s32 $0xFFF0BE00, v19  }
0x2e: {  	vm2 =	vgt.s32 v22, $0x0  }
0x2f: {  	v22 =	vnsel vm2, $0x0, v22  }
0x30: {  	v22 =	vmin.u32 v22, $0x3F;
	_ =	sdelay $0x3  }
0x31: {  	v23 =	vshll.u32 v21, $0x7;
	vm2 =	vgt.s32 v19, $0xF41FF  }
0x32: {  	v25 =	vor.u32 v1, v23;
	v24 =	vld.idx.msk [tilespmem:v22+s9+$0x0], $0xffff  }
0x33: {  	v26 =	vor.u32 $0x80, v22;
	_ =	sdelay $0x3  }
0x34: {  	[tilespmem:v25+s10+$0x0] =	vst.idx.msk vm2, v24  }
0x35: {  	v37 =	vor.u32 v4, v23;
	v24 =	vld.idx.msk [tilespmem:v26+s9+$0x0], $0xffff  }
0x36: {  	v38 =	vor.u32 $0x100, v22;
	_ =	sdelay $0x3  }
0x37: {  	[tilespmem:v37+s10+$0x0] =	vst.idx.msk vm2, v24  }
0x38: {  	v39 =	vor.u32 v5, v23;
	v24 =	vld.idx.msk [tilespmem:v38+s9+$0x0], $0xffff  }
0x39: {  	v40 =	vor.u32 $0x180, v22;
	_ =	sdelay $0x3  }
0x3a: {  	[tilespmem:v39+s10+$0x0] =	vst.idx.msk vm2, v24  }
0x3b: {  	v41 =	vor.u32 v6, v23;
	v24 =	vld.idx.msk [tilespmem:v40+s9+$0x0], $0xffff  }
0x3c: {  	v42 =	vor.u32 $0x200, v22;
	_ =	sdelay $0x3  }
0x3d: {  	[tilespmem:v41+s10+$0x0] =	vst.idx.msk vm2, v24  }
0x3e: {  	v43 =	vor.u32 v7, v23;
	v24 =	vld.idx.msk [tilespmem:v42+s9+$0x0], $0xffff  }
0x3f: {  	v44 =	vor.u32 $0x280, v22;
	_ =	sdelay $0x3  }
0x40: {  	[tilespmem:v43+s10+$0x0] =	vst.idx.msk vm2, v24  }
0x41: {  	v45 =	vor.u32 v8, v23;
	v24 =	vld.idx.msk [tilespmem:v44+s9+$0x0], $0xffff  }
0x42: {  	v46 =	vor.u32 $0x300, v22;
	_ =	sdelay $0x3  }
0x43: {  	[tilespmem:v45+s10+$0x0] =	vst.idx.msk vm2, v24  }
0x44: {  	v47 =	vor.u32 v9, v23;
	v24 =	vld.idx.msk [tilespmem:v46+s9+$0x0], $0xffff  }
0x45: {  	v48 =	vor.u32 $0x380, v22;
	_ =	sdelay $0x3  }
0x46: {  	[tilespmem:v47+s10+$0x0] =	vst.idx.msk vm2, v24  }
0x47: {  	v49 =	vor.u32 v10, v23;
	v24 =	vld.idx.msk [tilespmem:v48+s9+$0x0], $0xffff  }
0x48: {  	v50 =	vor.u32 $0x400, v22;
	_ =	sdelay $0x3  }
0x49: {  	[tilespmem:v49+s10+$0x0] =	vst.idx.msk vm2, v24  }
0x4a: {  	v51 =	vor.u32 v11, v23;
	v24 =	vld.idx.msk [tilespmem:v50+s9+$0x0], $0xffff  }
0x4b: {  	v52 =	vor.u32 $0x480, v22;
	_ =	sdelay $0x3  }
0x4c: {  	[tilespmem:v51+s10+$0x0] =	vst.idx.msk vm2, v24  }
0x4d: {  	v53 =	vor.u32 v12, v23;
	v24 =	vld.idx.msk [tilespmem:v52+s9+$0x0], $0xffff  }
0x4e: {  	v54 =	vor.u32 $0x500, v22;
	_ =	sdelay $0x3  }
0x4f: {  	[tilespmem:v53+s10+$0x0] =	vst.idx.msk vm2, v24  }
0x50: {  	v55 =	vor.u32 v13, v23;
	v24 =	vld.idx.msk [tilespmem:v54+s9+$0x0], $0xffff  }
0x51: {  	v56 =	vor.u32 $0x580, v22;
	_ =	sdelay $0x3  }
0x52: {  	[tilespmem:v55+s10+$0x0] =	vst.idx.msk vm2, v24  }
0x53: {  	v57 =	vor.u32 v14, v23;
	v24 =	vld.idx.msk [tilespmem:v56+s9+$0x0], $0xffff  }
0x54: {  	v58 =	vor.u32 $0x600, v22;
	_ =	sdelay $0x3  }
0x55: {  	[tilespmem:v57+s10+$0x0] =	vst.idx.msk vm2, v24  }
0x56: {  	v59 =	vor.u32 v15, v23;
	v24 =	vld.idx.msk [tilespmem:v58+s9+$0x0], $0xffff  }
0x57: {  	v60 =	vor.u32 $0x680, v22;
	_ =	sdelay $0x3  }
0x58: {  	[tilespmem:v59+s10+$0x0] =	vst.idx.msk vm2, v24  }
0x59: {  	v61 =	vor.u32 v16, v23;
	v24 =	vld.idx.msk [tilespmem:v60+s9+$0x0], $0xffff  }
0x5a: {  	v62 =	vor.u32 $0x700, v22;
	_ =	sdelay $0x3  }
0x5b: {  	[tilespmem:v61+s10+$0x0] =	vst.idx.msk vm2, v24  }
0x5c: {  	v63 =	vor.u32 v17, v23;
	v24 =	vld.idx.msk [tilespmem:v62+s9+$0x0], $0xffff  }
0x5d: {  	v22 =	vor.u32 $0x780, v22;
	_ =	sdelay $0x3  }
0x5e: {  	[tilespmem:v63+s10+$0x0] =	vst.idx.msk vm2, v24  }
0x5f: {  	v23 =	vor.u32 v18, v23;
	v22 =	vld.idx.msk [tilespmem:v22+s9+$0x0], $0xffff;
	_ =	sdelay $0x4  }
0x60: {  	[tilespmem:v23+s10+$0x0] =	vst.idx.msk vm2, v22  }
.LBB2_4:
0x61: {  	(xrf0) =	vmin.scan.msk.f32 $0xffff, v20;
	_ =	sdelay $0x5  }
0x62: {  	v20, _, _ =	vpop (xrf0)  }
0x63: {  	(v2sf) =	vpush v20, $0xF;
	_ =	sdelay $0xe  }
0x64: {  	s15 =	spop (v2sf)  }
0x65: {  	p0 =	sgt.f32 s15, $0.0e+00  }
.Ltmp5:
0x66: {  	_ = 	snop;
	(pc) =	sbr.rel @p0 .LBB2_7-.Ltmp5, $1  }
0x67: {  	_ =	sdelay $0x3  }
0x68: {  	v36 =	vshll.u32 v21, $0x7  }
0x69: {  	v20 =	vxor.u32 $0x80000000, v19;
	v21 =	vor.u32 v1, v36  }
0x6a: {  	v22 =	vor.u32 v4, v36;
	v23 =	vor.u32 v5, v36;
	v24 =	vor.u32 v6, v36  }
0x6b: {  	v25 =	vor.u32 v7, v36;
	v26 =	vor.u32 v8, v36;
	v27 =	vor.u32 v9, v36  }
0x6c: {  	v28 =	vor.u32 v10, v36;
	v29 =	vor.u32 v11, v36;
	v30 =	vor.u32 v12, v36  }
0x6d: {  	v31 =	vor.u32 v13, v36;
	v32 =	vor.u32 v14, v36;
	v33 =	vor.u32 v15, v36  }
0x6e: {  	v34 =	vor.u32 v16, v36;
	v35 =	vor.u32 v17, v36;
	v36 =	vor.u32 v18, v36  }
.LBB2_6:
0x6f: {  	v37 =	vsel vm1, $0x800F4240, v20  }
0x70: {  	(xrf0) =	vmin.scan.msk.u32 $0xffff, v37;
	_ =	sdelay $0x5  }
0x71: {  	v37, _, _ =	vpop (xrf0)  }
0x72: {  	(v2sf) =	vpush v37, $0xF;
	_ =	sdelay $0xe  }
0x73: {  	s15 =	spop (v2sf)  }
0x74: {  	s16 =	sxor.u32 $0x80000000, s15  }
0x75: {  	p1 =	sgt.s32 s15, $0xFFFFFFFF;
	s15 =	sand.u32 $0x7F, s15;
	p0 =	slt.s32 s16, $0x1  }
0x76: {  	s17 =	sshra.s32 s16, $0x1F;
	p6 =	sne.s32 s15, $0x0;
	p0 =	por p1, p0  }
0x77: {  	s26 =	sshrl.u32 s17, $0x19;
	p0 =	por !p6, !p0  }
0x78: {  	s17 =	simm.s32 $0x1;
	s15 =	sadd.s32 s26, s16;
	p0 =	por !p0, !p0  }
0x79: {  	s15 =	sshrl.u32 s15, $0x7;
	s17 =	simm.s32 @!p0 $0x0  }
0x7a: {  	s28 =	ssub.s32 s15, s17  }
0x7b: {  	s18 =	smov.u32 s14;
	s14 =	sshll.u32 s28, $0x7  }
0x7c: {  	p0 =	slt.s32 s14, $0xF3A00  }
0x7d: {  	s29 =	sadd.s32 $0x800, s18;
	s14 =	simm.s32 @!p0 $0xF3A00  }
0x7e: {  	p0 =	slt.s32 s16, s29;
	s15 =	smov.u32 s14  }
0x7f: {  	p1 =	sge.s32 s16, s18;
	s15 =	smov.u32 @p0 s18  }
0x80: {  	s14 =	smov.u32 @p1 s15  }
0x81: {  	v50 =	vmov s14  }
0x82: {  	v37 =	vsub.s32 v19, v50  }
0x83: {  	vm2 =	vgt.s32 v37, $0x0  }
0x84: {  	v37 =	vnsel vm2, $0x0, v37  }
0x85: {  	p0 =	seq.s32 s14, s18;
	v37 =	vmin.u32 v37, $0x7FF  }
0x86: {  	s15 =	sand.u32 @!p0 $0xFFFFF80, s14;
	s16 =	simm.s32 @!p0 $0x4000;
	v38 =	vshll.u32 v37, $0x3  }
0x87: {  	s17 =	simm.s32 @!p0 $0x7A1400;
	s18 =	simm.s32 @!p0 $0x80;
	s15 =	sadd.s32 @!p0 s1, s15;
	v37 =	vand.u32 $0x7F, v37;
	v38 =	vand.u32 $0x3C00, v38  }
0x88: {  	[tilespmem:s18], [sflag:$0x1] =	stream.strided.gather @!p0 [hbm4b:s15+s16], $0x8000, s17, s16, $0x38;
	v37 =	vor.u32 v37, v38;
	[tilespmem:$0x9080] =	vst v63  }
0x89: {  	s30 =	sadd.s32 $0x800, s14;
	s15 =	simm.s32 @!p0 $0x1  }
0x8a: {  	vm3 =	vlt.s32 v19, s30;
	vm2 =	vge.s32 v19, s14;
	_ =	swait.ge @!p0 [sflag:s15], $0x8000  }
0x8b: {  	vm4 =	vmneg vm1;
	vm3 =	vmand vm2, vm3;
	[sflag:s15] =	ssyncset.done @!p0 $0x0  }
0x8c: {  	vm2 =	vmand vm3, vm4;
	[sflag:s15] =	ssyncadd.s32 @!p0 $0xFFFF8000  }
0x8d: {  	v38 =	vld.idx.msk [tilespmem:v37+s11+$0x0], $0xffff  }
0x8e: {  	v39 =	vor.u32 $0x80, v37;
	_ =	sdelay $0x3  }
0x8f: {  	[tilespmem:v21+s10+$0x0] =	vst.idx.msk vm2, v38  }
0x90: {  	v38 =	vld.idx.msk [tilespmem:v39+s11+$0x0], $0xffff  }
0x91: {  	v51 =	vor.u32 $0x100, v37;
	_ =	sdelay $0x3  }
0x92: {  	[tilespmem:v22+s10+$0x0] =	vst.idx.msk vm2, v38  }
0x93: {  	v38 =	vld.idx.msk [tilespmem:v51+s11+$0x0], $0xffff  }
0x94: {  	v52 =	vor.u32 $0x180, v37;
	_ =	sdelay $0x3  }
0x95: {  	[tilespmem:v23+s10+$0x0] =	vst.idx.msk vm2, v38  }
0x96: {  	v38 =	vld.idx.msk [tilespmem:v52+s11+$0x0], $0xffff  }
0x97: {  	v53 =	vor.u32 $0x200, v37;
	_ =	sdelay $0x3  }
0x98: {  	[tilespmem:v24+s10+$0x0] =	vst.idx.msk vm2, v38  }
0x99: {  	v38 =	vld.idx.msk [tilespmem:v53+s11+$0x0], $0xffff  }
0x9a: {  	v54 =	vor.u32 $0x280, v37;
	_ =	sdelay $0x3  }
0x9b: {  	[tilespmem:v25+s10+$0x0] =	vst.idx.msk vm2, v38  }
0x9c: {  	v38 =	vld.idx.msk [tilespmem:v54+s11+$0x0], $0xffff  }
0x9d: {  	v55 =	vor.u32 $0x300, v37;
	_ =	sdelay $0x3  }
0x9e: {  	[tilespmem:v26+s10+$0x0] =	vst.idx.msk vm2, v38  }
0x9f: {  	v38 =	vld.idx.msk [tilespmem:v55+s11+$0x0], $0xffff  }
0xa0: {  	v56 =	vor.u32 $0x380, v37;
	_ =	sdelay $0x3  }
0xa1: {  	[tilespmem:v27+s10+$0x0] =	vst.idx.msk vm2, v38  }
0xa2: {  	v38 =	vld.idx.msk [tilespmem:v56+s11+$0x0], $0xffff  }
0xa3: {  	v57 =	vor.u32 $0x4000, v37;
	_ =	sdelay $0x3  }
0xa4: {  	[tilespmem:v28+s10+$0x0] =	vst.idx.msk vm2, v38  }
0xa5: {  	v38 =	vld.idx.msk [tilespmem:v57+s11+$0x0], $0xffff  }
0xa6: {  	v58 =	vor.u32 $0x4080, v37;
	_ =	sdelay $0x3  }
0xa7: {  	[tilespmem:v29+s10+$0x0] =	vst.idx.msk vm2, v38  }
0xa8: {  	v38 =	vld.idx.msk [tilespmem:v58+s11+$0x0], $0xffff  }
0xa9: {  	v59 =	vor.u32 $0x4100, v37;
	_ =	sdelay $0x3  }
0xaa: {  	[tilespmem:v30+s10+$0x0] =	vst.idx.msk vm2, v38  }
0xab: {  	v38 =	vld.idx.msk [tilespmem:v59+s11+$0x0], $0xffff  }
0xac: {  	v60 =	vor.u32 $0x4180, v37;
	_ =	sdelay $0x3  }
0xad: {  	vm1 =	vmor vm1, vm3;
	[tilespmem:v31+s10+$0x0] =	vst.idx.msk vm2, v38  }
0xae: {  	v40 =	vsel vm1, $0x3F800000, v3;
	v38 =	vld.idx.msk [tilespmem:v60+s11+$0x0], $0xffff  }
0xaf: {  	(xrf0) =	vmin.scan.msk.f32 $0xffff, v40;
	v61 =	vor.u32 $0x4200, v37;
	_ =	sdelay $0x3  }
0xb0: {  	[tilespmem:v32+s10+$0x0] =	vst.idx.msk vm2, v38  }
0xb1: {  	v38 =	vld.idx.msk [tilespmem:v61+s11+$0x0], $0xffff  }
0xb2: {  	v62 =	vor.u32 $0x4280, v37;
	v40, _, _ =	vpop (xrf0)  }
0xb3: {  	(v2sf) =	vpush v40, $0xF;
	_ =	sdelay $0x2  }
0xb4: {  	[tilespmem:v33+s10+$0x0] =	vst.idx.msk vm2, v38  }
0xb5: {  	v38 =	vld.idx.msk [tilespmem:v62+s11+$0x0], $0xffff  }
0xb6: {  	v63 =	vor.u32 $0x4300, v37;
	_ =	sdelay $0x3  }
0xb7: {  	[tilespmem:v34+s10+$0x0] =	vst.idx.msk vm2, v38  }
0xb8: {  	v38 =	vld.idx.msk [tilespmem:v63+s11+$0x0], $0xffff  }
0xb9: {  	v37 =	vor.u32 $0x4380, v37;
	_ =	sdelay $0x3  }
0xba: {  	s31 =	spop (v2sf);
	[tilespmem:v35+s10+$0x0] =	vst.idx.msk vm2, v38  }
0xbb: {  	p0 =	sgt.f32 s31, $0.0e+00;
	v37 =	vld.idx.msk [tilespmem:v37+s11+$0x0], $0xffff  }
.Ltmp6:
0xbc: {  	_ = 	snop;
	(pc) =	sbr.rel @!p0 .LBB2_6-.Ltmp6, $2  }
0xbd: {  	_ =	sdelay $0x2  }
0xbe: {  	[tilespmem:v36+s10+$0x0] =	vst.idx.msk vm2, v37  }
.Ltmp7:
0xbf: {  	_ = 	snop;
	(pc) =	sbr.rel .LBB2_7-.Ltmp7, $1  }
0xc0: {  	_ =	sdelay $0x3  }
.LBB2_9:
0xc1: {  	_ =	sfence.sel $0x180000  }
0xc2: {  	[bflag:$0x0] =	sbarrier.arrive $0xFFFF  }
0xc3: {  	p0 =	sne.s32 s2, $0x0;
	_ =	strace $0x90000047  }
0xc4: {  	s0 =	sadd.s32 @!p0 $0x100000, s0;
	[bflag:$0x2] =	sbarrier.arrive $0xFFFF  }
0xc5: {  	[sflag:s0] =	ssyncadd.tile.s32 @!p0 $0x1;
	_ =	shalt  }
.Lfunc_end2:
_tile_overlayer_lowered:
.L_overlay_start_2:
0xc6: {  	(tag) =	ssettag $0x2  }
0xc7: {  	s0 =	rddreg [dreg:$0x0];
	s2 =	stileid.u32  }
0xc8: {  	s1 =	rddreg [dreg:$0x1];
	p0 =	sne.s32 s2, $0x0  }
0xc9: {  	s3 =	rddreg [dreg:$0x2];
	[bflag:$0x3] =	sbarrier.arrive $0xFFFF;
	s2 =	simm.s32 @!p0 $0x1C01  }
0xca: {  	[timem:s3], [sflag:s2] =	dma.local @!p0 [hbm:s0], s1  }
0xcb: {  	s0 =	simm.s32 @!p0 $0x1  }
0xcc: {  	_ =	swait.ge @!p0 [sflag:s0], s1  }
0xcd: {  	s1 =	ssub.s32 @!p0 $0x0, s1;
	[sflag:s0] =	ssyncset.done @!p0 $0x0  }
0xce: {  	[sflag:s0] =	ssyncadd.s32 @!p0 s1  }
0xcf: {  	[bflag:$0x3] =	sbarrier.arrive $0xFFFF  }
0xd0: {  	_ =	shalt  }

// kernel: kernel.8.cloned.1.call-start
scs
__scs_entry_jumppad:
0x0: {  	(pc) =	sbr.rel $0x88, $3  }
0x1: {  	(tag) =	ssettag $0x0;
	lr =	simm.s32 $0x1  }
0x2: {  	[smem:$0x3F9C] =	sst lr;
	_ =	strace $0xD0000000  }
0x3: {  	_ = 	snop  }
0x4: {  	_ = 	snop  }
0x5: {  	_ = 	snop  }
0x6: {  	_ = 	snop  }
0x7: {  	_ = 	snop  }
__scs_overlays_trampoline_lowered:
0x8: {  	[smem:$0x3FAB] =	sst s0  }
0x9: {  	[smem:$0x3FAC] =	sst s1  }
0xa: {  	[smem:$0x3FAD] =	sst s2  }
0xb: {  	[smem:$0x3FAE] =	sst s3  }
0xc: {  	[smem:$0x3FAF] =	sst s4  }
0xd: {  	[smem:$0x3FB0] =	sst s5  }
0xe: {  	[smem:$0x3FB1] =	sst s6  }
0xf: {  	[smem:$0x3FB2] =	sst s7  }
0x10: {  	[smem:$0x3FB3] =	sst s8  }
0x11: {  	[smem:$0x3FB4] =	sst s9;
	s0 =	simm.s32 @!p0 $0x0  }
0x12: {  	s1 =	sld [smem:$0x3F9A];
	s0 =	simm.s32 @p0 $0x1  }
0x13: {  	[smem:$0x3FB5] =	sst s0;
	s0 =	simm.s32 @!p1 $0x0  }
0x14: {  	s2 =	sld [smem:$0x3F99];
	s0 =	simm.s32 @p1 $0x1  }
0x15: {  	[smem:$0x3FB6] =	sst s0;
	s0 =	simm.s32 @!p2 $0x0  }
0x16: {  	s3 =	sld [smem:$0x3FDB];
	s0 =	simm.s32 @p2 $0x1  }
0x17: {  	s4 =	simm.s32 $0x1BF5;
	[smem:$0x3FB8] =	sst s0  }
0x18: {  	s0 =	sld [smem:$0x3F9B];
	_ =	swait.ge [sflag:s4], $0x0  }
0x19: {  	s7 =	sld [smem:$0x3F9C]  }
0x1a: {  	s8 =	sadd.s32 $0xFFFFE003, lr  }
0x1b: {  	s9 =	sadd.s32 $0xFFFFFEF7, lr;
	s5 =	simm.s32 $0xFFFFFFFF;
	p2 =	slt.u32 s8, $0xFFFFF086  }
0x1c: {  	p1 =	slt.u32 s9, $0xF7A;
	s5 =	simm.s32 @!p2 $0x0  }
0x1d: {  	s5 =	simm.s32 @p1 $0x1;
	p0 =	seq.s32 s7, s2  }
0x1e: {  	s7 =	smul.u32 @!p0 $0xF7A, s2;
	p2 =	seq.s32 @!p0 s5, $0x0  }
0x1f: {  	s9 =	smul.u32 $0xF7A, s1;
	s8 =	simm.s32 @!p0 $0x1BF5;
	p2 =	por !p2, p0  }
0x20: {  	[sflag:s8] =	ssyncset.s32 @!p0 $0xFFFFF086;
	s6 =	sadd.s32 @!p0 s3, s7;
	s7 =	simm.s32 @!p0 $0x108  }
0x21: {  	s3 =	sadd.s32 s3, s9;
	s6 =	sadd.s32 @!p0 $0x88, s6;
	s7 =	simm.s32 @p2 $0x1082  }
0x22: {  	[simem:s7], [sflag:s8] =	dma.local @!p0 [hbm:s6], $0xF7A  }
0x23: {  	s9 =	sor.u32 $0xD0000000, s2;
	s6 =	simm.s32 $0x108;
	_ =	swait.ge @!p0 [sflag:s8], $0x0  }
0x24: {  	s3 =	sadd.s32 $0x88, s3;
	s6 =	simm.s32 @!p1 $0x1082;
	[sflag:s4] =	ssyncset.s32 $0xFFFFF086  }
0x25: {  	[simem:s6], [sflag:s4] =	dma.local [hbm:s3], $0xF7A  }
0x26: {  	[smem:$0x3F9C] =	sst s1;
	(tag) =	ssettag s2;
	_ =	strace s9  }
0x27: {  	s1 =	sld [smem:$0x3FAC]  }
0x28: {  	s2 =	sld [smem:$0x3FAD]  }
0x29: {  	s4 =	sld [smem:$0x3FAF]  }
0x2a: {  	p0 =	seq.s32 s5, $0x0;
	s5 =	sld [smem:$0x3FB0]  }
0x2b: {  	s6 =	sld [smem:$0x3FB1]  }
0x2c: {  	s7 =	sld [smem:$0x3FB2]  }
0x2d: {  	s3 =	simm.s32 $0x108;
	s8 =	sld [smem:$0x3FB3]  }
0x2e: {  	s3 =	simm.s32 @!p0 $0x1082;
	s9 =	sld [smem:$0x3FB4]  }
0x2f: {  	lr =	sadd.s32 s0, s3;
	s0 =	sld [smem:$0x3FAB]  }
0x30: {  	s3 =	sld [smem:$0x3FAE]  }
0x31: {  	[smem:$0x3FB7] =	sst s10  }
0x32: {  	s10 =	sld [smem:$0x3FB5];
	_ =	sdelay $0x3  }
0x33: {  	p0 =	seq.s32 s10, $0x1;
	s10 =	sld [smem:$0x3FB7];
	_ =	sdelay $0x3  }
0x34: {  	[smem:$0x3FB7] =	sst s10  }
0x35: {  	s10 =	sld [smem:$0x3FB6];
	_ =	sdelay $0x3  }
0x36: {  	p1 =	seq.s32 s10, $0x1;
	s10 =	sld [smem:$0x3FB7];
	_ =	sdelay $0x3  }
0x37: {  	[smem:$0x3FB7] =	sst s10  }
0x38: {  	s10 =	sld [smem:$0x3FB8]  }
0x39: {  	_ = 	snop;
	(pc) =	sbr.ind lr, $3  }
0x3a: {  	_ = 	snop  }
0x3b: {  	_ = 	snop  }
0x3c: {  	p2 =	seq.s32 s10, $0x1;
	s10 =	sld [smem:$0x3FB7]  }
0x3d: {  	_ =	shalt  }
0x3e: {  	_ =	shalt  }
0x3f: {  	_ =	shalt  }
0x40: {  	_ =	shalt  }
0x41: {  	_ =	shalt  }
0x42: {  	_ =	shalt  }
0x43: {  	_ =	shalt  }
0x44: {  	_ =	shalt  }
0x45: {  	_ =	shalt  }
0x46: {  	_ =	shalt  }
0x47: {  	_ =	shalt  }
0x48: {  	_ =	shalt  }
0x49: {  	_ =	shalt  }
0x4a: {  	_ =	shalt  }
0x4b: {  	_ =	shalt  }
0x4c: {  	_ =	shalt  }
0x4d: {  	_ =	shalt  }
0x4e: {  	_ =	shalt  }
0x4f: {  	_ =	shalt  }
0x50: {  	_ =	shalt  }
0x51: {  	_ =	shalt  }
0x52: {  	_ =	shalt  }
0x53: {  	_ =	shalt  }
0x54: {  	_ =	shalt  }
0x55: {  	_ =	shalt  }
0x56: {  	_ =	shalt  }
0x57: {  	_ =	shalt  }
0x58: {  	_ =	shalt  }
0x59: {  	_ =	shalt  }
0x5a: {  	_ =	shalt  }
0x5b: {  	_ =	shalt  }
0x5c: {  	_ =	shalt  }
0x5d: {  	_ =	shalt  }
0x5e: {  	_ =	shalt  }
0x5f: {  	_ =	shalt  }
0x60: {  	_ =	shalt  }
0x61: {  	_ =	shalt  }
0x62: {  	_ =	shalt  }
0x63: {  	_ =	shalt  }
0x64: {  	_ =	shalt  }
0x65: {  	_ =	shalt  }
0x66: {  	_ =	shalt  }
0x67: {  	_ =	shalt  }
0x68: {  	_ =	shalt  }
0x69: {  	_ =	shalt  }
0x6a: {  	_ =	shalt  }
0x6b: {  	_ =	shalt  }
0x6c: {  	_ =	shalt  }
0x6d: {  	_ =	shalt  }
0x6e: {  	_ =	shalt  }
0x6f: {  	_ =	shalt  }
0x70: {  	_ =	shalt  }
0x71: {  	_ =	shalt  }
0x72: {  	_ =	shalt  }
0x73: {  	_ =	shalt  }
0x74: {  	_ =	shalt  }
0x75: {  	_ =	shalt  }
0x76: {  	_ =	shalt  }
0x77: {  	_ =	shalt  }
0x78: {  	_ =	shalt  }
0x79: {  	_ =	shalt  }
0x7a: {  	_ =	shalt  }
0x7b: {  	_ =	shalt  }
0x7c: {  	_ =	shalt  }
0x7d: {  	_ =	shalt  }
0x7e: {  	_ =	shalt  }
0x7f: {  	_ =	shalt  }
0x80: {  	_ =	shalt  }
0x81: {  	_ =	shalt  }
0x82: {  	_ =	shalt  }
0x83: {  	_ =	shalt  }
0x84: {  	_ =	shalt  }
0x85: {  	_ =	shalt  }
0x86: {  	_ =	shalt  }
0x87: {  	_ =	shalt  }
.Lfunc_end0:
.L_simem_size_0:
called_computation.1_lowered:
.L_overlay_start_0:
0x88: {  	s2 =	sld [smem:$0x3FD9]  }
0x89: {  	s3 =	sld [smem:$0x3FFE];
	_ =	sdelay $0x1  }
0x8a: {  	s1 =	srdreg.scid  }
0x8b: {  	s0 =	sand.u32 $0x1, s1  }
0x8c: {  	s16 =	sshll.u32 s0, $0xA;
	s2 =	sadd.s32 s3, s2  }
0x8d: {  	s2 =	sadd.s32 s2, s16  }
0x8e: {  	[smem:$0x3FC3] =	sst s2  }
0x8f: {  	_ = 	snop  }
0x90: {  	(tm) =	ssettm $0x1  }
0x91: {  	s17 =	sld [smem:$0x3FFB];
	_ =	sdelay $0x3  }
0x92: {  	_ =	strace s17  }
0x93: {  	s2 =	sld [smem:$0x3FFC];
	_ =	sdelay $0x3  }
0x94: {  	_ =	strace s2  }
0x95: {  	s2 =	sld [smem:$0x3FFD];
	_ =	sdelay $0x3  }
0x96: {  	_ =	strace s2  }
0x97: {  	_ =	strace $0x8FFFFFFF  }
0x98: {  	s18 =	sld [smem:$0x3FDB];
	_ =	sdelay $0x1  }
0x99: {  	s19 =	simm.s32 $_scs_section_size  }
0x9a: {  	s4 =	simm.s32 $_size__tile_overlayer_lowered;
	s5 =	simm.s32 $_tile_overlayer_lowered  }
0x9b: {  	s22 =	simm.s32 $0x1BFF;
	s21 =	sshll.u32 s5, $0x1;
	s2 =	sadd.s32 s19, s18  }
0x9c: {  	s6 =	simm.s32 $0x0;
	s20 =	sshll.u32 s4, $0x1;
	s4 =	sadd.s32 s21, s2  }
0x9d: {  	[timem:s6], [sflag:s22] =	dma.local [hbm:s4], s20  }
0x9e: {  	_ =	swait.ge [sflag:s22], s20  }
0x9f: {  	s3 =	ssub.s32 $0x0, s20;
	[sflag:s22] =	ssyncset.done $0x0  }
0xa0: {  	[sflag:s22] =	ssyncadd.s32 s3;
	_ =	sdelay $0x1  }
0xa1: {  	s23 =	simm.s32 $0x1B8B  }
0xa2: {  	_ =	swait.ge [sflag:s23], $0x1  }
0xa3: {  	[sflag:s23] =	ssyncset.done $0x0  }
0xa4: {  	s25 =	simm.s32 $0x1B8E;
	s24 =	sld [smem:$0x3FFE];
	[sflag:s23] =	ssyncadd.s32 $0xFFFFFFFF  }
0xa5: {  	s26 =	simm.s32 $execute0_lowered;
	[smem:$0x3FD2] =	sst s25  }
0xa6: {  	s4 =	sshll.u32 s26, $0x1;
	_ =	strace $0x80000049;
	[dreg:$0x1] =	wrdreg $0xFFFFFFFF  }
0xa7: {  	s28 =	simm.s32 $_size_execute0_lowered;
	s2 =	sadd.s32 s2, s4;
	[dreg:$0x0] =	wrdreg $0x0  }
0xa8: {  	s4 =	sshll.u32 s28, $0x1;
	[dreg:$0x2] =	wrdreg s2  }
0xa9: {  	[dreg:$0x3] =	wrdreg s4  }
0xaa: {  	[dreg:$0x4] =	wrdreg $0xC0  }
0xab: {  	_ =	task [dreg:s6], $0x5FFFF  }
0xac: {  	[dreg:$0x1] =	wrdreg $0xFFFFFFFF  }
0xad: {  	[dreg:$0x0] =	wrdreg $0x60  }
0xae: {  	[dreg:$0x2] =	wrdreg s24  }
0xaf: {  	[dreg:$0x3] =	wrdreg $0x9  }
0xb0: {  	_ =	task.clear_ibuf [dreg:s6], $0x4FFFF;
	_ =	strace $0x90000049  }
0xb1: {  	s29 =	simm.s32 $0x9;
	_ =	strace $0x8000004B  }
0xb2: {  	_ =	swait.ge [sflag:s29], $0x1  }
0xb3: {  	[sflag:s29] =	ssyncadd.s32 $0xFFFFFFFF  }
0xb4: {  	_ =	strace $0x9000004B  }
0xb5: {  	_ =	sfence  }
0xb6: {  	s30 =	sld [smem:$0x0];
	_ =	sdelay $0x2  }
0xb7: {  	s31 =	sshll.u32 s1, $0xD;
	s1 =	sshrl.u32 s1, $0x2  }
0xb8: {  	s3 =	sand.u32 $0x4000, s31;
	s1 =	sadd.s32 s1, s30  }
0xb9: {  	s0 =	sor.u32 s3, s0;
	s1 =	sshll.u32 s1, $0x11  }
0xba: {  	s0 =	sor.u32 s1, s0  }
0xbb: {  	s0 =	sadd.s32 $0x8F2B, s0  }
0xbc: {  	[sflag:s0] =	ssyncadd.remote.s32 $0x1  }
0xbd: {  	_ =	sfence.sel $0xFFFF  }
0xbe: {  	[dreg:$0x0] =	wrdreg $0xFFFFFFFF;
	(pc) =	sbr.abs _section_cstart, $3  }
0xbf: {  	[dreg:$0x1] =	wrdreg $0xFFFFFFFF  }
0xc0: {  	_ =	task.clear_ibuf [dreg:s6], $0x2FFFF;
	_ =	strace $0x9FFFFFFF  }
0xc1: {  	(tm) =	ssettm $0x7FFFFFFF  }
tec
execute0_lowered:
.L_overlay_start_1:
0x0: {  	(tag) =	ssettag $0x1  }
0x1: {  	s0 =	srdreg.scid  }
0x2: {  	s2 =	stileid.u32;
	s1 =	rddreg [dreg:$0x0];
	s3 =	simm.s32 $0x0  }
0x3: {  	s13 =	simm.s32 $0x1800;
	s14 =	simm.s32 $0x9800;
	s15 =	simm.s32 $0x19800  }
0x4: {  	s0 =	sand.u32 $0x1, s0;
	[smem:$0x7FF] =	sst s3;
	s6 =	sadd.s32 $0x800, s1  }
0x5: {  	s8 =	sadd.s32 $0x400, s1;
	_ =	strace $0x8000004A;
	[dreg:$0x3] =	wrdreg s6  }
0x6: {  	s2 =	sshll.u32 s2, $0x1;
	s7 =	sadd.s32 $0xF44C00, s1;
	[dreg:$0x4] =	wrdreg s8  }
0x7: {  	v1 =	vimm.s32 $0xECA86420;
	s2 =	sor.u32 s0, s2;
	s0 =	ssub.s32 $0x2, s0;
	[dreg:$0x2] =	wrdreg s7  }
0x8: {  	v0 =	vlaneseq.u32;
	vm2 =	vcmask $0x1B18;
	vm4 =	vcmask $0x300;
	s4 =	smul.u32 $0x180, s2;
	s5 =	sshll.u32 s2, $0x7;
	s29 =	sshrl.u32 s0, $0x1  }
0x9: {  	vm5 =	vcmask $0x2320;
	vm6 =	vcmask $0x2B28;
	vm7 =	vcmask $0x3330;
	s30 =	smul.u32 $0xA00, s2;
	s2 =	sshll.u32 s2, $0x4;
	s0 =	ssub.s32 s0, s29  }
0xa: {  	vm11 =	vcmask $0x3B38;
	vm0 =	vmmov $0xff;
	vm1 =	vcmask $0x704;
	s4 =	sadd.s32 s4, s1;
	s1 =	sadd.s32 $0x8800, s1;
	s0 =	smax.u32 s0, $0x1  }
.Ltmp0:
0xb: {  	vm10 =	vcmask $0xF0C;
	vm14 =	vcmask $0x1714;
	vm12 =	vcmask $0x1F1C;
	s31 =	sadd.s32 $0x2800, s4;
	[dreg:$0x9] =	wrdreg s0;
	(pc) =	sbr.rel .LBB2_1-.Ltmp0, $4  }
0xc: {  	vm13 =	vcmask $0x2724;
	v3 =	vunpack.c.l.s4.s8 v1;
	v1 =	vmov s5;
	s5 =	sshrl.u32 s30, $0x3;
	s4 =	sadd.s32 $0x5800, s4;
	[dreg:$0x5] =	wrdreg s31  }
0xd: {  	vm8 =	vcmask $0x2F2C;
	vm9 =	vcmask $0x3734;
	v5 =	vmul.u32 $0xFFFFFFFF, v0;
	s2 =	sadd.s32 s1, s2;
	s1 =	sadd.s32 s1, s5;
	[dreg:$0x6] =	wrdreg s4  }
0xe: {  	s17 =	simm.s32 $0x5800;
	v6 =	vimm.s32 $0x0;
	v2 =	vor.u32 $0xFFFFFF80, v0;
	v4 =	vmul.u32 $0x2, v0;
	[dreg:$0x7] =	wrdreg s2;
	s1 =	sadd.s32 $0x200, s1  }
0xf: {  	v7 =	vmul.u32 $0x80, v0;
	v3 =	vunpack.c.0.s8.s32 v3;
	v5 =	vadd.s32 $0x80, v5;
	s2 =	simm.s32 $0x0;
	[dreg:$0x8] =	wrdreg s1;
	s1 =	simm.s32 $0x2  }
.LBB2_11:
0x10: {  	s3 =	simm.s32 $0x0;
	s0 =	rddreg [dreg:$0x7];
	s1 =	simm.s32 $0x1A800  }
0x11: {  	[hbm4b:s0+s3] =	stream.linear.scatter [tilespmem:s1], [sflag:$0x2], $0x80, $0x38;
	[tilespmem:$0x1B280] =	vst v63  }
0x12: {  	s1 =	simm.s32 $0x2  }
0x13: {  	_ =	swait.ge [sflag:s1], $0x80  }
0x14: {  	[sflag:s1] =	ssyncset.done $0x0  }
0x15: {  	s2 =	simm.s32 $0x1A880;
	s29 =	rddreg [dreg:$0x8];
	[sflag:s1] =	ssyncadd.s32 $0xFFFFFF80  }
0x16: {  	[hbm4b:s29+s3] =	stream.linear.scatter [tilespmem:s2], [sflag:$0x2], $0xA00, $0x38;
	[tilespmem:$0x1B280] =	vst v63  }
0x17: {  	_ =	swait.ge [sflag:s1], $0xA00  }
0x18: {  	s30 =	rddreg [dreg:$0xa]  }
0x19: {  	s31 =	rddreg [dreg:$0x9];
	s2 =	sadd.s32 $0x1, s30  }
0x1a: {  	p0 =	sne.s32 s2, s31  }
.Ltmp1:
0x1b: {  	_ = 	snop;
	(pc) =	sbr.rel @!p0 .LBB2_12-.Ltmp1, $3  }
0x1c: {  	_ =	sdelay $0x1  }
0x1d: {  	[sflag:s1] =	ssyncset.done $0x0  }
0x1e: {  	[sflag:s1] =	ssyncadd.s32 $0xFFFFF600  }
.LBB2_1:
0x1f: {  	[dreg:$0xa] =	wrdreg s2  }
0x20: {  	s0 =	rddreg [dreg:$0x5]  }
0x21: {  	[tilespmem:s3], [sflag:$0x2] =	stream.linear.gather [hbm4b:s0+s3], $0xC00, $0x38;
	[tilespmem:$0x1B280] =	vst v63  }
0x22: {  	_ =	swait.ge [sflag:s1], $0xC00  }
0x23: {  	[sflag:s1] =	ssyncset.done $0x0  }
0x24: {  	s5 =	simm.s32 $0xC00;
	s28 =	rddreg [dreg:$0x6];
	[sflag:s1] =	ssyncadd.s32 $0xFFFFF400  }
0x25: {  	[tilespmem:s5], [sflag:$0x2] =	stream.linear.gather [hbm4b:s28+s3], $0xC00, $0x38;
	[tilespmem:$0x1B280] =	vst v63  }
0x26: {  	_ =	swait.ge [sflag:s1], $0xC00  }
0x27: {  	[sflag:s1] =	ssyncset.done $0x0  }
0x28: {  	s29 =	simm.s32 $0x80;
	[sflag:s1] =	ssyncadd.s32 $0xFFFFF400  }
0x29: {  	[tilespmem:s13], [sflag:$0x1] =	stream.indirect.gather [hbm4b:s7+s29], $0x80, s3, s29, $0xb8;
	[tilespmem:$0x1B280] =	vst v63  }
0x2a: {  	s30 =	rddreg [dreg:$0x3]  }
0x2b: {  	[tilespmem:s14], [sflag:$0x2] =	stream.linear.gather [hbm4b:s30+s3], $0x10000, $0x38;
	[tilespmem:$0x1B280] =	vst v63  }
0x2c: {  	_ =	swait.ge [sflag:s1], $0x10000  }
0x2d: {  	[sflag:s1] =	ssyncset.done $0x0  }
.Ltmp2:
0x2e: {  	s31 =	rddreg [dreg:$0x4];
	[sflag:s1] =	ssyncadd.s32 $0xFFFF0000;
	(pc) =	sbr.rel .LBB2_2-.Ltmp2, $4  }
0x2f: {  	[tilespmem:s15], [sflag:$0x2] =	stream.linear.gather [hbm4b:s31+s3], $0x1000, $0x38;
	[tilespmem:$0x1B280] =	vst v63  }
0x30: {  	_ =	swait.ge [sflag:s1], $0x1000  }
0x31: {  	s22 =	simm.s32 $0x0;
	[sflag:s1] =	ssyncset.done $0x0  }
0x32: {  	s26 =	simm.s32 $0x0;
	s3 =	simm.s32 $0x1A800;
	[sflag:s1] =	ssyncadd.s32 $0xFFFFF000  }
.LBB2_10:
0x33: {  	p0 =	sne.s32 s6, $0x15  }
.Ltmp3:
0x34: {  	_ = 	snop;
	(pc) =	sbr.rel @!p0 .LBB2_11-.Ltmp3, $3  }
0x35: {  	_ =	sdelay $0x1  }
0x36: {  	s3 =	sadd.s32 $0x80, s3  }
0x37: {  	s22 =	sadd.s32 $0x80, s22;
	s5 =	sadd.s32 $0x80, s5;
	s26 =	smov.u32 s6  }
.LBB2_2:
0x38: {  	s4 =	sand.u32 $0x1, s26;
	p0 =	seq.s32 s26, $0x14  }
0x39: {  	p1 =	sne.s32 @!p0 s4, $0x0  }
0x3a: {  	s6 =	sadd.s32 $0x1, s26;
	p0 =	por p1, p0  }
0x3b: {  	s0 =	sshll.u32 @!p0 s6, $0x7  }
0x3c: {  	s1 =	simm.s32 @!p0 $0x80;
	s2 =	simm.s32 @!p0 $0x5800;
	s0 =	sand.u32 @!p0 $0x3FFFFF80, s0  }
0x3d: {  	[tilespmem:s2], [sflag:$0x1] =	stream.indirect.gather @!p0 [hbm4b:s7+s1], $0x80, s0, s1, $0xb8;
	[tilespmem:$0x1B280] =	vst v63  }
0x3e: {  	p0 =	seq.s32 s4, $0x0  }
0x3f: {  	s0 =	sshll.u32 @!p0 s6, $0x7  }
0x40: {  	s1 =	simm.s32 @!p0 $0x80;
	s2 =	simm.s32 @!p0 $0x1800;
	s0 =	sand.u32 @!p0 $0x3FFFFF80, s0  }
0x41: {  	[tilespmem:s2], [sflag:$0x1] =	stream.indirect.gather @!p0 [hbm4b:s7+s1], $0x80, s0, s1, $0xb8;
	[tilespmem:$0x1B280] =	vst v63  }
0x42: {  	p0 =	sne.s32 s4, $0x0  }
.Ltmp4:
0x43: {  	_ = 	snop;
	(pc) =	sbr.rel @p0 .LBB2_6-.Ltmp4, $1  }
0x44: {  	_ =	sdelay $0x3  }
0x45: {  	[dreg:$0xe] =	wrdreg s4  }
0x46: {  	[dreg:$0xd] =	wrdreg s6  }
0x47: {  	[dreg:$0xb] =	wrdreg s5;
	s0 =	sadd.s32 $0x0, s22  }
0x48: {  	s1 =	simm.s32 $0x1;
	[dreg:$0xf] =	wrdreg s0  }
0x49: {  	v8 =	vadd.s32 s0, v2;
	_ =	swait.ge [sflag:s1], $0x4000  }
0x4a: {  	(v2sf) =	vpush v8, $0xE  }
0x4b: {  	(v2sf) =	vpush v8, $0xA  }
0x4c: {  	(v2sf) =	vpush v8, $0xD;
	_ =	sdelay $0x1  }
0x4d: {  	(v2sf) =	vpush v8, $0x9;
	_ =	sdelay $0x1  }
0x4e: {  	(v2sf) =	vpush v8, $0xC;
	_ =	sdelay $0x1  }
0x4f: {  	(v2sf) =	vpush v8, $0x8;
	_ =	sdelay $0x1  }
0x50: {  	(v2sf) =	vpush v8, $0x0;
	_ =	sdelay $0x1  }
0x51: {  	(v2sf) =	vpush v8, $0x7;
	_ =	sdelay $0x1  }
0x52: {  	(v2sf) =	vpush v8, $0xF  }
0x53: {  	s24 =	spop (v2sf)  }
0x54: {  	s5 =	smulhi.u32 $0x66666667, s24;
	s2 =	spop (v2sf)  }
0x55: {  	(v2sf) =	vpush v8, $0x1;
	s4 =	smulhi.u32 $0x66666667, s2;
	s25 =	spop (v2sf)  }
0x56: {  	s16 =	sshra.s32 s2, $0x1F;
	s7 =	smulhi.u32 $0x66666667, s25  }
0x57: {  	s8 =	spop (v2sf);
	s16 =	smul.u32 $0x66666667, s16  }
0x58: {  	s6 =	sshra.s32 s25, $0x1F;
	s9 =	smulhi.u32 $0x66666667, s8  }
0x59: {  	s10 =	spop (v2sf);
	s6 =	smul.u32 $0x66666667, s6  }
0x5a: {  	s8 =	sshra.s32 s8, $0x1F;
	s11 =	smulhi.u32 $0x66666667, s10  }
0x5b: {  	s12 =	spop (v2sf);
	s8 =	smul.u32 $0x66666667, s8  }
0x5c: {  	[dreg:$0xc] =	wrdreg s3;
	(v2sf) =	vpush v8, $0xB;
	s10 =	sshra.s32 s10, $0x1F;
	s18 =	smulhi.u32 $0x66666667, s12  }
0x5d: {  	s1 =	sshra.s32 s24, $0x1F;
	(v2sf) =	vpush v8, $0x6;
	s19 =	spop (v2sf);
	s10 =	smul.u32 $0x66666667, s10  }
0x5e: {  	(v2sf) =	vpush v8, $0x5;
	s4 =	sadd.s32 s16, s4;
	s12 =	sshra.s32 s12, $0x1F;
	s20 =	smulhi.u32 $0x66666667, s19  }
0x5f: {  	(v2sf) =	vpush v8, $0x4;
	s6 =	sadd.s32 s6, s7;
	s28 =	spop (v2sf);
	s12 =	smul.u32 $0x66666667, s12  }
0x60: {  	(v2sf) =	vpush v8, $0x3;
	s19 =	sshra.s32 s19, $0x1F;
	s23 =	sshrl.u32 s6, $0x1F;
	s8 =	sadd.s32 s8, s9  }
0x61: {  	(v2sf) =	vpush v8, $0x2;
	s25 =	sshra.s32 s6, $0x3;
	s29 =	smulhi.u32 $0x66666667, s28;
	s30 =	spop (v2sf)  }
0x62: {  	s19 =	smul.u32 $0x66666667, s19;
	s28 =	sshra.s32 s28, $0x1F;
	s10 =	sadd.s32 s10, s11  }
0x63: {  	[dreg:$0x10] =	wrdreg s23;
	s24 =	sshrl.u32 s8, $0x1F;
	s11 =	smul.u32 $0x66666667, s1  }
0x64: {  	[dreg:$0x12] =	wrdreg s25;
	s8 =	sshra.s32 s8, $0x3;
	s31 =	spop (v2sf)  }
0x65: {  	s21 =	smul.u32 $0x66666667, s28;
	s12 =	sadd.s32 s12, s18;
	s18 =	sshrl.u32 s10, $0x1F  }
0x66: {  	[dreg:$0x11] =	wrdreg s24;
	s23 =	smulhi.u32 $0x66666667, s30;
	s2 =	sshra.s32 s30, $0x1F  }
0x67: {  	s28 =	sshrl.u32 s12, $0x1F;
	s19 =	sadd.s32 s19, s20;
	s20 =	sshra.s32 s10, $0x3  }
0x68: {  	s12 =	sshra.s32 s12, $0x3;
	s3 =	smulhi.u32 $0x66666667, s31;
	s31 =	sshra.s32 s31, $0x1F  }
0x69: {  	s5 =	sadd.s32 s11, s5;
	s16 =	smul.u32 $0x66666667, s2;
	s10 =	sadd.s32 s21, s29  }
0x6a: {  	s31 =	smul.u32 $0x66666667, s31;
	s6 =	sshrl.u32 s5, $0x1F;
	s5 =	sshra.s32 s5, $0x3  }
0x6b: {  	s0 =	sshra.s32 s19, $0x3;
	s9 =	sshra.s32 s10, $0x1F;
	s29 =	spop (v2sf)  }
0x6c: {  	s16 =	sadd.s32 s16, s23;
	s3 =	sadd.s32 s31, s3;
	v9 =	vmov s9;
	s7 =	spop (v2sf)  }
0x6d: {  	s31 =	sshrl.u32 s4, $0x1F;
	v9 =	vsel vm4, s0, v9;
	s0 =	sshra.s32 s19, $0x1F;
	s24 =	spop (v2sf)  }
0x6e: {  	s23 =	smulhi.u32 $0x66666667, s29;
	s29 =	sshra.s32 s29, $0x1F;
	s21 =	spop (v2sf)  }
0x6f: {  	s9 =	sshrl.u32 s19, $0x1F;
	v9 =	vsel vm1, s0, v9;
	s0 =	smul.u32 $0x66666667, s29;
	s25 =	spop (v2sf)  }
0x70: {  	v10 =	vmov s18;
	s18 =	sshrl.u32 s3, $0x1F;
	s1 =	spop (v2sf);
	s19 =	smulhi.u32 $0x66666667, s25  }
0x71: {  	s2 =	sshra.s32 s24, $0x1F;
	s30 =	smulhi.u32 $0x66666667, s1;
	s11 =	sshra.s32 s1, $0x1F  }
0x72: {  	v12 =	vmov s20;
	v13 =	vmov s9;
	s9 =	sshra.s32 s21, $0x1F;
	s20 =	sshra.s32 s25, $0x1F;
	s11 =	smul.u32 $0x66666667, s11  }
0x73: {  	vm3 =	vcmask $0xB08;
	s25 =	sshra.s32 s3, $0x3;
	s3 =	sshra.s32 s3, $0x1F;
	s9 =	smul.u32 $0x66666667, s9  }
0x74: {  	v14 =	vmov s12;
	v9 =	vsel vm3, s25, v9;
	s12 =	smul.u32 $0x66666667, s20;
	s25 =	rddreg [dreg:$0x10];
	s30 =	sadd.s32 s11, s30  }
0x75: {  	vm1 =	vcmask $0x1310;
	s0 =	sadd.s32 s0, s23;
	s1 =	smulhi.u32 $0x66666667, s21;
	v10 =	vsel vm3, s25, v10;
	v9 =	vsel vm10, s3, v9;
	s25 =	sshra.s32 s30, $0x3  }
0x76: {  	v11 =	vmov s28;
	v14 =	vsel vm3, s8, v14;
	s21 =	rddreg [dreg:$0x11];
	s8 =	sadd.s32 s12, s19;
	v9 =	vsel vm1, s25, v9;
	s25 =	sshra.s32 s30, $0x1F  }
0x77: {  	s23 =	rddreg [dreg:$0x12];
	s2 =	smul.u32 $0x66666667, s2;
	v11 =	vsel vm3, s21, v11;
	s21 =	sshra.s32 s8, $0x3;
	v9 =	vsel vm14, s25, v9  }
0x78: {  	v12 =	vsel vm3, s23, v12;
	s1 =	sadd.s32 s9, s1;
	s11 =	smulhi.u32 $0x66666667, s24;
	s23 =	sshra.s32 s8, $0x1F;
	v9 =	vsel vm2, s21, v9  }
0x79: {  	s24 =	smulhi.u32 $0x66666667, s7;
	s7 =	sshra.s32 s7, $0x1F;
	s9 =	sshra.s32 s1, $0x3;
	v9 =	vsel vm12, s23, v9  }
0x7a: {  	v12 =	vsel vm1, s5, v12;
	s5 =	smul.u32 $0x66666667, s7;
	s2 =	sadd.s32 s2, s11;
	s11 =	sshra.s32 s1, $0x1F;
	v9 =	vsel vm5, s9, v9  }
0x7b: {  	v13 =	vnsel vm4, $0x0, v13;
	s20 =	sshrl.u32 s16, $0x1F;
	v10 =	vsel vm1, s6, v10;
	s19 =	sshra.s32 s16, $0x3;
	s16 =	sshra.s32 s2, $0x3;
	v9 =	vsel vm13, s11, v9  }
0x7c: {  	s4 =	sshra.s32 s4, $0x3;
	v10 =	vsel vm2, s20, v10;
	v12 =	vsel vm2, s19, v12;
	s19 =	sadd.s32 s5, s24;
	s20 =	sshra.s32 s2, $0x1F;
	v9 =	vsel vm6, s16, v9  }
0x7d: {  	v13 =	vsel vm3, s18, v13;
	s12 =	sshrl.u32 s0, $0x1F;
	v11 =	vsel vm1, s31, v11;
	s0 =	sshra.s32 s0, $0x3;
	s23 =	sshra.s32 s19, $0x3;
	v9 =	vsel vm8, s20, v9  }
0x7e: {  	v14 =	vsel vm1, s4, v14;
	v11 =	vsel vm2, s12, v11;
	s18 =	sshrl.u32 s1, $0x1F;
	s25 =	sshrl.u32 s30, $0x1F;
	s1 =	sshra.s32 s19, $0x1F;
	v9 =	vsel vm7, s23, v9  }
0x7f: {  	s12 =	sshrl.u32 s8, $0x1F;
	v14 =	vsel vm2, s0, v14;
	v13 =	vsel vm1, s25, v13;
	s21 =	sshrl.u32 s2, $0x1F;
	s2 =	sshra.s32 s10, $0x3;
	v9 =	vsel vm9, s1, v9  }
0x80: {  	s0 =	sadd.s32 $0x10, s22;
	v10 =	vcombine.low v11, v10;
	v13 =	vsel vm2, s12, v13;
	v9 =	vsel vm11, s2, v9  }
0x81: {  	v11 =	vsel vm5, s18, v13;
	v13 =	vperm.xlane v9, v4;
	v9 =	vadd.s32 s0, v2  }
0x82: {  	(v2sf) =	vpush v9, $0xE  }
0x83: {  	(v2sf) =	vpush v9, $0xA  }
0x84: {  	(v2sf) =	vpush v9, $0xD;
	_ =	sdelay $0x1  }
0x85: {  	(v2sf) =	vpush v9, $0x9;
	_ =	sdelay $0x1  }
0x86: {  	s24 =	sshrl.u32 s19, $0x1F;
	v11 =	vsel vm6, s21, v11;
	(v2sf) =	vpush v9, $0xC  }
0x87: {  	v12 =	vcombine.low v14, v12;
	s25 =	sshrl.u32 s10, $0x1F;
	v11 =	vsel vm7, s24, v11  }
0x88: {  	v10 =	vperm.xlane v10, v3;
	v11 =	vsel vm11, s25, v11;
	(v2sf) =	vpush v9, $0x8  }
0x89: {  	v12 =	vperm.xlane v12, v3;
	v11 =	vperm.xlane v11, v4  }
0x8a: {  	(v2sf) =	vpush v9, $0x0  }
0x8b: {  	v10 =	vsel vm0, v11, v10;
	v11 =	vsel vm0, v13, v12  }
0x8c: {  	s3 =	rddreg [dreg:$0xf];
	v10 =	vadd.s32 v10, v11;
	(v2sf) =	vpush v9, $0x7  }
0x8d: {  	v11 =	vmov s3;
	v12 =	vmul.u32 $0xFFFFFFEC, v10  }
0x8e: {  	v13 =	vsub.s32 v5, v11;
	(v2sf) =	vpush v9, $0xF  }
0x8f: {  	vm9 =	vlt.s32 v8, $0x1;
	vm15 =	vne.s32 v12, v13;
	s1 =	spop (v2sf)  }
0x90: {  	p0 =	por $0x0, $0x0;
	vm9 =	vmand vm9, vm15;
	(v2sf) =	vpush v9, $0x1;
	s6 =	smulhi.u32 $0x66666667, s1;
	s7 =	spop (v2sf)  }
0x91: {  	s11 =	simm.s32 $0x1;
	v8 =	vsel vm9, $0xFFFFFFFF, v6;
	s2 =	smulhi.u32 $0x66666667, s7;
	s4 =	spop (v2sf)  }
0x92: {  	[sflag:s11] =	ssyncset.done $0x0;
	v12 =	vor.u32 s3, v0;
	vm9 =	vlt.u32 v11, $0x80;
	v8 =	vadd.s32 v8, v10;
	s7 =	sshra.s32 s7, $0x1F;
	s5 =	smulhi.u32 $0x66666667, s4  }
0x93: {  	[sflag:s11] =	ssyncadd.s32 $0xFFFFC000;
	v8 =	vsel vm9, v12, v8;
	s9 =	spop (v2sf);
	s7 =	smul.u32 $0x66666667, s7  }
0x94: {  	s23 =	smov.u32 s3;
	v8 =	vadd.s32 v1, v8;
	s3 =	sshra.s32 s4, $0x1F;
	s8 =	smulhi.u32 $0x66666667, s9  }
0x95: {  	s20 =	simm.s32 $0x0;
	v10 =	vshra.s32 v8, $0x1F;
	s24 =	spop (v2sf);
	s3 =	smul.u32 $0x66666667, s3  }
0x96: {  	p1 =	seq.s32 s23, $0x0;
	v10 =	vshrl.u32 v10, $0x19;
	s4 =	sshra.s32 s9, $0x1F;
	s10 =	smulhi.u32 $0x66666667, s24  }
0x97: {  	p0 =	por !p0, !p1;
	v10 =	vadd.s32 v10, v8;
	s16 =	spop (v2sf);
	s23 =	smul.u32 $0x66666667, s4  }
0x98: {  	p0 =	por !p0, !p0;
	v10 =	vshra.s32 v10, $0x7;
	s9 =	sshra.s32 s24, $0x1F;
	s12 =	smulhi.u32 $0x66666667, s16  }
0x99: {  	v11 =	vshll.u32 v10, $0x7;
	s2 =	sadd.s32 s7, s2;
	s18 =	spop (v2sf);
	s9 =	smul.u32 $0x66666667, s9  }
0x9a: {  	vm9 =	vlt.s32 v8, $0x1;
	vm15 =	vne.s32 v8, v11;
	s11 =	sshra.s32 s16, $0x1F;
	s3 =	sadd.s32 s3, s5;
	s19 =	smulhi.u32 $0x66666667, s18  }
0x9b: {  	vm9 =	vmand vm9, vm15;
	s7 =	sshrl.u32 s2, $0x1F;
	s25 =	spop (v2sf);
	s11 =	smul.u32 $0x66666667, s11  }
0x9c: {  	v11 =	vsel vm9, $0xFFFFFFFF, v6;
	s16 =	sshra.s32 s18, $0x1F;
	s18 =	sshra.s32 s1, $0x1F;
	s8 =	sadd.s32 s23, s8  }
0x9d: {  	v10 =	vadd.s32 v11, v10;
	s21 =	smulhi.u32 $0x66666667, s25;
	s4 =	spop (v2sf);
	s9 =	sadd.s32 s9, s10  }
0x9e: {  	v8 =	vand.u32 $0x7F, v8;
	v10 =	vshll.u32 v10, $0x7;
	s10 =	simm.s32 $0x1;
	s5 =	smul.u32 $0x66666667, s16;
	s25 =	sshra.s32 s25, $0x1F  }
0x9f: {  	(v2sf) =	vpush v9, $0xB;
	v8 =	vor.u32 v8, v10;
	s18 =	smul.u32 $0x66666667, s18;
	s24 =	spop (v2sf);
	s10 =	simm.s32 @!p0 $0x0  }
0xa0: {  	(v2sf) =	vpush v9, $0x6;
	v10 =	vmov s20;
	s20 =	smul.u32 $0x66666667, s25;
	s11 =	sadd.s32 s11, s12;
	s25 =	sshrl.u32 s9, $0x1F  }
0xa1: {  	v19 =	vimm.s32 $0x0;
	(v2sf) =	vpush v9, $0x5;
	s9 =	sshra.s32 s9, $0x3;
	s12 =	sshrl.u32 s8, $0x1F;
	s8 =	sshra.s32 s8, $0x3  }
0xa2: {  	vm15 =	vmmov vm13;
	vm13 =	vmmov vm12;
	vm12 =	vmmov vm14;
	s10 =	ssub.s32 s26, s10;
	s16 =	sshrl.u32 s11, $0x1F;
	s5 =	sadd.s32 s5, s19  }
0xa3: {  	vm9 =	vmmov vm8;
	(v2sf) =	vpush v9, $0x4;
	v10 =	vshll.u32 v10, $0x7;
	s19 =	sshrl.u32 s5, $0x1F;
	s1 =	sadd.s32 s20, s21;
	s20 =	sshra.s32 s11, $0x3  }
0xa4: {  	(v2sf) =	vpush v9, $0x3;
	v12 =	vmov s25;
	v8 =	vld.idx.msk [tilespmem:v8+s15+$0x0], $0xffff;
	v13 =	vmov s16;
	s21 =	sshrl.u32 s3, $0x1F;
	s16 =	smulhi.u32 $0x66666667, s24;
	s3 =	sshra.s32 s3, $0x3  }
0xa5: {  	v14 =	vmov s9;
	v15 =	vmov s19;
	v16 =	vmov s20;
	s25 =	sshra.s32 s1, $0x1F;
	s19 =	sshra.s32 s24, $0x1F;
	s20 =	sshll.u32 s10, $0x9  }
0xa6: {  	v12 =	vsel vm3, s21, v12;
	v13 =	vsel vm3, s12, v13;
	v14 =	vsel vm3, s3, v14;
	s21 =	sadd.s32 s18, s6;
	s12 =	smulhi.u32 $0x66666667, s4;
	s3 =	sshra.s32 s20, $0x2  }
0xa7: {  	v10 =	vor.u32 v7, v10;
	(v2sf) =	vpush v9, $0x2;
	s4 =	sshra.s32 s4, $0x1F;
	v17 =	vmov s25;
	s23 =	smul.u32 $0x66666667, s19;
	s3 =	sadd.s32 $0xC00, s3  }
0xa8: {  	s24 =	sshra.s32 s5, $0x3;
	v16 =	vsel vm3, s8, v16;
	v15 =	vnsel vm4, $0x0, v15;
	s8 =	sshra.s32 s21, $0x3;
	v22 =	vsel vm1, s7, v13;
	s4 =	smul.u32 $0x66666667, s4;
	v26 =	vld [tilespmem:s3+$0x0]  }
0xa9: {  	v23 =	vsel vm4, s24, v17;
	v20 =	vsel vm1, s8, v14;
	s6 =	sadd.s32 s23, s16;
	v11 =	vshra.s32 v8, $0x1F  }
0xaa: {  	vm4 =	vmmov vm12;
	s4 =	sadd.s32 s4, s12;
	vm8 =	vlt.s32 v8, $0x1;
	s10 =	sshrl.u32 s6, $0x1F;
	v11 =	vshrl.u32 v11, $0x1D  }
0xab: {  	s20 =	sshrl.u32 s4, $0x1F;
	s4 =	sshra.s32 s4, $0x3;
	v19 =	vsel vm8, $0xFFFFFFFF, v19;
	v21 =	vsel vm3, s10, v15;
	v11 =	vadd.s32 v11, v8  }
0xac: {  	v20 =	vsel vm2, s4, v20;
	[tilespmem:$0x1FFB0] =	vst v19;
	v19 =	vimm.s32 $0x0;
	v11 =	vshra.s32 v11, $0x3  }
0xad: {  	v18 =	vshll.u32 v11, $0x3;
	v35 =	vand.u32 $0xFFFFFF80, v26;
	v36 =	vadd.s32 $0xD, v26  }
0xae: {  	v24 =	vadd.s32 $0xE, v26;
	v37 =	vand.u32 $0x7F, v26;
	v38 =	vadd.s32 $0x1, v26  }
0xaf: {  	v39 =	vadd.s32 $0xC, v26;
	v40 =	vadd.s32 $0x2, v26;
	v41 =	vadd.s32 $0xB, v26  }
0xb0: {  	v42 =	vadd.s32 $0x3, v26;
	v43 =	vadd.s32 $0xA, v26;
	v44 =	vadd.s32 $0x4, v26  }
0xb1: {  	v45 =	vadd.s32 $0x9, v26;
	v46 =	vadd.s32 $0x5, v26;
	v47 =	vadd.s32 $0x8, v26  }
0xb2: {  	vm8 =	vne.s32 v8, v18;
	v8 =	vsub.s32 v8, v18;
	v35 =	vadd.s32 v10, v35  }
0xb3: {  	v48 =	vand.u32 $0xFFFFFF80, v38;
	v38 =	vand.u32 $0x7F, v38;
	v19 =	vsel vm8, $0xFFFFFFFF, v19  }
0xb4: {  	v49 =	vand.u32 $0xFFFFFF80, v40;
	v40 =	vand.u32 $0x7F, v40;
	v50 =	vand.u32 $0xFFFFFF80, v42;
	[tilespmem:$0x1FFC0] =	vst v19;
	v19 =	vld [tilespmem:$0x1FFB0]  }
0xb5: {  	v42 =	vand.u32 $0x7F, v42;
	v51 =	vand.u32 $0xFFFFFF80, v44;
	v44 =	vand.u32 $0x7F, v44  }
0xb6: {  	v52 =	vand.u32 $0xFFFFFF80, v46;
	v46 =	vand.u32 $0x7F, v46;
	v57 =	vand.u32 $0xFFFFFF80, v47  }
0xb7: {  	v58 =	vand.u32 $0x7F, v47;
	v62 =	vand.u32 $0xFFFFFF80, v45;
	v63 =	vand.u32 $0x7F, v45  }
0xb8: {  	v45 =	vand.u32 $0xFFFFFF80, v43;
	v8 =	vshll.u32 v8, $0x4;
	v35 =	vor.u32 v37, v35  }
0xb9: {  	v37 =	vadd.s32 v10, v48;
	v48 =	vadd.s32 $0x6, v26;
	vm8 =	vnez.u8 v19;
	v19 =	vld [tilespmem:$0x1FFC0]  }
0xba: {  	v60 =	vadd.s32 v10, v57;
	v37 =	vor.u32 v38, v37;
	v38 =	vadd.s32 v10, v49  }
0xbb: {  	v8 =	vand.u32 $0x70, v8;
	v38 =	vor.u32 v40, v38;
	v40 =	vadd.s32 v10, v50  }
0xbc: {  	v53 =	vand.u32 $0xFFFFFF80, v48;
	v40 =	vor.u32 v42, v40;
	v42 =	vadd.s32 v10, v51  }
0xbd: {  	s2 =	sshra.s32 s2, $0x3;
	v54 =	vand.u32 $0x7F, v48;
	v42 =	vor.u32 v44, v42;
	v44 =	vadd.s32 v10, v52  }
0xbe: {  	v44 =	vor.u32 v46, v44;
	vm14 =	vnez.u8 v19;
	v19 =	vsel vm1, s2, v16  }
0xbf: {  	v16 =	vadd.s32 $0xF, v26;
	v26 =	vadd.s32 $0x7, v26;
	vm8 =	vmand vm8, vm14  }
0xc0: {  	s11 =	spop (v2sf);
	v46 =	vadd.s32 v10, v53;
	v55 =	vand.u32 $0xFFFFFF80, v26;
	v18 =	vsel vm8, $0xFFFFFFFF, v6  }
0xc1: {  	s5 =	sshra.s32 s5, $0x1F;
	s25 =	sshrl.u32 s21, $0x1F;
	s7 =	spop (v2sf);
	v26 =	vand.u32 $0x7F, v26;
	vm14 =	vlt.s32 v9, $0x1;
	v11 =	vadd.s32 v18, v11  }
0xc2: {  	s3 =	sshra.s32 s11, $0x1F;
	s10 =	smulhi.u32 $0x66666667, s11;
	s16 =	spop (v2sf);
	v56 =	vadd.s32 v10, v55;
	vm8 =	vcmask $0x704;
	v11 =	vshll.u32 v11, $0x7  }
0xc3: {  	s3 =	smul.u32 $0x66666667, s3;
	s18 =	spop (v2sf);
	v18 =	vsel vm1, s25, v12;
	v23 =	vsel vm8, s5, v23;
	v25 =	vor.u32 v8, v11  }
0xc4: {  	s8 =	smulhi.u32 $0x66666667, s16;
	s25 =	spop (v2sf);
	v11 =	vor.u32 $0xF, v25;
	v14 =	vor.u32 $0xC, v25;
	v13 =	vor.u32 $0xD, v25  }
0xc5: {  	s9 =	smulhi.u32 $0x66666667, s18;
	v35 =	vld.idx.msk [tilespmem:v35+s13+$0x0], $0xffff;
	s21 =	spop (v2sf);
	v12 =	vor.u32 $0xE, v25;
	v17 =	vor.u32 $0x9, v25;
	v33 =	vor.u32 $0x1, v25  }
0xc6: {  	s12 =	sshra.s32 s16, $0x1F;
	v37 =	vld.idx.msk [tilespmem:v37+s13+$0x0], $0xffff;
	s23 =	smulhi.u32 $0x66666667, s21;
	s24 =	sshra.s32 s21, $0x1F;
	v8 =	vor.u32 $0xA, v25;
	v15 =	vor.u32 $0xB, v25;
	v34 =	vor.u32 $0x2, v25  }
0xc7: {  	s3 =	sadd.s32 s3, s10;
	s16 =	sshra.s32 s18, $0x1F;
	v38 =	vld.idx.msk [tilespmem:v38+s13+$0x0], $0xffff;
	v27 =	vor.u32 $0x6, v25;
	v28 =	vor.u32 $0x7, v25;
	v30 =	vor.u32 $0x3, v25;
	s11 =	smul.u32 $0x66666667, s24  }
0xc8: {  	s19 =	smulhi.u32 $0x66666667, s25;
	s18 =	sshra.s32 s25, $0x1F;
	s25 =	sshra.s32 s6, $0x3;
	v29 =	vor.u32 $0x8, v25;
	v31 =	vor.u32 $0x4, v25;
	v32 =	vor.u32 $0x5, v25;
	v25 =	vld.idx.msk [tilespmem:v25+s14+$0x0], $0xffff  }
0xc9: {  	v40 =	vld.idx.msk [tilespmem:v40+s13+$0x0], $0xffff;
	v9 =	vimm.s32 $0x0;
	v26 =	vor.u32 v26, v56;
	s6 =	sshra.s32 s6, $0x1F;
	s18 =	smul.u32 $0x66666667, s18;
	v23 =	vsel vm3, s25, v23;
	s11 =	sadd.s32 s11, s23  }
0xca: {  	v18 =	vsel vm2, s20, v18;
	vm3 =	vcmask $0x3734;
	v23 =	vsel vm10, s6, v23;
	s24 =	sshrl.u32 s3, $0x1F;
	s3 =	sshra.s32 s3, $0x3;
	s21 =	sshra.s32 s11, $0x3;
	v33 =	vld.idx.msk [tilespmem:v33+s14+$0x0], $0xffff  }
0xcb: {  	s16 =	smul.u32 $0x66666667, s16;
	s10 =	sadd.s32 s18, s19;
	v22 =	vsel vm2, s24, v22;
	v19 =	vsel vm2, s3, v19;
	s23 =	sshra.s32 s11, $0x1F;
	v23 =	vsel vm1, s21, v23;
	v34 =	vld.idx.msk [tilespmem:v34+s14+$0x0], $0xffff  }
0xcc: {  	s25 =	sshra.s32 s10, $0x3;
	v18 =	vcombine.low v22, v18;
	v19 =	vcombine.low v19, v20;
	s11 =	sshrl.u32 s11, $0x1F;
	v30 =	vld.idx.msk [tilespmem:v30+s14+$0x0], $0xffff;
	v23 =	vsel vm12, s23, v23  }
0xcd: {  	s9 =	sadd.s32 s16, s9;
	v42 =	vld.idx.msk [tilespmem:v42+s13+$0x0], $0xffff;
	s16 =	sshra.s32 s10, $0x1F;
	s24 =	sshrl.u32 s10, $0x1F;
	v21 =	vsel vm1, s11, v21;
	v23 =	vsel vm2, s25, v23;
	v25 =	vmul.f32 v25, v35  }
0xce: {  	s12 =	smul.u32 $0x66666667, s12;
	s4 =	sshrl.u32 s9, $0x1F;
	v61 =	vld.idx.msk [tilespmem:v44+s13+$0x0], $0xffff;
	v18 =	vperm.xlane v18, v3;
	v21 =	vsel vm2, s24, v21;
	v23 =	vsel vm13, s16, v23  }
0xcf: {  	s2 =	smulhi.u32 $0x66666667, s7;
	s7 =	sshra.s32 s7, $0x1F;
	s19 =	sshra.s32 s9, $0x3;
	v26 =	vld.idx.msk [tilespmem:v26+s13+$0x0], $0xffff;
	v35 =	vor.u32 v54, v46;
	v33 =	vmul.f32 v33, v37;
	v25 =	vadd.f32 $0.0e+00, v25  }
0xd0: {  	s20 =	smul.u32 $0x66666667, s7;
	s21 =	sadd.s32 s12, s8;
	v31 =	vld.idx.msk [tilespmem:v31+s14+$0x0], $0xffff;
	v21 =	vsel vm5, s4, v21;
	v23 =	vsel vm5, s19, v23;
	v59 =	vmul.f32 v34, v38  }
0xd1: {  	v32 =	vld.idx.msk [tilespmem:v32+s14+$0x0], $0xffff;
	s23 =	sshra.s32 s9, $0x1F;
	s7 =	sshrl.u32 s21, $0x1F;
	v30 =	vmul.f32 v30, v40;
	v40 =	vadd.s32 v10, v62;
	v25 =	vadd.f32 v33, v25  }
0xd2: {  	s2 =	sadd.s32 s20, s2;
	v27 =	vld.idx.msk [tilespmem:v27+s14+$0x0], $0xffff;
	s25 =	sshra.s32 s21, $0x3;
	v20 =	vsel vm6, s7, v21;
	v23 =	vsel vm15, s23, v23;
	v33 =	vor.u32 v63, v40  }
0xd3: {  	v28 =	vld.idx.msk [tilespmem:v28+s14+$0x0], $0xffff;
	s6 =	sshra.s32 s21, $0x1F;
	s9 =	sshrl.u32 s2, $0x1F;
	v34 =	vor.u32 v58, v60;
	v23 =	vsel vm6, s25, v23;
	v25 =	vadd.f32 v59, v25  }
0xd4: {  	s8 =	sshra.s32 s2, $0x3;
	v19 =	vperm.xlane v19, v3;
	v20 =	vsel vm7, s9, v20;
	v22 =	vsel vm9, s6, v23;
	v35 =	vld.idx.msk [tilespmem:v35+s13+$0x0], $0xffff  }
0xd5: {  	s10 =	sshrl.u32 s1, $0x1F;
	v29 =	vld.idx.msk [tilespmem:v29+s14+$0x0], $0xffff;
	s2 =	sshra.s32 s2, $0x1F;
	v21 =	vsel vm7, s8, v22;
	v25 =	vadd.f32 v30, v25;
	v30 =	vmul.f32 v31, v42  }
0xd6: {  	s1 =	sshra.s32 s1, $0x3;
	vm12 =	vmmov vm13;
	v17 =	vld.idx.msk [tilespmem:v17+s14+$0x0], $0xffff;
	v20 =	vsel vm11, s10, v20;
	v21 =	vsel vm3, s2, v21  }
0xd7: {  	v21 =	vsel vm11, s1, v21;
	v22 =	vld.idx.msk [tilespmem:v33+s13+$0x0], $0xffff;
	v25 =	vadd.f32 v30, v25;
	v30 =	vmul.f32 v32, v61  }
0xd8: {  	vm13 =	vmmov vm15;
	v20 =	vperm.xlane v20, v4;
	v34 =	vld.idx.msk [tilespmem:v34+s13+$0x0], $0xffff;
	v21 =	vperm.xlane v21, v4  }
0xd9: {  	v46 =	vand.u32 $0x7F, v43;
	v27 =	vmul.f32 v27, v35;
	v25 =	vadd.f32 v30, v25  }
0xda: {  	v26 =	vmul.f32 v28, v26;
	v18 =	vsel vm0, v20, v18;
	v19 =	vsel vm0, v21, v19  }
0xdb: {  	v31 =	vadd.s32 v10, v45;
	v18 =	vadd.s32 v18, v19;
	v25 =	vadd.f32 v27, v25  }
0xdc: {  	v19 =	vmov s0;
	v21 =	vmul.u32 $0xFFFFFFEC, v18;
	v17 =	vmul.f32 v17, v22  }
0xdd: {  	v22 =	vsub.s32 v5, v19;
	v25 =	vadd.f32 v26, v25;
	v26 =	vmul.f32 v29, v34  }
0xde: {  	vm15 =	vmmov vm9;
	v31 =	vor.u32 v46, v31;
	vm9 =	vne.s32 v21, v22  }
0xdf: {  	v47 =	vand.u32 $0xFFFFFF80, v41;
	v9 =	vsel vm9, $0xFFFFFFFF, v9;
	v25 =	vadd.f32 v26, v25  }
0xe0: {  	v48 =	vand.u32 $0x7F, v41;
	v49 =	vadd.s32 v10, v47;
	v50 =	vand.u32 $0xFFFFFF80, v39;
	[tilespmem:$0x1FFD0] =	vst v9  }
0xe1: {  	v51 =	vand.u32 $0x7F, v39;
	v28 =	vand.u32 $0xFFFFFF80, v24;
	v9 =	vadd.f32 v17, v25;
	v17 =	vld [tilespmem:$0x1FFD0]  }
0xe2: {  	v23 =	vadd.s32 v10, v28;
	v28 =	vld.idx.msk [tilespmem:v8+s14+$0x0], $0xffff;
	v32 =	vor.u32 v48, v49;
	v30 =	vadd.s32 v10, v50  }
0xe3: {  	v52 =	vand.u32 $0xFFFFFF80, v36;
	v30 =	vor.u32 v51, v30;
	v20 =	vld.idx.msk [tilespmem:v31+s13+$0x0], $0xffff  }
0xe4: {  	v36 =	vand.u32 $0x7F, v36;
	v27 =	vadd.s32 v10, v52  }
0xe5: {  	v15 =	vld.idx.msk [tilespmem:v15+s14+$0x0], $0xffff;
	v24 =	vand.u32 $0x7F, v24;
	v27 =	vor.u32 v36, v27  }
0xe6: {  	v14 =	vld.idx.msk [tilespmem:v14+s14+$0x0], $0xffff;
	v23 =	vor.u32 v24, v23;
	v24 =	vand.u32 $0xFFFFFF80, v16;
	vm9 =	vnez.u8 v17  }
0xe7: {  	v10 =	vadd.s32 v10, v24;
	v24 =	vld.idx.msk [tilespmem:v32+s13+$0x0], $0xffff;
	vm14 =	vmand vm14, vm9  }
0xe8: {  	v21 =	vld.idx.msk [tilespmem:v30+s13+$0x0], $0xffff;
	v17 =	vmul.f32 v28, v20;
	v20 =	vsel vm14, $0xFFFFFFFF, v6  }
0xe9: {  	s28 =	sadd.s32 $0x20, s22;
	v13 =	vld.idx.msk [tilespmem:v13+s14+$0x0], $0xffff;
	v22 =	vor.u32 s0, v0;
	vm14 =	vlt.u32 v19, $0x80;
	v18 =	vadd.s32 v20, v18  }
0xea: {  	v8 =	vadd.s32 s28, v2;
	v9 =	vadd.f32 v17, v9;
	v17 =	vsel vm14, v22, v18;
	v18 =	vld.idx.msk [tilespmem:v27+s13+$0x0], $0xffff  }
0xeb: {  	v16 =	vand.u32 $0x7F, v16;
	(v2sf) =	vpush v8, $0xE  }
0xec: {  	(v2sf) =	vpush v8, $0xA;
	v15 =	vmul.f32 v15, v24;
	v17 =	vadd.s32 v1, v17  }
0xed: {  	v10 =	vor.u32 v16, v10;
	v14 =	vmul.f32 v14, v21;
	v16 =	vshra.s32 v17, $0x1F  }
0xee: {  	v9 =	vadd.f32 v15, v9;
	vm9 =	vlt.s32 v17, $0x1;
	v15 =	vshrl.u32 v16, $0x19  }
0xef: {  	v15 =	vadd.s32 v15, v17;
	v13 =	vmul.f32 v13, v18;
	v18 =	vimm.s32 $0x0  }
0xf0: {  	v15 =	vshra.s32 v15, $0x7;
	v18 =	vsel vm9, $0xFFFFFFFF, v18  }
0xf1: {  	(v2sf) =	vpush v8, $0xD;
	v9 =	vadd.f32 v14, v9;
	v14 =	vshll.u32 v15, $0x7;
	[tilespmem:$0x1FFE0] =	vst v18  }
0xf2: {  	(v2sf) =	vpush v8, $0x9;
	vm9 =	vne.s32 v17, v14;
	v14 =	vld [tilespmem:$0x1FFE0]  }
0xf3: {  	v12 =	vld.idx.msk [tilespmem:v12+s14+$0x0], $0xffff  }
0xf4: {  	(v2sf) =	vpush v8, $0xC;
	v16 =	vld.idx.msk [tilespmem:v23+s13+$0x0], $0xffff  }
0xf5: {  	(v2sf) =	vpush v8, $0x8  }
0xf6: {  	v11 =	vld.idx.msk [tilespmem:v11+s14+$0x0], $0xffff  }
0xf7: {  	(v2sf) =	vpush v8, $0x0;
	v10 =	vld.idx.msk [tilespmem:v10+s13+$0x0], $0xffff;
	vm3 =	vnez.u8 v14  }
0xf8: {  	(v2sf) =	vpush v8, $0x7;
	vm9 =	vmand vm3, vm9  }
0xf9: {  	v9 =	vadd.f32 v13, v9;
	v12 =	vmul.f32 v12, v16;
	v13 =	vsel vm9, $0xFFFFFFFF, v6  }
0xfa: {  	(v2sf) =	vpush v8, $0xF;
	v13 =	vadd.s32 v13, v15  }
0xfb: {  	s6 =	spop (v2sf);
	v9 =	vadd.f32 v12, v9;
	v12 =	vand.u32 $0x7F, v17;
	v13 =	vshll.u32 v13, $0x7  }
0xfc: {  	s5 =	spop (v2sf);
	(v2sf) =	vpush v8, $0x1;
	v10 =	vmul.f32 v11, v10;
	v11 =	vor.u32 v12, v13;
	_ =	sdelay $0x1  }
0xfd: {  	v9 =	vadd.f32 v10, v9  }
0xfe: {  	s30 =	rddreg [dreg:$0xc];
	s2 =	smulhi.u32 $0x66666667, s6  }
0xff: {  	s4 =	smulhi.u32 $0x66666667, s5;
	s11 =	spop (v2sf);
	[tilespmem:s30+$0x0] =	vst v9  }
0x100: {  	s3 =	smulhi.u32 $0x66666667, s11;
	s12 =	spop (v2sf);
	v10 =	vld.idx.msk [tilespmem:v11+s15+$0x0], $0xffff  }
0x101: {  	p5 =	por $0x1, $0x1;
	s1 =	sshra.s32 s11, $0x1F;
	s8 =	smulhi.u32 $0x66666667, s12  }
0x102: {  	p6 =	seq.s32 s0, $0x0;
	s18 =	spop (v2sf);
	s1 =	smul.u32 $0x66666667, s1  }
0x103: {  	p0 =	por !p5, !p6;
	s21 =	smulhi.u32 $0x66666667, s18;
	s23 =	spop (v2sf)  }
0x104: {  	p0 =	por !p0, !p0;
	s9 =	sshra.s32 s18, $0x1F;
	s16 =	smulhi.u32 $0x66666667, s23  }
0x105: {  	s19 =	simm.s32 $0x10;
	s24 =	spop (v2sf);
	s9 =	smul.u32 $0x66666667, s9;
	v9 =	vshra.s32 v10, $0x1F  }
0x106: {  	s6 =	sshra.s32 s6, $0x1F;
	s20 =	smulhi.u32 $0x66666667, s24;
	s25 =	spop (v2sf);
	v9 =	vshrl.u32 v9, $0x1D  }
0x107: {  	s7 =	sshra.s32 s12, $0x1F;
	s10 =	smulhi.u32 $0x66666667, s25;
	s0 =	sshra.s32 s25, $0x1F;
	v9 =	vadd.s32 v9, v10  }
0x108: {  	s11 =	sshra.s32 s23, $0x1F;
	s3 =	sadd.s32 s1, s3;
	s0 =	smul.u32 $0x66666667, s0;
	v13 =	vshra.s32 v9, $0x3  }
0x109: {  	(v2sf) =	vpush v8, $0xB;
	s23 =	sshra.s32 s24, $0x1F;
	s9 =	sadd.s32 s9, s21;
	s12 =	spop (v2sf);
	v15 =	vshll.u32 v13, $0x3  }
0x10a: {  	s21 =	smul.u32 $0x66666667, s11;
	s1 =	sadd.s32 s0, s10;
	s10 =	spop (v2sf);
	(v2sf) =	vpush v8, $0x6;
	vm3 =	vlt.s32 v10, $0x1;
	vm9 =	vne.s32 v10, v15  }
0x10b: {  	s5 =	sshra.s32 s5, $0x1F;
	s11 =	smul.u32 $0x66666667, s23;
	s24 =	sshrl.u32 s9, $0x1F;
	(v2sf) =	vpush v8, $0x5;
	v9 =	vimm.s32 $0x0;
	vm9 =	vmand vm3, vm9  }
0x10c: {  	s9 =	sshra.s32 s9, $0x3;
	s16 =	sadd.s32 s21, s16;
	(v2sf) =	vpush v8, $0x4;
	v11 =	vmov s19;
	s19 =	simm.s32 $0x1;
	v9 =	vsel vm9, $0xFFFFFFFF, v9  }
0x10d: {  	s18 =	sadd.s32 s11, s20;
	vm14 =	vmmov vm4;
	vm4 =	vcmask $0x300;
	s25 =	sshrl.u32 s16, $0x1F;
	(v2sf) =	vpush v8, $0x3;
	s19 =	simm.s32 @!p0 $0x0;
	[tilespmem:$0x1FFF0] =	vst v9  }
0x10e: {  	s23 =	sshra.s32 s16, $0x3;
	v16 =	vmov s9;
	(v2sf) =	vpush v8, $0x2;
	v14 =	vmov s25;
	s25 =	sshra.s32 s1, $0x1F;
	s20 =	ssub.s32 s26, s19;
	v18 =	vld [tilespmem:$0x1FFF0]  }
0x10f: {  	s6 =	smul.u32 $0x66666667, s6;
	v17 =	vmov s23;
	v19 =	vmov s25;
	s19 =	sshll.u32 s20, $0x9;
	s20 =	sshra.s32 s18, $0x3;
	v10 =	vsub.s32 v10, v15  }
0x110: {  	s5 =	smul.u32 $0x66666667, s5;
	v12 =	vmov s24;
	v21 =	vsel vm4, s20, v19;
	v10 =	vshll.u32 v10, $0x4  }
0x111: {  	s7 =	smul.u32 $0x66666667, s7;
	s21 =	sshrl.u32 s18, $0x1F;
	s24 =	sshrl.u32 s3, $0x1F;
	vm9 =	vcmask $0xB08;
	v10 =	vand.u32 $0x70, v10;
	v9 =	vshll.u32 v11, $0x7  }
0x112: {  	s2 =	sadd.s32 s6, s2;
	s4 =	sadd.s32 s5, s4;
	v11 =	vmov s21;
	v12 =	vsel vm9, s24, v12;
	vm9 =	vmmov vm2  }
0x113: {  	s7 =	sadd.s32 s7, s8;
	s16 =	smulhi.u32 $0x66666667, s10;
	s0 =	sshra.s32 s10, $0x1F;
	v9 =	vor.u32 v7, v9;
	v11 =	vnsel vm4, $0x0, v11;
	vm2 =	vnez.u8 v18  }
0x114: {  	s11 =	sshrl.u32 s7, $0x1F;
	s0 =	smul.u32 $0x66666667, s0;
	s3 =	sshra.s32 s3, $0x3;
	v18 =	vsel vm2, $0xFFFFFFFF, v6;
	vm2 =	vmmov vm9;
	vm9 =	vcmask $0xB08  }
0x115: {  	s5 =	sshrl.u32 s4, $0x1F;
	s7 =	sshra.s32 s7, $0x3;
	s21 =	sshrl.u32 s2, $0x1F;
	v14 =	vsel vm9, s11, v14;
	v16 =	vsel vm9, s3, v16;
	v13 =	vadd.s32 v18, v13  }
0x116: {  	s23 =	sshra.s32 s2, $0x3;
	v20 =	vsel vm9, s7, v17;
	s3 =	sshra.s32 s19, $0x2;
	v18 =	vsel vm1, s21, v12;
	s19 =	sadd.s32 s0, s16;
	v12 =	vshll.u32 v13, $0x7  }
0x117: {  	s25 =	sshra.s32 s4, $0x3;
	v17 =	vsel vm1, s5, v14;
	s24 =	sshrl.u32 s19, $0x1F;
	v16 =	vsel vm1, s23, v16;
	s3 =	sadd.s32 $0xC10, s3;
	v31 =	vor.u32 v10, v12  }
0x118: {  	v14 =	vsel vm1, s25, v20;
	v15 =	vsel vm9, s24, v11;
	v32 =	vld [tilespmem:s3+$0x0];
	v10 =	vor.u32 $0xF, v31  }
0x119: {  	v13 =	vor.u32 $0xC, v31;
	v12 =	vor.u32 $0xD, v31;
	v11 =	vor.u32 $0xE, v31  }
0x11a: {  	v23 =	vor.u32 $0x9, v31;
	v22 =	vor.u32 $0xA, v31;
	v19 =	vor.u32 $0xB, v31  }
0x11b: {  	v29 =	vor.u32 $0x6, v31;
	v27 =	vor.u32 $0x7, v31;
	v26 =	vor.u32 $0x8, v31  }
0x11c: {  	v34 =	vor.u32 $0x3, v31;
	v35 =	vor.u32 $0x4, v31;
	v43 =	vor.u32 $0x5, v31  }
0x11d: {  	v53 =	vor.u32 $0x1, v31;
	v36 =	vor.u32 $0x2, v31;
	v20 =	vadd.s32 $0xF, v32  }
0x11e: {  	v28 =	vand.u32 $0xFFFFFF80, v32;
	v25 =	vadd.s32 $0xD, v32;
	v24 =	vadd.s32 $0xE, v32  }
0x11f: {  	v30 =	vand.u32 $0x7F, v32;
	v54 =	vadd.s32 $0x1, v32;
	v56 =	vadd.s32 $0x2, v32  }
0x120: {  	v58 =	vadd.s32 $0x3, v32;
	v42 =	vld.idx.msk [tilespmem:v31+s14+$0x0], $0xffff;
	v31 =	vadd.s32 $0xA, v32;
	v62 =	vadd.s32 $0x4, v32  }
0x121: {  	v28 =	vadd.s32 v9, v28;
	v57 =	vand.u32 $0xFFFFFF80, v56;
	v39 =	vand.u32 $0x7F, v56  }
0x122: {  	v55 =	vor.u32 v30, v28;
	v30 =	vand.u32 $0xFFFFFF80, v54;
	v40 =	vadd.s32 v9, v57  }
0x123: {  	v37 =	vand.u32 $0x7F, v54;
	v30 =	vadd.s32 v9, v30;
	v39 =	vor.u32 v39, v40  }
0x124: {  	v33 =	vadd.s32 $0x9, v32;
	v50 =	vadd.s32 $0x8, v32;
	v37 =	vor.u32 v37, v30  }
0x125: {  	v59 =	vand.u32 $0xFFFFFF80, v58;
	v61 =	vand.u32 $0x7F, v58;
	v45 =	vld.idx.msk [tilespmem:v53+s14+$0x0], $0xffff;
	v52 =	vand.u32 $0xFFFFFF80, v62  }
0x126: {  	v58 =	vadd.s32 $0x6, v32;
	v35 =	vld.idx.msk [tilespmem:v35+s14+$0x0], $0xffff;
	v46 =	vand.u32 $0xFFFFFF80, v50;
	v40 =	vadd.s32 v9, v59  }
0x127: {  	v54 =	vand.u32 $0x7F, v62;
	v38 =	vadd.s32 v9, v52;
	v63 =	vor.u32 v61, v40;
	v60 =	vld.idx.msk [tilespmem:v55+s13+$0x0], $0xffff  }
0x128: {  	v28 =	vadd.s32 $0xC, v32;
	v49 =	vor.u32 v54, v38;
	v55 =	vadd.s32 $0x5, v32;
	v41 =	vld.idx.msk [tilespmem:v39+s13+$0x0], $0xffff  }
0x129: {  	s5 =	spop (v2sf);
	v59 =	vand.u32 $0xFFFFFF80, v58;
	v30 =	vadd.s32 $0xB, v32;
	v56 =	vand.u32 $0xFFFFFF80, v55;
	v53 =	vld.idx.msk [tilespmem:v37+s13+$0x0], $0xffff  }
0x12a: {  	s4 =	spop (v2sf);
	v61 =	vand.u32 $0x7F, v58;
	v57 =	vand.u32 $0x7F, v55;
	v37 =	vld.idx.msk [tilespmem:v36+s14+$0x0], $0xffff;
	v36 =	vadd.s32 v9, v56  }
0x12b: {  	s8 =	spop (v2sf);
	v38 =	vld.idx.msk [tilespmem:v34+s14+$0x0], $0xffff;
	v34 =	vadd.s32 v9, v59;
	v32 =	vadd.s32 $0x7, v32;
	v40 =	vor.u32 v57, v36  }
0x12c: {  	s7 =	spop (v2sf);
	v62 =	vand.u32 $0xFFFFFF80, v32;
	v32 =	vand.u32 $0x7F, v32;
	v60 =	vmul.f32 v42, v60;
	v42 =	vld.idx.msk [tilespmem:v63+s13+$0x0], $0xffff  }
0x12d: {  	s29 =	simm.s32 $0xC10;
	s6 =	spop (v2sf);
	v36 =	vor.u32 v61, v34;
	v34 =	vld.idx.msk [tilespmem:v43+s14+$0x0], $0xffff;
	v43 =	vand.u32 $0x7F, v50;
	v63 =	vadd.s32 v9, v62  }
0x12e: {  	s31 =	simm.s32 $0x20;
	s0 =	simm.s32 $0x30;
	s9 =	spop (v2sf);
	v39 =	vld.idx.msk [tilespmem:v49+s13+$0x0], $0xffff;
	v32 =	vor.u32 v32, v63;
	v44 =	vadd.f32 $0.0e+00, v60;
	v45 =	vmul.f32 v45, v53  }
.LBB2_4:
0x12f: {  	v37 =	vmul.f32 v37, v41;
	v41 =	vadd.s32 v9, v46  }
0x130: {  	p0 =	sne.s32 s0, $0x70;
	v44 =	vadd.f32 v45, v44;
	v40 =	vld.idx.msk [tilespmem:v40+s13+$0x0], $0xffff;
	v41 =	vor.u32 v43, v41  }
0x131: {  	s18 =	sshra.s32 s18, $0x1F;
	v29 =	vld.idx.msk [tilespmem:v29+s14+$0x0], $0xffff;
	v43 =	vand.u32 $0xFFFFFF80, v33;
	v33 =	vand.u32 $0x7F, v33;
	v38 =	vmul.f32 v38, v42  }
0x132: {  	v21 =	vsel vm8, s18, v21;
	v37 =	vadd.f32 v37, v44;
	v36 =	vld.idx.msk [tilespmem:v36+s13+$0x0], $0xffff;
	v42 =	vadd.s32 v9, v43  }
0x133: {  	v27 =	vld.idx.msk [tilespmem:v27+s14+$0x0], $0xffff;
	v33 =	vor.u32 v33, v42;
	v42 =	vand.u32 $0xFFFFFF80, v31;
	v31 =	vand.u32 $0x7F, v31  }
0x134: {  	s3 =	smulhi.u32 $0x66666667, s12;
	v35 =	vmul.f32 v35, v39;
	v37 =	vadd.f32 v38, v37;
	v32 =	vld.idx.msk [tilespmem:v32+s13+$0x0], $0xffff;
	v38 =	vadd.s32 v9, v42  }
0x135: {  	s11 =	smulhi.u32 $0x66666667, s5;
	v26 =	vld.idx.msk [tilespmem:v26+s14+$0x0], $0xffff;
	v31 =	vor.u32 v31, v38;
	v38 =	vand.u32 $0xFFFFFF80, v30;
	v30 =	vand.u32 $0x7F, v30  }
0x136: {  	s10 =	smulhi.u32 $0x66666667, s4;
	v34 =	vmul.f32 v34, v40;
	v35 =	vadd.f32 v35, v37;
	v37 =	vld.idx.msk [tilespmem:v41+s13+$0x0], $0xffff;
	v38 =	vadd.s32 v9, v38  }
0x137: {  	s2 =	smulhi.u32 $0x66666667, s8;
	v23 =	vld.idx.msk [tilespmem:v23+s14+$0x0], $0xffff;
	v30 =	vor.u32 v30, v38;
	v38 =	vand.u32 $0xFFFFFF80, v28;
	v28 =	vand.u32 $0x7F, v28  }
0x138: {  	s20 =	smulhi.u32 $0x66666667, s7;
	v29 =	vmul.f32 v29, v36;
	v34 =	vadd.f32 v34, v35;
	v33 =	vld.idx.msk [tilespmem:v33+s13+$0x0], $0xffff;
	v35 =	vadd.s32 v9, v38  }
0x139: {  	s16 =	smulhi.u32 $0x66666667, s6;
	v22 =	vld.idx.msk [tilespmem:v22+s14+$0x0], $0xffff;
	v28 =	vor.u32 v28, v35;
	v35 =	vand.u32 $0xFFFFFF80, v25;
	v25 =	vand.u32 $0x7F, v25  }
0x13a: {  	s12 =	sshra.s32 s12, $0x1F;
	s21 =	smulhi.u32 $0x66666667, s9;
	v27 =	vmul.f32 v27, v32;
	v29 =	vadd.f32 v29, v34;
	v31 =	vld.idx.msk [tilespmem:v31+s13+$0x0], $0xffff;
	v32 =	vadd.s32 v9, v35  }
0x13b: {  	s23 =	sshra.s32 s5, $0x1F;
	s5 =	sshra.s32 s8, $0x1F;
	s12 =	smul.u32 $0x66666667, s12;
	v19 =	vld.idx.msk [tilespmem:v19+s14+$0x0], $0xffff;
	v25 =	vor.u32 v25, v32;
	v32 =	vand.u32 $0xFFFFFF80, v24;
	v24 =	vand.u32 $0x7F, v24  }
0x13c: {  	s9 =	sshra.s32 s9, $0x1F;
	s7 =	sshra.s32 s7, $0x1F;
	s8 =	smul.u32 $0x66666667, s23;
	v26 =	vmul.f32 v26, v37;
	v27 =	vadd.f32 v27, v29;
	v29 =	vld.idx.msk [tilespmem:v30+s13+$0x0], $0xffff;
	v30 =	vadd.s32 v9, v32  }
0x13d: {  	s6 =	sshra.s32 s6, $0x1F;
	s9 =	smul.u32 $0x66666667, s9;
	s3 =	sadd.s32 s12, s3;
	v13 =	vld.idx.msk [tilespmem:v13+s14+$0x0], $0xffff;
	v24 =	vor.u32 v24, v30;
	v30 =	vand.u32 $0xFFFFFF80, v20;
	v20 =	vand.u32 $0x7F, v20  }
0x13e: {  	s6 =	smul.u32 $0x66666667, s6;
	s12 =	sshrl.u32 s3, $0x1F;
	s3 =	sshra.s32 s3, $0x3;
	v23 =	vmul.f32 v23, v33;
	v26 =	vadd.f32 v26, v27;
	v27 =	vld.idx.msk [tilespmem:v28+s13+$0x0], $0xffff;
	v9 =	vadd.s32 v9, v30  }
0x13f: {  	s8 =	sadd.s32 s8, s11;
	s9 =	sadd.s32 s9, s21;
	s11 =	sshra.s32 s19, $0x3;
	v18 =	vsel vm2, s12, v18;
	v16 =	vsel vm2, s3, v16;
	v12 =	vld.idx.msk [tilespmem:v12+s14+$0x0], $0xffff;
	v9 =	vor.u32 v20, v9  }
0x140: {  	s12 =	sshrl.u32 s8, $0x1F;
	s8 =	sshra.s32 s8, $0x3;
	v20 =	vsel vm9, s11, v21;
	s11 =	sshra.s32 s19, $0x1F;
	v22 =	vmul.f32 v22, v31;
	v21 =	vadd.f32 v23, v26;
	v23 =	vld.idx.msk [tilespmem:v25+s13+$0x0], $0xffff  }
0x141: {  	s7 =	smul.u32 $0x66666667, s7;
	s6 =	sadd.s32 s6, s16;
	s3 =	sshra.s32 s9, $0x3;
	v17 =	vsel vm2, s12, v17;
	v14 =	vsel vm2, s8, v14;
	v20 =	vsel vm10, s11, v20;
	v11 =	vld.idx.msk [tilespmem:v11+s14+$0x0], $0xffff  }
0x142: {  	s11 =	sshrl.u32 s9, $0x1F;
	v20 =	vsel vm1, s3, v20;
	s3 =	sshra.s32 s9, $0x1F;
	v19 =	vmul.f32 v19, v29;
	v21 =	vadd.f32 v22, v21;
	v22 =	vld.idx.msk [tilespmem:v24+s13+$0x0], $0xffff  }
0x143: {  	s4 =	sshra.s32 s4, $0x1F;
	s5 =	smul.u32 $0x66666667, s5;
	v17 =	vcombine.low v17, v18;
	v15 =	vsel vm1, s11, v15;
	v20 =	vsel vm14, s3, v20;
	s3 =	sshra.s32 s6, $0x3;
	v10 =	vld.idx.msk [tilespmem:v10+s14+$0x0], $0xffff  }
0x144: {  	s7 =	sadd.s32 s7, s20;
	s8 =	sshrl.u32 s6, $0x1F;
	v20 =	vsel vm2, s3, v20;
	s3 =	sshra.s32 s6, $0x1F;
	v13 =	vmul.f32 v13, v27;
	v19 =	vadd.f32 v19, v21;
	v9 =	vld.idx.msk [tilespmem:v9+s13+$0x0], $0xffff  }
0x145: {  	s4 =	smul.u32 $0x66666667, s4;
	v14 =	vcombine.low v14, v16;
	v15 =	vsel vm2, s8, v15;
	v18 =	vsel vm12, s3, v20;
	s3 =	sshra.s32 s7, $0x3  }
0x146: {  	s2 =	sadd.s32 s5, s2;
	s6 =	sshrl.u32 s7, $0x1F;
	v18 =	vsel vm5, s3, v18;
	s3 =	sshra.s32 s7, $0x1F;
	v12 =	vmul.f32 v12, v23;
	v13 =	vadd.f32 v13, v19  }
0x147: {  	vm1 =	vcmask $0x3734;
	v15 =	vsel vm5, s6, v15;
	v16 =	vsel vm13, s3, v18;
	s3 =	sshra.s32 s2, $0x3  }
0x148: {  	s4 =	sadd.s32 s4, s10;
	s5 =	sshrl.u32 s2, $0x1F;
	s2 =	sshra.s32 s2, $0x1F;
	v16 =	vsel vm6, s3, v16;
	v11 =	vmul.f32 v11, v22;
	v12 =	vadd.f32 v12, v13  }
0x149: {  	v15 =	vsel vm6, s5, v15;
	v13 =	vperm.xlane v17, v3;
	v16 =	vsel vm15, s2, v16;
	s2 =	sshra.s32 s4, $0x3  }
0x14a: {  	s3 =	sshrl.u32 s4, $0x1F;
	v16 =	vsel vm7, s2, v16;
	s2 =	sshra.s32 s4, $0x1F;
	v9 =	vmul.f32 v10, v9;
	v11 =	vadd.f32 v11, v12  }
0x14b: {  	v10 =	vsel vm7, s3, v15;
	s3 =	sshrl.u32 s1, $0x1F;
	s1 =	sshra.s32 s1, $0x3;
	v12 =	vperm.xlane v14, v3;
	v14 =	vsel vm1, s2, v16  }
0x14c: {  	v10 =	vsel vm11, s3, v10;
	v14 =	vsel vm11, s1, v14;
	v9 =	vadd.f32 v9, v11  }
0x14d: {  	s30 =	sadd.s32 $0x10, s30;
	v10 =	vperm.xlane v10, v4;
	v11 =	vperm.xlane v14, v4  }
0x14e: {  	s4 =	sadd.s32 s0, s22;
	[tilespmem:s30+$0x0] =	vst v9  }
0x14f: {  	v10 =	vsel vm0, v10, v13;
	v9 =	vadd.s32 s4, v2;
	v11 =	vsel vm0, v11, v12  }
0x150: {  	v10 =	vadd.s32 v10, v11;
	(v2sf) =	vpush v9, $0xE  }
0x151: {  	v11 =	vmov s28;
	v12 =	vmul.u32 $0xFFFFFFEC, v10;
	(v2sf) =	vpush v9, $0xA  }
0x152: {  	v13 =	vsub.s32 v5, v11;
	(v2sf) =	vpush v9, $0xD  }
0x153: {  	vm9 =	vlt.s32 v8, $0x1;
	v8 =	vmovc v9;
	vm10 =	vne.s32 v12, v13;
	(v2sf) =	vpush v9, $0x9  }
0x154: {  	vm9 =	vmand vm9, vm10;
	(v2sf) =	vpush v8, $0xC  }
0x155: {  	v9 =	vor.u32 s28, v0;
	v12 =	vsel vm9, $0xFFFFFFFF, v6;
	(v2sf) =	vpush v8, $0x8  }
0x156: {  	vm9 =	vlt.u32 v11, $0x80;
	v10 =	vadd.s32 v12, v10;
	(v2sf) =	vpush v8, $0x0  }
0x157: {  	v9 =	vsel vm9, v9, v10;
	(v2sf) =	vpush v8, $0x7  }
0x158: {  	v9 =	vadd.s32 v1, v9  }
0x159: {  	v10 =	vshra.s32 v9, $0x1F;
	(v2sf) =	vpush v8, $0xF  }
0x15a: {  	v10 =	vshrl.u32 v10, $0x19;
	(v2sf) =	vpush v8, $0x1  }
0x15b: {  	v10 =	vadd.s32 v10, v9  }
0x15c: {  	v10 =	vshra.s32 v10, $0x7  }
0x15d: {  	v11 =	vshll.u32 v10, $0x7  }
0x15e: {  	vm9 =	vlt.s32 v9, $0x1;
	vm10 =	vne.s32 v9, v11  }
0x15f: {  	vm9 =	vmand vm9, vm10;
	s1 =	spop (v2sf)  }
0x160: {  	v11 =	vsel vm9, $0xFFFFFFFF, v6;
	s6 =	smulhi.u32 $0x66666667, s1;
	s2 =	spop (v2sf)  }
0x161: {  	v10 =	vadd.s32 v11, v10;
	s5 =	smulhi.u32 $0x66666667, s2;
	s3 =	spop (v2sf)  }
0x162: {  	s29 =	sadd.s32 $0x10, s29;
	s9 =	smulhi.u32 $0x66666667, s3;
	s8 =	spop (v2sf)  }
0x163: {  	p1 =	sne.s32 s31, $0x0;
	v9 =	vand.u32 $0x7F, v9;
	v10 =	vshll.u32 v10, $0x7;
	s3 =	sshra.s32 s3, $0x1F;
	s7 =	smulhi.u32 $0x66666667, s8  }
0x164: {  	p2 =	seq.s32 s28, $0x0;
	v9 =	vor.u32 v9, v10;
	s10 =	spop (v2sf);
	s3 =	smul.u32 $0x66666667, s3  }
0x165: {  	s25 =	simm.s32 $0x1;
	s11 =	smulhi.u32 $0x66666667, s10;
	s16 =	spop (v2sf)  }
0x166: {  	p1 =	por !p1, !p2;
	s10 =	sshra.s32 s10, $0x1F;
	s18 =	smulhi.u32 $0x66666667, s16  }
0x167: {  	p1 =	por !p1, !p1;
	s19 =	spop (v2sf);
	s10 =	smul.u32 $0x66666667, s10  }
0x168: {  	s25 =	simm.s32 @!p1 $0x0;
	s20 =	smulhi.u32 $0x66666667, s19;
	s21 =	spop (v2sf)  }
0x169: {  	s25 =	ssub.s32 s26, s25;
	s8 =	sshra.s32 s8, $0x1F;
	s23 =	smulhi.u32 $0x66666667, s21  }
0x16a: {  	s24 =	smul.u32 $0x66666667, s8;
	s16 =	sshra.s32 s16, $0x1F;
	s12 =	spop (v2sf);
	v10 =	vld.idx.msk [tilespmem:v9+s15+$0x0], $0xffff  }
0x16b: {  	vm1 =	vcmask $0xB08;
	s16 =	smul.u32 $0x66666667, s16;
	s10 =	sadd.s32 s10, s11;
	s8 =	spop (v2sf)  }
0x16c: {  	vm9 =	vcmask $0xB08;
	s3 =	sadd.s32 s3, s9;
	s19 =	sshra.s32 s19, $0x1F;
	v9 =	vmov s31;
	s9 =	sshrl.u32 s10, $0x1F;
	(v2sf) =	vpush v8, $0xB  }
0x16d: {  	s19 =	smul.u32 $0x66666667, s19;
	s16 =	sadd.s32 s16, s18;
	s10 =	sshra.s32 s10, $0x3;
	v9 =	vshll.u32 v9, $0x7;
	v12 =	vmov s9;
	(v2sf) =	vpush v8, $0x6  }
0x16e: {  	s21 =	sshra.s32 s21, $0x1F;
	s9 =	sshrl.u32 s16, $0x1F;
	v14 =	vmov s10;
	s10 =	sshra.s32 s16, $0x3;
	v9 =	vor.u32 v7, v9;
	(v2sf) =	vpush v8, $0x5  }
0x16f: {  	s11 =	sshra.s32 s1, $0x1F;
	s1 =	smul.u32 $0x66666667, s21;
	s16 =	sshrl.u32 s3, $0x1F;
	v13 =	vmov s9;
	v16 =	vmov s10;
	(v2sf) =	vpush v8, $0x4  }
0x170: {  	v12 =	vsel vm9, s16, v12;
	v11 =	vshra.s32 v10, $0x1F;
	(v2sf) =	vpush v8, $0x3  }
0x171: {  	s7 =	sadd.s32 s24, s7;
	s18 =	sadd.s32 s19, s20;
	s3 =	sshra.s32 s3, $0x3;
	vm9 =	vcmask $0xB08;
	v11 =	vshrl.u32 v11, $0x1D;
	(v2sf) =	vpush v8, $0x2  }
0x172: {  	s9 =	sshrl.u32 s18, $0x1F;
	s1 =	sadd.s32 s1, s23;
	s10 =	sshrl.u32 s7, $0x1F;
	v14 =	vsel vm1, s3, v14;
	vm1 =	vcmask $0xB08;
	v11 =	vadd.s32 v11, v10  }
0x173: {  	s7 =	sshra.s32 s7, $0x3;
	v15 =	vmov s9;
	s9 =	sshra.s32 s1, $0x1F;
	v13 =	vsel vm9, s10, v13;
	v11 =	vshra.s32 v11, $0x3  }
0x174: {  	s2 =	sshra.s32 s2, $0x1F;
	s16 =	smulhi.u32 $0x66666667, s8;
	v19 =	vsel vm1, s7, v16;
	v17 =	vmov s9;
	v18 =	vshll.u32 v11, $0x3  }
0x175: {  	vm1 =	vcmask $0x1310;
	s9 =	smul.u32 $0x66666667, s11;
	vm9 =	vlt.s32 v10, $0x1;
	vm10 =	vne.s32 v10, v18  }
0x176: {  	s2 =	smul.u32 $0x66666667, s2;
	s8 =	sshra.s32 s8, $0x1F;
	s3 =	sshll.u32 s25, $0x9;
	v15 =	vnsel vm4, $0x0, v15;
	vm9 =	vmand vm9, vm10;
	vm10 =	vcmask $0xF0C  }
0x177: {  	s7 =	smul.u32 $0x66666667, s8;
	s8 =	sshra.s32 s18, $0x3;
	s6 =	sadd.s32 s9, s6;
	v10 =	vsub.s32 v10, v18;
	v16 =	vsel vm9, $0xFFFFFFFF, v6;
	vm9 =	vcmask $0xB08  }
0x178: {  	s2 =	sadd.s32 s2, s5;
	s3 =	sshra.s32 s3, $0x2;
	v21 =	vsel vm4, s8, v17;
	s9 =	sshrl.u32 s6, $0x1F;
	v10 =	vshll.u32 v10, $0x4;
	v11 =	vadd.s32 v16, v11  }
0x179: {  	s5 =	sshrl.u32 s2, $0x1F;
	s19 =	sadd.s32 s7, s16;
	s6 =	sshra.s32 s6, $0x3;
	v18 =	vsel vm1, s9, v12;
	v10 =	vand.u32 $0x70, v10;
	v11 =	vshll.u32 v11, $0x7  }
0x17a: {  	s2 =	sshra.s32 s2, $0x3;
	s3 =	sadd.s32 s3, s29;
	v17 =	vsel vm1, s5, v13;
	s5 =	sshrl.u32 s19, $0x1F;
	v16 =	vsel vm1, s6, v14;
	v31 =	vor.u32 v10, v11  }
0x17b: {  	s28 =	smov.u32 s4;
	s31 =	smov.u32 s0;
	v15 =	vsel vm9, s5, v15;
	v14 =	vsel vm1, s2, v19;
	v10 =	vor.u32 $0xF, v31;
	s5 =	spop (v2sf);
	v32 =	vld [tilespmem:s3+$0x0]  }
0x17c: {  	v13 =	vor.u32 $0xC, v31;
	v12 =	vor.u32 $0xD, v31;
	v11 =	vor.u32 $0xE, v31;
	s4 =	spop (v2sf)  }
0x17d: {  	v23 =	vor.u32 $0x9, v31;
	v22 =	vor.u32 $0xA, v31;
	v19 =	vor.u32 $0xB, v31;
	s8 =	spop (v2sf)  }
0x17e: {  	v29 =	vor.u32 $0x6, v31;
	v27 =	vor.u32 $0x7, v31;
	v26 =	vor.u32 $0x8, v31;
	s7 =	spop (v2sf)  }
0x17f: {  	v34 =	vor.u32 $0x3, v31;
	v35 =	vor.u32 $0x4, v31;
	v43 =	vor.u32 $0x5, v31;
	s6 =	spop (v2sf)  }
0x180: {  	v33 =	vor.u32 $0x1, v31;
	v36 =	vor.u32 $0x2, v31;
	s9 =	spop (v2sf);
	v20 =	vadd.s32 $0xF, v32  }
0x181: {  	v28 =	vand.u32 $0xFFFFFF80, v32;
	v25 =	vadd.s32 $0xD, v32;
	v24 =	vadd.s32 $0xE, v32  }
0x182: {  	v30 =	vand.u32 $0x7F, v32;
	v37 =	vadd.s32 $0x1, v32;
	v28 =	vadd.s32 v9, v28  }
0x183: {  	v38 =	vor.u32 v30, v28;
	v30 =	vand.u32 $0xFFFFFF80, v37;
	v28 =	vadd.s32 $0xC, v32  }
0x184: {  	v39 =	vadd.s32 $0x2, v32;
	v37 =	vand.u32 $0x7F, v37;
	v30 =	vadd.s32 v9, v30  }
0x185: {  	v40 =	vand.u32 $0xFFFFFF80, v39;
	v37 =	vor.u32 v37, v30;
	v30 =	vadd.s32 $0xB, v32  }
0x186: {  	v41 =	vadd.s32 $0x3, v32;
	v39 =	vand.u32 $0x7F, v39;
	v40 =	vadd.s32 v9, v40  }
0x187: {  	v39 =	vor.u32 v39, v40;
	v40 =	vand.u32 $0xFFFFFF80, v41;
	v42 =	vld.idx.msk [tilespmem:v31+s14+$0x0], $0xffff;
	v31 =	vadd.s32 $0xA, v32  }
0x188: {  	v40 =	vadd.s32 v9, v40;
	v44 =	vld.idx.msk [tilespmem:v38+s13+$0x0], $0xffff;
	v38 =	vand.u32 $0x7F, v41;
	v41 =	vadd.s32 $0x4, v32  }
0x189: {  	v45 =	vld.idx.msk [tilespmem:v33+s14+$0x0], $0xffff;
	v46 =	vor.u32 v38, v40;
	v38 =	vand.u32 $0xFFFFFF80, v41;
	v33 =	vadd.s32 $0x9, v32  }
0x18a: {  	v48 =	vadd.s32 $0x5, v32;
	v40 =	vand.u32 $0x7F, v41;
	v47 =	vld.idx.msk [tilespmem:v37+s13+$0x0], $0xffff;
	v38 =	vadd.s32 v9, v38  }
0x18b: {  	v50 =	vadd.s32 $0x8, v32;
	v37 =	vld.idx.msk [tilespmem:v36+s14+$0x0], $0xffff;
	v49 =	vor.u32 v40, v38;
	v36 =	vand.u32 $0xFFFFFF80, v48  }
0x18c: {  	v41 =	vld.idx.msk [tilespmem:v39+s13+$0x0], $0xffff;
	v39 =	vand.u32 $0x7F, v48;
	v36 =	vadd.s32 v9, v36;
	v48 =	vadd.s32 $0x6, v32  }
.Ltmp5:
0x18d: {  	v32 =	vadd.s32 $0x7, v32;
	v38 =	vld.idx.msk [tilespmem:v34+s14+$0x0], $0xffff;
	v40 =	vor.u32 v39, v36;
	v34 =	vand.u32 $0xFFFFFF80, v48;
	(pc) =	sbr.rel @p0 .LBB2_4-.Ltmp5, $4  }
0x18e: {  	v39 =	vmul.f32 v42, v44;
	v36 =	vand.u32 $0x7F, v48;
	v42 =	vld.idx.msk [tilespmem:v46+s13+$0x0], $0xffff;
	v34 =	vadd.s32 v9, v34  }
0x18f: {  	v35 =	vld.idx.msk [tilespmem:v35+s14+$0x0], $0xffff;
	v36 =	vor.u32 v36, v34;
	v34 =	vand.u32 $0xFFFFFF80, v32;
	v32 =	vand.u32 $0x7F, v32  }
0x190: {  	v44 =	vadd.f32 $0.0e+00, v39;
	v45 =	vmul.f32 v45, v47;
	v39 =	vld.idx.msk [tilespmem:v49+s13+$0x0], $0xffff;
	v46 =	vadd.s32 v9, v34  }
0x191: {  	s0 =	sadd.s32 $0x10, s0;
	v34 =	vld.idx.msk [tilespmem:v43+s14+$0x0], $0xffff;
	v32 =	vor.u32 v32, v46;
	v46 =	vand.u32 $0xFFFFFF80, v50;
	v43 =	vand.u32 $0x7F, v50  }
0x192: {  	s3 =	smulhi.u32 $0x66666667, s12  }
0x193: {  	s10 =	smulhi.u32 $0x66666667, s5  }
0x194: {  	s0 =	smulhi.u32 $0x66666667, s4  }
0x195: {  	s2 =	smulhi.u32 $0x66666667, s8  }
0x196: {  	s11 =	smulhi.u32 $0x66666667, s7;
	v44 =	vadd.f32 v45, v44;
	v37 =	vmul.f32 v37, v41  }
0x197: {  	s16 =	smulhi.u32 $0x66666667, s6;
	v62 =	vadd.s32 v9, v46;
	v63 =	vand.u32 $0xFFFFFF80, v33;
	v47 =	vand.u32 $0x7F, v33  }
0x198: {  	s23 =	sshra.s32 s12, $0x1F;
	s20 =	smulhi.u32 $0x66666667, s9;
	v49 =	vand.u32 $0xFFFFFF80, v31;
	v50 =	vand.u32 $0x7F, v31;
	v52 =	vand.u32 $0xFFFFFF80, v30  }
0x199: {  	s24 =	sshra.s32 s5, $0x1F;
	v53 =	vand.u32 $0x7F, v30;
	v55 =	vand.u32 $0xFFFFFF80, v28;
	v56 =	vand.u32 $0x7F, v28;
	s12 =	smul.u32 $0x66666667, s23  }
0x19a: {  	s8 =	sshra.s32 s8, $0x1F;
	s25 =	sshra.s32 s9, $0x1F;
	vm3 =	vcmask $0x3734;
	v45 =	vor.u32 s28, v0;
	v38 =	vmul.f32 v38, v42;
	s5 =	smul.u32 $0x66666667, s24  }
0x19b: {  	s21 =	sshra.s32 s7, $0x1F;
	s18 =	sshra.s32 s18, $0x1F;
	v48 =	vadd.s32 v9, v63;
	v41 =	vor.u32 v43, v62;
	v51 =	vadd.s32 v9, v49;
	s9 =	smul.u32 $0x66666667, s25  }
0x19c: {  	s23 =	sshra.s32 s6, $0x1F;
	v21 =	vsel vm8, s18, v21;
	s24 =	sshra.s32 s19, $0x3;
	v54 =	vadd.s32 v9, v52;
	s7 =	smul.u32 $0x66666667, s21;
	v57 =	vadd.s32 v9, v55  }
0x19d: {  	v40 =	vld.idx.msk [tilespmem:v40+s13+$0x0], $0xffff;
	s25 =	sshra.s32 s19, $0x1F;
	v62 =	vand.u32 $0xFFFFFF80, v25;
	v63 =	vand.u32 $0x7F, v25;
	s6 =	smul.u32 $0x66666667, s23;
	v21 =	vsel vm9, s24, v21;
	s9 =	sadd.s32 s9, s20  }
0x19e: {  	s8 =	smul.u32 $0x66666667, s8;
	v42 =	vand.u32 $0x7F, v20;
	v37 =	vadd.f32 v37, v44;
	s3 =	sadd.s32 s12, s3;
	v21 =	vsel vm10, s25, v21;
	s12 =	sshra.s32 s9, $0x3  }
0x19f: {  	v33 =	vor.u32 v47, v48;
	v31 =	vor.u32 v50, v51;
	s24 =	sshra.s32 s4, $0x1F;
	s6 =	sadd.s32 s6, s16;
	s19 =	sshra.s32 s9, $0x1F;
	v21 =	vsel vm1, s12, v21  }
0x1a0: {  	v30 =	vor.u32 v53, v54;
	v28 =	vor.u32 v56, v57;
	s5 =	sadd.s32 s5, s10;
	s7 =	sadd.s32 s7, s11;
	s21 =	sshra.s32 s6, $0x3;
	v21 =	vsel vm14, s19, v21  }
0x1a1: {  	v60 =	vld.idx.msk [tilespmem:v26+s14+$0x0], $0xffff;
	v26 =	vadd.s32 v9, v62;
	v35 =	vmul.f32 v35, v39;
	s4 =	smul.u32 $0x66666667, s24;
	s2 =	sadd.s32 s8, s2;
	s23 =	sshra.s32 s6, $0x1F;
	v21 =	vsel vm2, s21, v21  }
0x1a2: {  	v37 =	vadd.f32 v38, v37;
	s18 =	sshrl.u32 s3, $0x1F;
	s20 =	sshrl.u32 s5, $0x1F;
	s25 =	sshra.s32 s7, $0x3;
	v34 =	vmul.f32 v34, v40;
	v21 =	vsel vm12, s23, v21  }
0x1a3: {  	v29 =	vld.idx.msk [tilespmem:v29+s14+$0x0], $0xffff;
	s3 =	sshra.s32 s3, $0x3;
	s9 =	sshrl.u32 s9, $0x1F;
	s10 =	sshra.s32 s7, $0x1F;
	v18 =	vsel vm2, s18, v18;
	v17 =	vsel vm2, s20, v17;
	v21 =	vsel vm5, s25, v21  }
0x1a4: {  	v36 =	vld.idx.msk [tilespmem:v36+s13+$0x0], $0xffff;
	s11 =	sshra.s32 s5, $0x3;
	s16 =	sshra.s32 s2, $0x3;
	v16 =	vsel vm2, s3, v16;
	v15 =	vsel vm1, s9, v15;
	s12 =	sshrl.u32 s6, $0x1F;
	v21 =	vsel vm13, s10, v21  }
0x1a5: {  	v27 =	vld.idx.msk [tilespmem:v27+s14+$0x0], $0xffff;
	v14 =	vsel vm2, s11, v14;
	s18 =	sshrl.u32 s7, $0x1F;
	s0 =	sadd.s32 s4, s0;
	v15 =	vsel vm2, s12, v15;
	s19 =	sshra.s32 s2, $0x1F;
	v21 =	vsel vm6, s16, v21  }
0x1a6: {  	v32 =	vld.idx.msk [tilespmem:v32+s13+$0x0], $0xffff;
	v17 =	vcombine.low v17, v18;
	s2 =	sshrl.u32 s2, $0x1F;
	s20 =	sshra.s32 s0, $0x3;
	v15 =	vsel vm5, s18, v15;
	v58 =	vsel vm15, s19, v21  }
0x1a7: {  	v14 =	vcombine.low v14, v16;
	s21 =	sshrl.u32 s0, $0x1F;
	s0 =	sshra.s32 s0, $0x1F;
	v15 =	vsel vm6, s2, v15;
	v59 =	vsel vm7, s20, v58  }
0x1a8: {  	s24 =	sshra.s32 s1, $0x3;
	v17 =	vperm.xlane v17, v3;
	s23 =	sshrl.u32 s1, $0x1F;
	v15 =	vsel vm7, s21, v15;
	v16 =	vsel vm3, s0, v59  }
0x1a9: {  	v14 =	vperm.xlane v14, v3;
	v15 =	vsel vm11, s23, v15;
	v16 =	vsel vm11, s24, v16  }
0x1aa: {  	v35 =	vadd.f32 v35, v37;
	v15 =	vperm.xlane v15, v4;
	v16 =	vperm.xlane v16, v4  }
0x1ab: {  	vm9 =	vlt.s32 v8, $0x1;
	v29 =	vmul.f32 v29, v36;
	v27 =	vmul.f32 v27, v32;
	v61 =	vld.idx.msk [tilespmem:v41+s13+$0x0], $0xffff  }
0x1ac: {  	v22 =	vld.idx.msk [tilespmem:v22+s14+$0x0], $0xffff;
	v34 =	vadd.f32 v34, v35;
	v15 =	vsel vm0, v15, v17;
	v14 =	vsel vm0, v16, v14  }
0x1ad: {  	v32 =	vor.u32 v63, v26;
	v36 =	vand.u32 $0x7F, v24;
	v39 =	vld.idx.msk [tilespmem:v33+s13+$0x0], $0xffff;
	v14 =	vadd.s32 v15, v14  }
0x1ae: {  	v37 =	vmov s28;
	v35 =	vld.idx.msk [tilespmem:v23+s14+$0x0], $0xffff;
	v29 =	vadd.f32 v29, v34;
	v38 =	vmul.u32 $0xFFFFFFEC, v14  }
0x1af: {  	v19 =	vld.idx.msk [tilespmem:v19+s14+$0x0], $0xffff;
	v41 =	vand.u32 $0xFFFFFF80, v20;
	v40 =	vsub.s32 v5, v37;
	v34 =	vand.u32 $0xFFFFFF80, v24  }
0x1b0: {  	v8 =	vld.idx.msk [tilespmem:v31+s13+$0x0], $0xffff;
	v18 =	vmul.f32 v60, v61;
	v27 =	vadd.f32 v27, v29;
	vm10 =	vne.s32 v38, v40  }
0x1b1: {  	v13 =	vld.idx.msk [tilespmem:v13+s14+$0x0], $0xffff;
	v46 =	vadd.s32 v9, v41;
	v17 =	vadd.s32 v9, v34;
	vm9 =	vmand vm9, vm10  }
0x1b2: {  	v44 =	vld.idx.msk [tilespmem:v30+s13+$0x0], $0xffff;
	v17 =	vor.u32 v36, v17;
	v18 =	vadd.f32 v18, v27;
	v43 =	vsel vm9, $0xFFFFFFFF, v6  }
0x1b3: {  	v12 =	vld.idx.msk [tilespmem:v12+s14+$0x0], $0xffff;
	v15 =	vmul.f32 v35, v39;
	vm9 =	vlt.u32 v37, $0x80;
	v14 =	vadd.s32 v43, v14  }
0x1b4: {  	v47 =	vld.idx.msk [tilespmem:v28+s13+$0x0], $0xffff;
	v9 =	vor.u32 v42, v46;
	v14 =	vsel vm9, v45, v14  }
0x1b5: {  	v8 =	vmul.f32 v22, v8;
	v16 =	vld.idx.msk [tilespmem:v32+s13+$0x0], $0xffff;
	v15 =	vadd.f32 v15, v18;
	v14 =	vadd.s32 v1, v14  }
0x1b6: {  	v11 =	vld.idx.msk [tilespmem:v11+s14+$0x0], $0xffff;
	v48 =	vshra.s32 v14, $0x1F  }
0x1b7: {  	v10 =	vld.idx.msk [tilespmem:v10+s14+$0x0], $0xffff;
	v49 =	vmul.f32 v19, v44;
	v8 =	vadd.f32 v8, v15;
	v18 =	vshrl.u32 v48, $0x19  }
0x1b8: {  	v17 =	vld.idx.msk [tilespmem:v17+s13+$0x0], $0xffff;
	v18 =	vadd.s32 v18, v14  }
0x1b9: {  	v13 =	vmul.f32 v13, v47;
	v9 =	vld.idx.msk [tilespmem:v9+s13+$0x0], $0xffff;
	v8 =	vadd.f32 v49, v8;
	v18 =	vshra.s32 v18, $0x7  }
0x1ba: {  	v12 =	vmul.f32 v12, v16;
	v50 =	vshll.u32 v18, $0x7  }
0x1bb: {  	v8 =	vadd.f32 v13, v8;
	vm9 =	vlt.s32 v14, $0x1;
	vm10 =	vne.s32 v14, v50  }
0x1bc: {  	p0 =	sne.s32 s31, $0x0;
	p1 =	seq.s32 s28, $0x0;
	vm9 =	vmand vm9, vm10  }
0x1bd: {  	p0 =	por !p0, !p1;
	v11 =	vmul.f32 v11, v17;
	v8 =	vadd.f32 v12, v8;
	v51 =	vsel vm9, $0xFFFFFFFF, v6  }
0x1be: {  	p0 =	por !p0, !p0;
	s1 =	simm.s32 $0x1;
	v9 =	vmul.f32 v10, v9;
	v52 =	vadd.s32 v51, v18  }
0x1bf: {  	s1 =	simm.s32 @!p0 $0x0;
	v53 =	vand.u32 $0x7F, v14;
	v8 =	vadd.f32 v11, v8;
	v12 =	vshll.u32 v52, $0x7  }
0x1c0: {  	s1 =	ssub.s32 s26, s1;
	v54 =	vor.u32 v53, v12  }
0x1c1: {  	s1 =	sshll.u32 s1, $0x9;
	v8 =	vadd.f32 v9, v8  }
0x1c2: {  	s25 =	sadd.s32 $0x10, s30;
	s30 =	sadd.s32 $0x10, s29;
	s1 =	sshra.s32 s1, $0x2  }
0x1c3: {  	s1 =	sadd.s32 s1, s30;
	[tilespmem:s25+$0x0] =	vst v8  }
0x1c4: {  	v12 =	vld [tilespmem:s1+$0x0]  }
0x1c5: {  	v8 =	vld.idx.msk [tilespmem:v54+s15+$0x0], $0xffff;
	_ =	sdelay $0x2  }
0x1c6: {  	v58 =	vmov s31  }
0x1c7: {  	v10 =	vshll.u32 v58, $0x7;
	v37 =	vand.u32 $0xFFFFFF80, v12;
	v25 =	vadd.s32 $0xD, v12  }
0x1c8: {  	v26 =	vadd.s32 $0xE, v12;
	v38 =	vand.u32 $0x7F, v12;
	v55 =	vshra.s32 v8, $0x1F  }
0x1c9: {  	v39 =	vadd.s32 $0x1, v12;
	v29 =	vadd.s32 $0xC, v12;
	v9 =	vshrl.u32 v55, $0x1D  }
0x1ca: {  	v41 =	vadd.s32 $0x2, v12;
	v31 =	vadd.s32 $0xB, v12;
	v9 =	vadd.s32 v9, v8  }
0x1cb: {  	v43 =	vadd.s32 $0x3, v12;
	v45 =	vadd.s32 $0xA, v12;
	v9 =	vshra.s32 v9, $0x3  }
0x1cc: {  	v47 =	vadd.s32 $0x4, v12;
	v49 =	vadd.s32 $0x9, v12;
	v56 =	vshll.u32 v9, $0x3  }
0x1cd: {  	v50 =	vadd.s32 $0x5, v12;
	vm9 =	vlt.s32 v8, $0x1;
	vm10 =	vne.s32 v8, v56  }
0x1ce: {  	v52 =	vadd.s32 $0x8, v12;
	v53 =	vadd.s32 $0x6, v12;
	vm9 =	vmand vm9, vm10  }
0x1cf: {  	v40 =	vand.u32 $0xFFFFFF80, v39;
	v8 =	vsub.s32 v8, v56;
	v57 =	vsel vm9, $0xFFFFFFFF, v6  }
0x1d0: {  	v28 =	vand.u32 $0x7F, v39;
	v8 =	vshll.u32 v8, $0x4;
	v9 =	vadd.s32 v57, v9  }
0x1d1: {  	v42 =	vand.u32 $0xFFFFFF80, v41;
	v8 =	vand.u32 $0x70, v8;
	v9 =	vshll.u32 v9, $0x7  }
0x1d2: {  	v30 =	vand.u32 $0x7F, v41;
	v9 =	vor.u32 v8, v9;
	v8 =	vor.u32 v7, v10  }
0x1d3: {  	v44 =	vand.u32 $0xFFFFFF80, v43;
	v32 =	vand.u32 $0x7F, v43;
	v24 =	vadd.s32 v8, v37  }
0x1d4: {  	v48 =	vand.u32 $0xFFFFFF80, v47;
	v35 =	vand.u32 $0x7F, v47;
	v24 =	vor.u32 v38, v24  }
0x1d5: {  	v51 =	vand.u32 $0xFFFFFF80, v50;
	v62 =	vor.u32 $0x1, v9;
	v27 =	vadd.s32 v8, v40  }
0x1d6: {  	v54 =	vand.u32 $0xFFFFFF80, v53;
	v36 =	vand.u32 $0x7F, v49;
	v27 =	vor.u32 v28, v27  }
0x1d7: {  	v33 =	vand.u32 $0x7F, v45;
	v63 =	vor.u32 $0x2, v9;
	v28 =	vadd.s32 v8, v42  }
0x1d8: {  	v47 =	vand.u32 $0xFFFFFF80, v29;
	v29 =	vand.u32 $0x7F, v29;
	v28 =	vor.u32 v30, v28;
	v46 =	vld.idx.msk [tilespmem:v9+s14+$0x0], $0xffff  }
0x1d9: {  	v55 =	vadd.s32 $0x7, v12;
	v59 =	vor.u32 $0x3, v9;
	v30 =	vadd.s32 v8, v44;
	v24 =	vld.idx.msk [tilespmem:v24+s13+$0x0], $0xffff  }
0x1da: {  	v12 =	vadd.s32 $0xF, v12;
	v58 =	vand.u32 $0x7F, v55;
	v30 =	vor.u32 v32, v30;
	v22 =	vld.idx.msk [tilespmem:v62+s14+$0x0], $0xffff  }
0x1db: {  	v56 =	vand.u32 $0x7F, v53;
	v60 =	vor.u32 $0x4, v9;
	v32 =	vadd.s32 v8, v48;
	v27 =	vld.idx.msk [tilespmem:v27+s13+$0x0], $0xffff  }
0x1dc: {  	v57 =	vand.u32 $0xFFFFFF80, v55;
	v55 =	vand.u32 $0xFFFFFF80, v12;
	v32 =	vor.u32 v35, v32;
	v23 =	vld.idx.msk [tilespmem:v63+s14+$0x0], $0xffff  }
0x1dd: {  	v61 =	vor.u32 $0x5, v9;
	v37 =	vand.u32 $0x7F, v50;
	v35 =	vadd.s32 v8, v51;
	v28 =	vld.idx.msk [tilespmem:v28+s13+$0x0], $0xffff  }
0x1de: {  	v11 =	vor.u32 $0xC, v9;
	v35 =	vor.u32 v37, v35;
	v19 =	vld.idx.msk [tilespmem:v59+s14+$0x0], $0xffff;
	v24 =	vmul.f32 v46, v24  }
0x1df: {  	v16 =	vor.u32 $0x6, v9;
	v17 =	vor.u32 $0x7, v9;
	v37 =	vadd.s32 v8, v54;
	v30 =	vld.idx.msk [tilespmem:v30+s13+$0x0], $0xffff  }
0x1e0: {  	v20 =	vld.idx.msk [tilespmem:v60+s14+$0x0], $0xffff;
	v34 =	vor.u32 v56, v37;
	v22 =	vmul.f32 v22, v27;
	v24 =	vadd.f32 $0.0e+00, v24  }
0x1e1: {  	v18 =	vor.u32 $0x8, v9;
	v59 =	vadd.s32 v8, v57;
	v60 =	vand.u32 $0xFFFFFF80, v52;
	v32 =	vld.idx.msk [tilespmem:v32+s13+$0x0], $0xffff  }
0x1e2: {  	v21 =	vld.idx.msk [tilespmem:v61+s14+$0x0], $0xffff;
	v27 =	vor.u32 v58, v59;
	v23 =	vmul.f32 v23, v28;
	v22 =	vadd.f32 v22, v24  }
0x1e3: {  	v38 =	vand.u32 $0x7F, v52;
	v63 =	vand.u32 $0xFFFFFF80, v49;
	v61 =	vadd.s32 v8, v60;
	v62 =	vld.idx.msk [tilespmem:v35+s13+$0x0], $0xffff  }
0x1e4: {  	v16 =	vld.idx.msk [tilespmem:v16+s14+$0x0], $0xffff;
	v19 =	vmul.f32 v19, v30;
	v24 =	vor.u32 v38, v61;
	v22 =	vadd.f32 v23, v22  }
0x1e5: {  	v13 =	vor.u32 $0x9, v9;
	v42 =	vand.u32 $0xFFFFFF80, v45;
	v40 =	vadd.s32 v8, v63;
	v41 =	vld.idx.msk [tilespmem:v34+s13+$0x0], $0xffff  }
0x1e6: {  	v17 =	vld.idx.msk [tilespmem:v17+s14+$0x0], $0xffff;
	v20 =	vmul.f32 v20, v32;
	v23 =	vor.u32 v36, v40;
	v19 =	vadd.f32 v19, v22  }
0x1e7: {  	v14 =	vor.u32 $0xA, v9;
	v43 =	vadd.s32 v8, v42;
	v44 =	vand.u32 $0xFFFFFF80, v31;
	v27 =	vld.idx.msk [tilespmem:v27+s13+$0x0], $0xffff  }
0x1e8: {  	v18 =	vld.idx.msk [tilespmem:v18+s14+$0x0], $0xffff;
	v45 =	vmul.f32 v21, v62;
	v22 =	vor.u32 v33, v43;
	v19 =	vadd.f32 v20, v19  }
0x1e9: {  	v15 =	vor.u32 $0xB, v9;
	v31 =	vand.u32 $0x7F, v31;
	v46 =	vadd.s32 v8, v44;
	v24 =	vld.idx.msk [tilespmem:v24+s13+$0x0], $0xffff  }
0x1ea: {  	v13 =	vld.idx.msk [tilespmem:v13+s14+$0x0], $0xffff;
	v21 =	vor.u32 v31, v46;
	v16 =	vmul.f32 v16, v41;
	v19 =	vadd.f32 v45, v19  }
0x1eb: {  	v10 =	vor.u32 $0xD, v9;
	v48 =	vadd.s32 v8, v47;
	v49 =	vand.u32 $0xFFFFFF80, v25;
	v23 =	vld.idx.msk [tilespmem:v23+s13+$0x0], $0xffff  }
0x1ec: {  	v14 =	vld.idx.msk [tilespmem:v14+s14+$0x0], $0xffff;
	v20 =	vor.u32 v29, v48;
	v17 =	vmul.f32 v17, v27;
	v16 =	vadd.f32 v16, v19  }
0x1ed: {  	v51 =	vand.u32 $0xFFFFFF80, v26;
	v25 =	vand.u32 $0x7F, v25;
	v50 =	vadd.s32 v8, v49;
	v22 =	vld.idx.msk [tilespmem:v22+s13+$0x0], $0xffff  }
0x1ee: {  	v15 =	vld.idx.msk [tilespmem:v15+s14+$0x0], $0xffff;
	v19 =	vor.u32 v25, v50;
	v52 =	vmul.f32 v18, v24;
	v16 =	vadd.f32 v17, v16  }
0x1ef: {  	v26 =	vand.u32 $0x7F, v26;
	v53 =	vadd.s32 v8, v51;
	v54 =	vor.u32 $0xE, v9;
	v21 =	vld.idx.msk [tilespmem:v21+s13+$0x0], $0xffff  }
0x1f0: {  	v11 =	vld.idx.msk [tilespmem:v11+s14+$0x0], $0xffff;
	v18 =	vor.u32 v26, v53;
	v13 =	vmul.f32 v13, v23;
	v16 =	vadd.f32 v52, v16  }
0x1f1: {  	v12 =	vand.u32 $0x7F, v12;
	v9 =	vor.u32 $0xF, v9;
	v8 =	vadd.s32 v8, v55;
	v56 =	vld.idx.msk [tilespmem:v20+s13+$0x0], $0xffff  }
0x1f2: {  	v10 =	vld.idx.msk [tilespmem:v10+s14+$0x0], $0xffff;
	v8 =	vor.u32 v12, v8;
	v58 =	vmul.f32 v14, v22;
	v57 =	vadd.f32 v13, v16  }
0x1f3: {  	v59 =	vld.idx.msk [tilespmem:v19+s13+$0x0], $0xffff  }
0x1f4: {  	v60 =	vld.idx.msk [tilespmem:v54+s14+$0x0], $0xffff;
	v61 =	vmul.f32 v15, v21;
	v12 =	vadd.f32 v58, v57  }
0x1f5: {  	v62 =	vld.idx.msk [tilespmem:v18+s13+$0x0], $0xffff  }
0x1f6: {  	v9 =	vld.idx.msk [tilespmem:v9+s14+$0x0], $0xffff;
	v11 =	vmul.f32 v11, v56;
	v12 =	vadd.f32 v61, v12  }
0x1f7: {  	v8 =	vld.idx.msk [tilespmem:v8+s13+$0x0], $0xffff  }
0x1f8: {  	v10 =	vmul.f32 v10, v59;
	v11 =	vadd.f32 v11, v12;
	_ =	sdelay $0x1  }
0x1f9: {  	v63 =	vmul.f32 v60, v62;
	v10 =	vadd.f32 v10, v11;
	_ =	sdelay $0x1  }
0x1fa: {  	s5 =	rddreg [dreg:$0xb];
	v8 =	vmul.f32 v9, v8;
	v10 =	vadd.f32 v63, v10  }
0x1fb: {  	s7 =	rddreg [dreg:$0x2]  }
0x1fc: {  	s3 =	rddreg [dreg:$0xc];
	v8 =	vadd.f32 v8, v10  }
0x1fd: {  	vm8 =	vmmov vm15;
	s6 =	rddreg [dreg:$0xd];
	s0 =	sadd.s32 $0x10, s25  }
0x1fe: {  	vm1 =	vcmask $0x704;
	s4 =	rddreg [dreg:$0xe];
	vm10 =	vcmask $0xF0C;
	vm9 =	vmmov vm3;
	[tilespmem:s0+$0x0] =	vst v8  }
.LBB2_6:
0x1ff: {  	p0 =	seq.s32 s4, $0x1  }
.Ltmp6:
0x200: {  	_ = 	snop;
	(pc) =	sbr.rel @!p0 .LBB2_10-.Ltmp6, $1  }
0x201: {  	_ =	sdelay $0x3  }
0x202: {  	s0 =	sadd.s32 $0x0, s22  }
0x203: {  	v8 =	vadd.s32 s0, v2  }
0x204: {  	v9 =	vmulhi.u32 $0xCCCCCCCD, v8;
	_ =	sdelay $0x1  }
0x205: {  	v9 =	vshrl.u32 v9, $0x4  }
0x206: {  	v10 =	vmov s0;
	v11 =	vmul.u32 $0xFFFFFFEC, v9  }
0x207: {  	v12 =	vsub.s32 v5, v10  }
0x208: {  	vm6 =	vmmov vm9;
	vm9 =	vlt.s32 v8, $0x1;
	vm10 =	vne.s32 v11, v12  }
0x209: {  	vm9 =	vmand vm9, vm10  }
0x20a: {  	v8 =	vsel vm9, $0xFFFFFFFF, v6  }
0x20b: {  	v11 =	vor.u32 s0, v0;
	vm9 =	vlt.u32 v10, $0x80;
	v8 =	vadd.s32 v8, v9  }
0x20c: {  	v8 =	vsel vm9, v11, v8  }
0x20d: {  	v8 =	vadd.s32 v1, v8  }
0x20e: {  	v9 =	vshra.s32 v8, $0x1F  }
0x20f: {  	v9 =	vshrl.u32 v9, $0x19  }
0x210: {  	v9 =	vadd.s32 v9, v8  }
0x211: {  	v9 =	vshra.s32 v9, $0x7  }
0x212: {  	v10 =	vshll.u32 v9, $0x7  }
0x213: {  	vm9 =	vlt.s32 v8, $0x1;
	vm10 =	vne.s32 v8, v10  }
0x214: {  	vm9 =	vmand vm9, vm10  }
0x215: {  	v10 =	vsel vm9, $0xFFFFFFFF, v6  }
0x216: {  	v9 =	vadd.s32 v10, v9  }
0x217: {  	v8 =	vand.u32 $0x7F, v8;
	v9 =	vshll.u32 v9, $0x7  }
0x218: {  	v8 =	vor.u32 v8, v9  }
0x219: {  	s28 =	simm.s32 $0x1  }
0x21a: {  	_ =	swait.ge [sflag:s28], $0x4000  }
0x21b: {  	[sflag:s28] =	ssyncset.done $0x0  }
0x21c: {  	[sflag:s28] =	ssyncadd.s32 $0xFFFFC000  }
0x21d: {  	v8 =	vld.idx.msk [tilespmem:v8+s15+$0x0], $0xffff;
	_ =	sdelay $0x3  }
0x21e: {  	s29 =	sadd.s32 $0x10, s22  }
0x21f: {  	v10 =	vadd.s32 s29, v2;
	v9 =	vshra.s32 v8, $0x1F  }
0x220: {  	s1 =	simm.s32 $0x0;
	v13 =	vor.u32 s29, v0;
	v11 =	vmulhi.u32 $0xCCCCCCCD, v10;
	v9 =	vshrl.u32 v9, $0x1D  }
0x221: {  	v14 =	vmov s29;
	v12 =	vmov s1;
	v9 =	vadd.s32 v9, v8  }
0x222: {  	v12 =	vshll.u32 v12, $0x7;
	v11 =	vshrl.u32 v11, $0x4;
	v9 =	vshra.s32 v9, $0x3  }
0x223: {  	vm1 =	vlt.s32 v10, $0x1;
	v16 =	vmul.u32 $0xFFFFFFEC, v11;
	v15 =	vshll.u32 v9, $0x3  }
0x224: {  	v10 =	vsub.s32 v5, v14;
	vm9 =	vlt.s32 v8, $0x1;
	vm10 =	vne.s32 v8, v15  }
0x225: {  	v8 =	vsub.s32 v8, v15;
	vm9 =	vmand vm9, vm10;
	vm10 =	vne.s32 v16, v10  }
0x226: {  	v8 =	vshll.u32 v8, $0x4;
	v10 =	vsel vm9, $0xFFFFFFFF, v6;
	vm9 =	vmand vm1, vm10  }
0x227: {  	v8 =	vand.u32 $0x70, v8;
	v9 =	vadd.s32 v10, v9;
	v10 =	vsel vm9, $0xFFFFFFFF, v6  }
0x228: {  	vm9 =	vlt.u32 v14, $0x80;
	v9 =	vshll.u32 v9, $0x7;
	v11 =	vadd.s32 v10, v11  }
0x229: {  	v12 =	vor.u32 v7, v12;
	v14 =	vld [tilespmem:s5+$0x0];
	v10 =	vor.u32 v8, v9;
	v9 =	vsel vm9, v13, v11  }
0x22a: {  	v13 =	vor.u32 $0xC, v10;
	v11 =	vor.u32 $0xD, v10;
	v8 =	vor.u32 $0xE, v10  }
0x22b: {  	v15 =	vor.u32 $0x9, v10;
	v16 =	vor.u32 $0xA, v10;
	v17 =	vor.u32 $0xB, v10  }
0x22c: {  	v18 =	vor.u32 $0x6, v10;
	v19 =	vor.u32 $0x7, v10;
	v20 =	vor.u32 $0x8, v10  }
0x22d: {  	v21 =	vor.u32 $0x3, v10;
	v22 =	vor.u32 $0x4, v10;
	v23 =	vor.u32 $0x5, v10  }
0x22e: {  	v24 =	vor.u32 $0x1, v10;
	v25 =	vor.u32 $0x2, v10;
	v26 =	vadd.s32 $0xF, v14  }
0x22f: {  	v27 =	vand.u32 $0xFFFFFF80, v14;
	v28 =	vadd.s32 $0xD, v14;
	v29 =	vadd.s32 $0xE, v14  }
0x230: {  	v30 =	vand.u32 $0x7F, v14;
	v31 =	vadd.s32 $0x1, v14;
	v32 =	vadd.s32 $0xC, v14  }
0x231: {  	v33 =	vadd.s32 $0x2, v14;
	v34 =	vadd.s32 $0xB, v14;
	v27 =	vadd.s32 v12, v27  }
0x232: {  	v35 =	vadd.s32 $0x3, v14;
	v52 =	vand.u32 $0xFFFFFF80, v31;
	v27 =	vor.u32 v30, v27  }
0x233: {  	v36 =	vadd.s32 $0xA, v14;
	v31 =	vand.u32 $0x7F, v31;
	v30 =	vadd.s32 v12, v52  }
0x234: {  	v38 =	vadd.s32 $0x4, v14;
	v53 =	vand.u32 $0xFFFFFF80, v33;
	v30 =	vor.u32 v31, v30  }
0x235: {  	v39 =	vadd.s32 $0x9, v14;
	v33 =	vand.u32 $0x7F, v33;
	v37 =	vld.idx.msk [tilespmem:v10+s14+$0x0], $0xffff;
	v31 =	vadd.s32 v12, v53  }
0x236: {  	v40 =	vadd.s32 $0x5, v14;
	v54 =	vand.u32 $0xFFFFFF80, v35;
	v24 =	vld.idx.msk [tilespmem:v24+s14+$0x0], $0xffff;
	v31 =	vor.u32 v33, v31  }
0x237: {  	v41 =	vadd.s32 $0x8, v14;
	v35 =	vand.u32 $0x7F, v35;
	v33 =	vadd.s32 v12, v54;
	v27 =	vld.idx.msk [tilespmem:v27+s17+$0x0], $0xffff  }
0x238: {  	v42 =	vadd.s32 $0x6, v14;
	v55 =	vand.u32 $0xFFFFFF80, v38;
	v25 =	vld.idx.msk [tilespmem:v25+s14+$0x0], $0xffff;
	v33 =	vor.u32 v35, v33  }
0x239: {  	v14 =	vadd.s32 $0x7, v14;
	v38 =	vand.u32 $0x7F, v38;
	v35 =	vadd.s32 v12, v55;
	v30 =	vld.idx.msk [tilespmem:v30+s17+$0x0], $0xffff  }
0x23a: {  	v56 =	vand.u32 $0xFFFFFF80, v40;
	v40 =	vand.u32 $0x7F, v40;
	v21 =	vld.idx.msk [tilespmem:v21+s14+$0x0], $0xffff;
	v35 =	vor.u32 v38, v35  }
0x23b: {  	v57 =	vand.u32 $0xFFFFFF80, v42;
	v58 =	vand.u32 $0x7F, v42;
	v38 =	vadd.s32 v12, v56;
	v31 =	vld.idx.msk [tilespmem:v31+s17+$0x0], $0xffff  }
0x23c: {  	v59 =	vand.u32 $0xFFFFFF80, v14;
	v22 =	vld.idx.msk [tilespmem:v22+s14+$0x0], $0xffff;
	v38 =	vor.u32 v40, v38;
	v27 =	vmul.f32 v37, v27  }
0x23d: {  	v14 =	vand.u32 $0x7F, v14;
	v60 =	vadd.s32 v12, v59;
	v40 =	vadd.s32 v12, v57;
	v33 =	vld.idx.msk [tilespmem:v33+s17+$0x0], $0xffff  }
0x23e: {  	v23 =	vld.idx.msk [tilespmem:v23+s14+$0x0], $0xffff;
	v37 =	vor.u32 v58, v40;
	v24 =	vmul.f32 v24, v30;
	v27 =	vadd.f32 $0.0e+00, v27  }
0x23f: {  	v61 =	vand.u32 $0xFFFFFF80, v41;
	v62 =	vand.u32 $0x7F, v41;
	v14 =	vor.u32 v14, v60;
	v35 =	vld.idx.msk [tilespmem:v35+s17+$0x0], $0xffff  }
0x240: {  	v41 =	vand.u32 $0xFFFFFF80, v39;
	v18 =	vld.idx.msk [tilespmem:v18+s14+$0x0], $0xffff;
	v25 =	vmul.f32 v25, v31;
	v24 =	vadd.f32 v24, v27  }
0x241: {  	v42 =	vand.u32 $0x7F, v39;
	v44 =	vand.u32 $0xFFFFFF80, v36;
	v63 =	vld.idx.msk [tilespmem:v38+s17+$0x0], $0xffff;
	v27 =	vadd.s32 v12, v61  }
0x242: {  	v19 =	vld.idx.msk [tilespmem:v19+s14+$0x0], $0xffff;
	v21 =	vmul.f32 v21, v33;
	v27 =	vor.u32 v62, v27;
	v24 =	vadd.f32 v25, v24  }
0x243: {  	v36 =	vand.u32 $0x7F, v36;
	v45 =	vand.u32 $0xFFFFFF80, v34;
	v43 =	vld.idx.msk [tilespmem:v37+s17+$0x0], $0xffff;
	v25 =	vadd.s32 v12, v41  }
0x244: {  	v14 =	vld.idx.msk [tilespmem:v14+s17+$0x0], $0xffff;
	v22 =	vmul.f32 v22, v35;
	v25 =	vor.u32 v42, v25;
	v21 =	vadd.f32 v21, v24  }
0x245: {  	v34 =	vand.u32 $0x7F, v34;
	v46 =	vand.u32 $0xFFFFFF80, v32;
	v24 =	vadd.s32 v12, v44  }
0x246: {  	v20 =	vld.idx.msk [tilespmem:v20+s14+$0x0], $0xffff;
	v24 =	vor.u32 v36, v24;
	v21 =	vadd.f32 v22, v21;
	v22 =	vmul.f32 v23, v63  }
0x247: {  	v32 =	vand.u32 $0x7F, v32;
	v47 =	vand.u32 $0xFFFFFF80, v28;
	v23 =	vadd.s32 v12, v45;
	v27 =	vld.idx.msk [tilespmem:v27+s17+$0x0], $0xffff  }
0x248: {  	v15 =	vld.idx.msk [tilespmem:v15+s14+$0x0], $0xffff;
	v18 =	vmul.f32 v18, v43;
	v23 =	vor.u32 v34, v23;
	v21 =	vadd.f32 v22, v21  }
0x249: {  	v28 =	vand.u32 $0x7F, v28;
	v14 =	vmul.f32 v19, v14;
	v22 =	vadd.s32 v12, v46;
	v25 =	vld.idx.msk [tilespmem:v25+s17+$0x0], $0xffff  }
0x24a: {  	v16 =	vld.idx.msk [tilespmem:v16+s14+$0x0], $0xffff;
	v19 =	vadd.s32 v12, v47;
	v22 =	vor.u32 v32, v22;
	v18 =	vadd.f32 v18, v21  }
0x24b: {  	v48 =	vand.u32 $0x7F, v29;
	v19 =	vor.u32 v28, v19;
	v21 =	vld.idx.msk [tilespmem:v24+s17+$0x0], $0xffff;
	v24 =	vand.u32 $0xFFFFFF80, v29  }
0x24c: {  	v17 =	vld.idx.msk [tilespmem:v17+s14+$0x0], $0xffff;
	v14 =	vadd.f32 v14, v18;
	v18 =	vmul.f32 v20, v27;
	v20 =	vadd.s32 v12, v24  }
0x24d: {  	v23 =	vld.idx.msk [tilespmem:v23+s17+$0x0], $0xffff;
	v24 =	vand.u32 $0xFFFFFF80, v26;
	v26 =	vand.u32 $0x7F, v26;
	v20 =	vor.u32 v48, v20  }
0x24e: {  	v13 =	vld.idx.msk [tilespmem:v13+s14+$0x0], $0xffff;
	v15 =	vmul.f32 v15, v25;
	v12 =	vadd.s32 v12, v24;
	v14 =	vadd.f32 v18, v14  }
0x24f: {  	v9 =	vadd.s32 v1, v9;
	v10 =	vor.u32 $0xF, v10;
	v18 =	vld.idx.msk [tilespmem:v22+s17+$0x0], $0xffff;
	v12 =	vor.u32 v26, v12  }
0x250: {  	v11 =	vld.idx.msk [tilespmem:v11+s14+$0x0], $0xffff;
	v22 =	vshra.s32 v9, $0x1F;
	v14 =	vadd.f32 v15, v14;
	v15 =	vmul.f32 v16, v21  }
0x251: {  	v16 =	vld.idx.msk [tilespmem:v19+s17+$0x0], $0xffff;
	v19 =	vshrl.u32 v22, $0x19  }
0x252: {  	v8 =	vld.idx.msk [tilespmem:v8+s14+$0x0], $0xffff;
	v19 =	vadd.s32 v19, v9;
	v14 =	vadd.f32 v15, v14;
	v15 =	vmul.f32 v17, v23  }
0x253: {  	v17 =	vld.idx.msk [tilespmem:v20+s17+$0x0], $0xffff;
	v19 =	vshra.s32 v19, $0x7  }
0x254: {  	v10 =	vld.idx.msk [tilespmem:v10+s14+$0x0], $0xffff;
	v20 =	vshll.u32 v19, $0x7;
	v13 =	vmul.f32 v13, v18;
	v14 =	vadd.f32 v15, v14  }
0x255: {  	vm9 =	vlt.s32 v9, $0x1;
	v12 =	vld.idx.msk [tilespmem:v12+s17+$0x0], $0xffff;
	vm10 =	vne.s32 v9, v20  }
0x256: {  	vm9 =	vmand vm9, vm10;
	v11 =	vmul.f32 v11, v16;
	v13 =	vadd.f32 v13, v14  }
0x257: {  	v14 =	vsel vm9, $0xFFFFFFFF, v6  }
0x258: {  	v14 =	vadd.s32 v14, v19;
	v8 =	vmul.f32 v8, v17;
	v11 =	vadd.f32 v11, v13  }
0x259: {  	v9 =	vand.u32 $0x7F, v9;
	v13 =	vshll.u32 v14, $0x7  }
0x25a: {  	v10 =	vmul.f32 v10, v12;
	v9 =	vor.u32 v9, v13;
	v8 =	vadd.f32 v8, v11;
	_ =	sdelay $0x1  }
0x25b: {  	v8 =	vadd.f32 v10, v8;
	_ =	sdelay $0x1  }
0x25c: {  	[tilespmem:s3+$0x0] =	vst v8  }
0x25d: {  	v8 =	vld.idx.msk [tilespmem:v9+s15+$0x0], $0xffff;
	_ =	sdelay $0x4  }
0x25e: {  	s30 =	sadd.s32 $0x20, s22;
	s31 =	simm.s32 $0x10;
	v9 =	vshra.s32 v8, $0x1F  }
0x25f: {  	v12 =	vmov s31;
	v10 =	vadd.s32 s30, v2;
	v9 =	vshrl.u32 v9, $0x1D  }
0x260: {  	v14 =	vmov s30;
	v11 =	vmulhi.u32 $0xCCCCCCCD, v10;
	v9 =	vadd.s32 v9, v8  }
0x261: {  	v13 =	vor.u32 s30, v0;
	v12 =	vshll.u32 v12, $0x7;
	v9 =	vshra.s32 v9, $0x3  }
0x262: {  	vm1 =	vlt.s32 v10, $0x1;
	v11 =	vshrl.u32 v11, $0x4;
	v15 =	vshll.u32 v9, $0x3  }
0x263: {  	v16 =	vmul.u32 $0xFFFFFFEC, v11;
	vm9 =	vlt.s32 v8, $0x1;
	vm10 =	vne.s32 v8, v15  }
0x264: {  	v10 =	vsub.s32 v5, v14;
	v8 =	vsub.s32 v8, v15;
	vm9 =	vmand vm9, vm10  }
0x265: {  	vm10 =	vne.s32 v16, v10;
	v8 =	vshll.u32 v8, $0x4;
	v10 =	vsel vm9, $0xFFFFFFFF, v6  }
0x266: {  	vm9 =	vmand vm1, vm10;
	v8 =	vand.u32 $0x70, v8;
	v9 =	vadd.s32 v10, v9  }
0x267: {  	v10 =	vsel vm9, $0xFFFFFFFF, v6;
	vm9 =	vlt.u32 v14, $0x80;
	v9 =	vshll.u32 v9, $0x7  }
0x268: {  	s0 =	sadd.s32 $0x10, s5;
	v10 =	vadd.s32 v10, v11;
	v11 =	vor.u32 v7, v12;
	v15 =	vor.u32 v8, v9  }
0x269: {  	v16 =	vld [tilespmem:s0+$0x0];
	v10 =	vsel vm9, v13, v10;
	v8 =	vor.u32 $0xF, v15;
	v13 =	vor.u32 $0xC, v15  }
0x26a: {  	v12 =	vor.u32 $0xD, v15;
	v9 =	vor.u32 $0xE, v15;
	v17 =	vor.u32 $0x9, v15  }
0x26b: {  	v20 =	vor.u32 $0xA, v15;
	v22 =	vor.u32 $0xB, v15;
	v18 =	vor.u32 $0x6, v15  }
0x26c: {  	v19 =	vor.u32 $0x7, v15;
	v21 =	vor.u32 $0x8, v15;
	v23 =	vor.u32 $0x3, v15  }
0x26d: {  	v24 =	vor.u32 $0x4, v15;
	v25 =	vor.u32 $0x5, v15;
	v26 =	vor.u32 $0x1, v15  }
0x26e: {  	v27 =	vor.u32 $0x2, v15;
	v14 =	vadd.s32 $0xF, v16;
	v49 =	vand.u32 $0xFFFFFF80, v16  }
0x26f: {  	v29 =	vadd.s32 $0xD, v16;
	v30 =	vadd.s32 $0xE, v16;
	v50 =	vand.u32 $0x7F, v16  }
0x270: {  	v51 =	vadd.s32 $0x1, v16;
	v33 =	vadd.s32 $0xC, v16;
	v53 =	vadd.s32 $0x2, v16  }
0x271: {  	v35 =	vadd.s32 $0xB, v16;
	v55 =	vadd.s32 $0x3, v16;
	v28 =	vadd.s32 v11, v49  }
0x272: {  	v37 =	vadd.s32 $0xA, v16;
	v52 =	vand.u32 $0xFFFFFF80, v51;
	v28 =	vor.u32 v50, v28  }
0x273: {  	v57 =	vadd.s32 $0x4, v16;
	v32 =	vand.u32 $0x7F, v51;
	v31 =	vadd.s32 v11, v52  }
0x274: {  	v59 =	vadd.s32 $0x9, v16;
	v54 =	vand.u32 $0xFFFFFF80, v53;
	v31 =	vor.u32 v32, v31  }
0x275: {  	v60 =	vadd.s32 $0x5, v16;
	v34 =	vand.u32 $0x7F, v53;
	v32 =	vadd.s32 v11, v54;
	v15 =	vld.idx.msk [tilespmem:v15+s14+$0x0], $0xffff  }
0x276: {  	v62 =	vadd.s32 $0x8, v16;
	v56 =	vand.u32 $0xFFFFFF80, v55;
	v32 =	vor.u32 v34, v32;
	v26 =	vld.idx.msk [tilespmem:v26+s14+$0x0], $0xffff  }
0x277: {  	v63 =	vadd.s32 $0x6, v16;
	v36 =	vand.u32 $0x7F, v55;
	v34 =	vadd.s32 v11, v56;
	v28 =	vld.idx.msk [tilespmem:v28+s17+$0x0], $0xffff  }
0x278: {  	v16 =	vadd.s32 $0x7, v16;
	v58 =	vand.u32 $0xFFFFFF80, v57;
	v34 =	vor.u32 v36, v34;
	v27 =	vld.idx.msk [tilespmem:v27+s14+$0x0], $0xffff  }
0x279: {  	v38 =	vand.u32 $0x7F, v57;
	v61 =	vand.u32 $0xFFFFFF80, v60;
	v36 =	vadd.s32 v11, v58;
	v31 =	vld.idx.msk [tilespmem:v31+s17+$0x0], $0xffff  }
0x27a: {  	v40 =	vand.u32 $0x7F, v60;
	v45 =	vand.u32 $0xFFFFFF80, v63;
	v23 =	vld.idx.msk [tilespmem:v23+s14+$0x0], $0xffff;
	v36 =	vor.u32 v38, v36  }
0x27b: {  	v47 =	vand.u32 $0x7F, v63;
	v48 =	vand.u32 $0xFFFFFF80, v16;
	v38 =	vadd.s32 v11, v61;
	v32 =	vld.idx.msk [tilespmem:v32+s17+$0x0], $0xffff  }
0x27c: {  	v16 =	vand.u32 $0x7F, v16;
	v24 =	vld.idx.msk [tilespmem:v24+s14+$0x0], $0xffff;
	v38 =	vor.u32 v40, v38;
	v15 =	vmul.f32 v15, v28  }
0x27d: {  	v51 =	vand.u32 $0xFFFFFF80, v62;
	v50 =	vadd.s32 v11, v48;
	v40 =	vadd.s32 v11, v45;
	v46 =	vld.idx.msk [tilespmem:v34+s17+$0x0], $0xffff  }
0x27e: {  	v25 =	vld.idx.msk [tilespmem:v25+s14+$0x0], $0xffff;
	v34 =	vor.u32 v47, v40;
	v26 =	vmul.f32 v26, v31;
	v15 =	vadd.f32 $0.0e+00, v15  }
0x27f: {  	v55 =	vand.u32 $0xFFFFFF80, v59;
	v52 =	vand.u32 $0x7F, v62;
	v16 =	vor.u32 v16, v50;
	v49 =	vld.idx.msk [tilespmem:v36+s17+$0x0], $0xffff  }
0x280: {  	v53 =	vadd.s32 v11, v51;
	v54 =	vld.idx.msk [tilespmem:v18+s14+$0x0], $0xffff;
	v15 =	vadd.f32 v26, v15;
	v26 =	vmul.f32 v27, v32  }
0x281: {  	v57 =	vadd.s32 v11, v55;
	v18 =	vor.u32 v52, v53;
	v27 =	vld.idx.msk [tilespmem:v38+s17+$0x0], $0xffff  }
0x282: {  	v56 =	vand.u32 $0x7F, v59;
	v58 =	vld.idx.msk [tilespmem:v19+s14+$0x0], $0xffff;
	v23 =	vmul.f32 v23, v46;
	v15 =	vadd.f32 v26, v15  }
0x283: {  	v60 =	vand.u32 $0x7F, v37;
	v59 =	vand.u32 $0xFFFFFF80, v37;
	v19 =	vor.u32 v56, v57;
	v26 =	vld.idx.msk [tilespmem:v34+s17+$0x0], $0xffff  }
0x284: {  	v15 =	vadd.f32 v23, v15;
	v23 =	vmul.f32 v24, v49;
	v24 =	vld.idx.msk [tilespmem:v16+s17+$0x0], $0xffff;
	v16 =	vadd.s32 v11, v59  }
0x285: {  	v61 =	vld.idx.msk [tilespmem:v21+s14+$0x0], $0xffff;
	v21 =	vand.u32 $0x7F, v35;
	v62 =	vor.u32 v60, v16;
	v16 =	vand.u32 $0xFFFFFF80, v35  }
0x286: {  	v15 =	vadd.f32 v23, v15;
	v23 =	vmul.f32 v25, v27;
	v25 =	vld.idx.msk [tilespmem:v18+s17+$0x0], $0xffff;
	v16 =	vadd.s32 v11, v16  }
0x287: {  	v18 =	vld.idx.msk [tilespmem:v17+s14+$0x0], $0xffff;
	v17 =	vor.u32 v21, v16;
	v16 =	vand.u32 $0xFFFFFF80, v33;
	v21 =	vand.u32 $0x7F, v33  }
0x288: {  	v19 =	vld.idx.msk [tilespmem:v19+s17+$0x0], $0xffff;
	v15 =	vadd.f32 v23, v15;
	v23 =	vmul.f32 v54, v26;
	v26 =	vadd.s32 v11, v16  }
0x289: {  	v27 =	vand.u32 $0x7F, v29;
	v16 =	vld.idx.msk [tilespmem:v20+s14+$0x0], $0xffff;
	v21 =	vor.u32 v21, v26;
	v26 =	vand.u32 $0xFFFFFF80, v29  }
0x28a: {  	v63 =	vmul.f32 v58, v24;
	v23 =	vadd.f32 v23, v15;
	v20 =	vld.idx.msk [tilespmem:v62+s17+$0x0], $0xffff;
	v24 =	vadd.s32 v11, v26  }
0x28b: {  	v15 =	vld.idx.msk [tilespmem:v22+s14+$0x0], $0xffff;
	v26 =	vand.u32 $0xFFFFFF80, v30;
	v22 =	vor.u32 v27, v24;
	v24 =	vand.u32 $0x7F, v30  }
0x28c: {  	s12 =	simm.s32 $0x30;
	s4 =	smov.u32 s3;
	s1 =	simm.s32 $0x20;
	v25 =	vmul.f32 v61, v25;
	v26 =	vadd.s32 v11, v26;
	v23 =	vadd.f32 v63, v23;
	v17 =	vld.idx.msk [tilespmem:v17+s17+$0x0], $0xffff  }
.LBB2_8:
0x28d: {  	p0 =	sne.s32 s12, $0x70;
	v13 =	vld.idx.msk [tilespmem:v13+s14+$0x0], $0xffff;
	v24 =	vor.u32 v24, v26;
	v26 =	vand.u32 $0xFFFFFF80, v14;
	v14 =	vand.u32 $0x7F, v14  }
0x28e: {  	v18 =	vmul.f32 v18, v19;
	v23 =	vadd.f32 v25, v23;
	v19 =	vld.idx.msk [tilespmem:v21+s17+$0x0], $0xffff;
	v11 =	vadd.s32 v11, v26  }
0x28f: {  	v10 =	vadd.s32 v1, v10;
	v12 =	vld.idx.msk [tilespmem:v12+s14+$0x0], $0xffff;
	v11 =	vor.u32 v14, v11  }
0x290: {  	v14 =	vshra.s32 v10, $0x1F;
	v16 =	vmul.f32 v16, v20;
	v18 =	vadd.f32 v18, v23;
	v20 =	vld.idx.msk [tilespmem:v22+s17+$0x0], $0xffff  }
0x291: {  	v14 =	vshrl.u32 v14, $0x19;
	v9 =	vld.idx.msk [tilespmem:v9+s14+$0x0], $0xffff  }
0x292: {  	v14 =	vadd.s32 v14, v10;
	v15 =	vmul.f32 v15, v17;
	v16 =	vadd.f32 v16, v18;
	v17 =	vld.idx.msk [tilespmem:v24+s17+$0x0], $0xffff  }
0x293: {  	v14 =	vshra.s32 v14, $0x7;
	v8 =	vld.idx.msk [tilespmem:v8+s14+$0x0], $0xffff  }
0x294: {  	v18 =	vshll.u32 v14, $0x7;
	v13 =	vmul.f32 v13, v19;
	v15 =	vadd.f32 v15, v16;
	v11 =	vld.idx.msk [tilespmem:v11+s17+$0x0], $0xffff  }
0x295: {  	vm9 =	vlt.s32 v10, $0x1;
	vm10 =	vne.s32 v10, v18  }
0x296: {  	vm9 =	vmand vm9, vm10;
	v12 =	vmul.f32 v12, v20;
	v13 =	vadd.f32 v13, v15  }
0x297: {  	v15 =	vsel vm9, $0xFFFFFFFF, v6  }
0x298: {  	v14 =	vadd.s32 v15, v14;
	v9 =	vmul.f32 v9, v17;
	v12 =	vadd.f32 v12, v13  }
0x299: {  	v10 =	vand.u32 $0x7F, v10;
	v13 =	vshll.u32 v14, $0x7  }
0x29a: {  	v10 =	vor.u32 v10, v13;
	v8 =	vmul.f32 v8, v11;
	v9 =	vadd.f32 v9, v12;
	_ =	sdelay $0x1  }
0x29b: {  	v8 =	vadd.f32 v8, v9  }
0x29c: {  	s4 =	sadd.s32 $0x10, s4  }
0x29d: {  	[tilespmem:s4+$0x0] =	vst v8  }
0x29e: {  	v8 =	vld.idx.msk [tilespmem:v10+s15+$0x0], $0xffff;
	_ =	sdelay $0x5  }
0x29f: {  	s2 =	sadd.s32 s12, s22;
	v9 =	vshra.s32 v8, $0x1F  }
0x2a0: {  	v10 =	vadd.s32 s2, v2;
	v9 =	vshrl.u32 v9, $0x1D  }
0x2a1: {  	v12 =	vmov s1;
	s1 =	smov.u32 s12;
	v11 =	vmulhi.u32 $0xCCCCCCCD, v10;
	v9 =	vadd.s32 v9, v8  }
0x2a2: {  	v13 =	vor.u32 s2, v0;
	v12 =	vshll.u32 v12, $0x7;
	v9 =	vshra.s32 v9, $0x3  }
0x2a3: {  	v14 =	vmov s2;
	v11 =	vshrl.u32 v11, $0x4;
	v15 =	vshll.u32 v9, $0x3  }
0x2a4: {  	v16 =	vmul.u32 $0xFFFFFFEC, v11;
	vm9 =	vlt.s32 v8, $0x1;
	vm10 =	vne.s32 v8, v15  }
0x2a5: {  	vm11 =	vlt.s32 v10, $0x1;
	v10 =	vsub.s32 v5, v14;
	vm9 =	vmand vm9, vm10  }
0x2a6: {  	v8 =	vsub.s32 v8, v15;
	vm10 =	vne.s32 v16, v10;
	v10 =	vsel vm9, $0xFFFFFFFF, v6  }
0x2a7: {  	v8 =	vshll.u32 v8, $0x4;
	vm9 =	vmand vm11, vm10;
	v9 =	vadd.s32 v10, v9  }
0x2a8: {  	v8 =	vand.u32 $0x70, v8;
	v10 =	vsel vm9, $0xFFFFFFFF, v6;
	v9 =	vshll.u32 v9, $0x7  }
0x2a9: {  	s0 =	sadd.s32 $0x10, s0;
	vm9 =	vlt.u32 v14, $0x80;
	v10 =	vadd.s32 v10, v11;
	v19 =	vor.u32 v8, v9  }
0x2aa: {  	v11 =	vor.u32 v7, v12;
	v10 =	vsel vm9, v13, v10;
	v8 =	vor.u32 $0xF, v19;
	v20 =	vld [tilespmem:s0+$0x0]  }
0x2ab: {  	v13 =	vor.u32 $0xC, v19;
	v12 =	vor.u32 $0xD, v19;
	v9 =	vor.u32 $0xE, v19  }
0x2ac: {  	v18 =	vor.u32 $0x9, v19;
	v16 =	vor.u32 $0xA, v19;
	v15 =	vor.u32 $0xB, v19  }
0x2ad: {  	v21 =	vor.u32 $0x6, v19;
	v22 =	vor.u32 $0x7, v19;
	v23 =	vor.u32 $0x8, v19  }
0x2ae: {  	v24 =	vor.u32 $0x3, v19;
	v25 =	vor.u32 $0x4, v19;
	v26 =	vor.u32 $0x5, v19  }
0x2af: {  	v27 =	vor.u32 $0x1, v19;
	v28 =	vor.u32 $0x2, v19;
	v14 =	vadd.s32 $0xF, v20  }
0x2b0: {  	v29 =	vand.u32 $0xFFFFFF80, v20;
	v30 =	vadd.s32 $0xD, v20;
	v17 =	vadd.s32 $0xE, v20  }
0x2b1: {  	v31 =	vand.u32 $0x7F, v20;
	v32 =	vadd.s32 $0x1, v20;
	v29 =	vadd.s32 v11, v29  }
0x2b2: {  	v33 =	vadd.s32 $0xC, v20;
	v29 =	vor.u32 v31, v29;
	v31 =	vand.u32 $0xFFFFFF80, v32  }
0x2b3: {  	v34 =	vadd.s32 $0x2, v20;
	v32 =	vand.u32 $0x7F, v32;
	v31 =	vadd.s32 v11, v31  }
0x2b4: {  	v35 =	vadd.s32 $0xB, v20;
	v31 =	vor.u32 v32, v31;
	v32 =	vand.u32 $0xFFFFFF80, v34  }
0x2b5: {  	v36 =	vadd.s32 $0x3, v20;
	v34 =	vand.u32 $0x7F, v34;
	v32 =	vadd.s32 v11, v32  }
0x2b6: {  	v37 =	vadd.s32 $0xA, v20;
	v32 =	vor.u32 v34, v32;
	v34 =	vand.u32 $0xFFFFFF80, v36;
	v19 =	vld.idx.msk [tilespmem:v19+s14+$0x0], $0xffff  }
0x2b7: {  	v38 =	vadd.s32 $0x4, v20;
	v36 =	vand.u32 $0x7F, v36;
	v34 =	vadd.s32 v11, v34;
	v29 =	vld.idx.msk [tilespmem:v29+s17+$0x0], $0xffff  }
0x2b8: {  	v39 =	vadd.s32 $0x9, v20;
	v34 =	vor.u32 v36, v34;
	v36 =	vand.u32 $0xFFFFFF80, v38;
	v27 =	vld.idx.msk [tilespmem:v27+s14+$0x0], $0xffff  }
0x2b9: {  	v40 =	vadd.s32 $0x5, v20;
	v38 =	vand.u32 $0x7F, v38;
	v36 =	vadd.s32 v11, v36;
	v31 =	vld.idx.msk [tilespmem:v31+s17+$0x0], $0xffff  }
0x2ba: {  	v41 =	vadd.s32 $0x8, v20;
	v36 =	vor.u32 v38, v36;
	v38 =	vand.u32 $0xFFFFFF80, v40;
	v28 =	vld.idx.msk [tilespmem:v28+s14+$0x0], $0xffff  }
0x2bb: {  	v42 =	vadd.s32 $0x6, v20;
	v40 =	vand.u32 $0x7F, v40;
	v38 =	vadd.s32 v11, v38;
	v32 =	vld.idx.msk [tilespmem:v32+s17+$0x0], $0xffff  }
0x2bc: {  	v20 =	vadd.s32 $0x7, v20;
	v38 =	vor.u32 v40, v38;
	v40 =	vand.u32 $0xFFFFFF80, v42;
	v24 =	vld.idx.msk [tilespmem:v24+s14+$0x0], $0xffff  }
0x2bd: {  	v19 =	vmul.f32 v19, v29;
	v40 =	vadd.s32 v11, v40;
	v29 =	vld.idx.msk [tilespmem:v34+s17+$0x0], $0xffff;
	v34 =	vand.u32 $0x7F, v42  }
0x2be: {  	v25 =	vld.idx.msk [tilespmem:v25+s14+$0x0], $0xffff;
	v34 =	vor.u32 v34, v40;
	v40 =	vand.u32 $0xFFFFFF80, v20;
	v20 =	vand.u32 $0x7F, v20  }
0x2bf: {  	v19 =	vadd.f32 $0.0e+00, v19;
	v27 =	vmul.f32 v27, v31;
	v31 =	vld.idx.msk [tilespmem:v36+s17+$0x0], $0xffff;
	v36 =	vadd.s32 v11, v40  }
0x2c0: {  	v40 =	vand.u32 $0x7F, v41;
	v26 =	vld.idx.msk [tilespmem:v26+s14+$0x0], $0xffff;
	v20 =	vor.u32 v20, v36;
	v36 =	vand.u32 $0xFFFFFF80, v41  }
0x2c1: {  	v19 =	vadd.f32 v27, v19;
	v27 =	vmul.f32 v28, v32;
	v28 =	vld.idx.msk [tilespmem:v38+s17+$0x0], $0xffff;
	v32 =	vadd.s32 v11, v36  }
0x2c2: {  	v36 =	vand.u32 $0xFFFFFF80, v39;
	v38 =	vand.u32 $0x7F, v39;
	v21 =	vld.idx.msk [tilespmem:v21+s14+$0x0], $0xffff;
	v32 =	vor.u32 v40, v32  }
0x2c3: {  	v19 =	vadd.f32 v27, v19;
	v24 =	vmul.f32 v24, v29;
	v29 =	vadd.s32 v11, v36;
	v27 =	vld.idx.msk [tilespmem:v34+s17+$0x0], $0xffff  }
0x2c4: {  	v36 =	vand.u32 $0x7F, v37;
	v29 =	vor.u32 v38, v29;
	v34 =	vand.u32 $0xFFFFFF80, v37;
	v22 =	vld.idx.msk [tilespmem:v22+s14+$0x0], $0xffff  }
0x2c5: {  	v19 =	vadd.f32 v24, v19;
	v24 =	vmul.f32 v25, v31;
	v25 =	vadd.s32 v11, v34;
	v20 =	vld.idx.msk [tilespmem:v20+s17+$0x0], $0xffff  }
0x2c6: {  	v34 =	vand.u32 $0x7F, v35;
	v31 =	vld.idx.msk [tilespmem:v23+s14+$0x0], $0xffff;
	v23 =	vor.u32 v36, v25;
	v25 =	vand.u32 $0xFFFFFF80, v35  }
0x2c7: {  	v19 =	vadd.f32 v24, v19;
	v24 =	vmul.f32 v26, v28;
	v26 =	vld.idx.msk [tilespmem:v32+s17+$0x0], $0xffff;
	v25 =	vadd.s32 v11, v25  }
0x2c8: {  	v32 =	vand.u32 $0x7F, v33;
	v18 =	vld.idx.msk [tilespmem:v18+s14+$0x0], $0xffff;
	v28 =	vor.u32 v34, v25;
	v25 =	vand.u32 $0xFFFFFF80, v33  }
.Ltmp7:
0x2c9: {  	v24 =	vadd.f32 v24, v19;
	v27 =	vmul.f32 v21, v27;
	v19 =	vld.idx.msk [tilespmem:v29+s17+$0x0], $0xffff;
	v21 =	vadd.s32 v11, v25;
	(pc) =	sbr.rel @p0 .LBB2_8-.Ltmp7, $4  }
0x2ca: {  	v25 =	vand.u32 $0xFFFFFF80, v30;
	v29 =	vand.u32 $0x7F, v30;
	v16 =	vld.idx.msk [tilespmem:v16+s14+$0x0], $0xffff;
	v21 =	vor.u32 v32, v21  }
0x2cb: {  	v27 =	vadd.f32 v27, v24;
	v30 =	vmul.f32 v22, v20;
	v22 =	vadd.s32 v11, v25;
	v20 =	vld.idx.msk [tilespmem:v23+s17+$0x0], $0xffff  }
0x2cc: {  	v24 =	vand.u32 $0x7F, v17;
	v22 =	vor.u32 v29, v22;
	v29 =	vand.u32 $0xFFFFFF80, v17;
	v15 =	vld.idx.msk [tilespmem:v15+s14+$0x0], $0xffff  }
0x2cd: {  	s12 =	sadd.s32 $0x10, s12;
	v23 =	vadd.f32 v30, v27;
	v25 =	vmul.f32 v31, v26;
	v26 =	vadd.s32 v11, v29;
	v17 =	vld.idx.msk [tilespmem:v28+s17+$0x0], $0xffff  }
0x2ce: {  	_ =	sdelay $0x2  }
0x2cf: {  	v24 =	vor.u32 v24, v26;
	v31 =	vand.u32 $0xFFFFFF80, v14  }
0x2d0: {  	v13 =	vld.idx.msk [tilespmem:v13+s14+$0x0], $0xffff;
	v18 =	vmul.f32 v18, v19;
	v10 =	vadd.s32 v1, v10;
	v23 =	vadd.f32 v25, v23  }
0x2d1: {  	v32 =	vand.u32 $0x7F, v14;
	v33 =	vld.idx.msk [tilespmem:v21+s17+$0x0], $0xffff;
	v11 =	vadd.s32 v11, v31;
	v34 =	vshra.s32 v10, $0x1F  }
0x2d2: {  	v12 =	vld.idx.msk [tilespmem:v12+s14+$0x0], $0xffff;
	v11 =	vor.u32 v32, v11;
	v16 =	vmul.f32 v16, v20;
	v18 =	vadd.f32 v18, v23  }
0x2d3: {  	v35 =	vld.idx.msk [tilespmem:v22+s17+$0x0], $0xffff;
	v14 =	vshrl.u32 v34, $0x19  }
0x2d4: {  	v9 =	vld.idx.msk [tilespmem:v9+s14+$0x0], $0xffff;
	v14 =	vadd.s32 v14, v10;
	v15 =	vmul.f32 v15, v17;
	v16 =	vadd.f32 v16, v18  }
0x2d5: {  	v14 =	vshra.s32 v14, $0x7;
	v36 =	vld.idx.msk [tilespmem:v24+s17+$0x0], $0xffff  }
0x2d6: {  	v8 =	vld.idx.msk [tilespmem:v8+s14+$0x0], $0xffff;
	v37 =	vshll.u32 v14, $0x7;
	v13 =	vmul.f32 v13, v33;
	v15 =	vadd.f32 v15, v16  }
0x2d7: {  	vm9 =	vlt.s32 v10, $0x1;
	vm10 =	vne.s32 v10, v37;
	v11 =	vld.idx.msk [tilespmem:v11+s17+$0x0], $0xffff  }
0x2d8: {  	v12 =	vmul.f32 v12, v35;
	vm9 =	vmand vm9, vm10;
	v13 =	vadd.f32 v13, v15  }
0x2d9: {  	v38 =	vsel vm9, $0xFFFFFFFF, v6  }
0x2da: {  	v14 =	vadd.s32 v38, v14;
	v9 =	vmul.f32 v9, v36;
	v12 =	vadd.f32 v12, v13  }
0x2db: {  	v10 =	vand.u32 $0x7F, v10;
	v39 =	vshll.u32 v14, $0x7  }
0x2dc: {  	v10 =	vor.u32 v10, v39;
	v8 =	vmul.f32 v8, v11;
	v9 =	vadd.f32 v9, v12;
	_ =	sdelay $0x1  }
0x2dd: {  	v8 =	vadd.f32 v8, v9  }
0x2de: {  	s4 =	sadd.s32 $0x10, s4  }
0x2df: {  	[tilespmem:s4+$0x0] =	vst v8  }
0x2e0: {  	s0 =	sadd.s32 $0x10, s0;
	v8 =	vld.idx.msk [tilespmem:v10+s15+$0x0], $0xffff  }
0x2e1: {  	v12 =	vld [tilespmem:s0+$0x0];
	_ =	sdelay $0x2  }
0x2e2: {  	v43 =	vmov s1  }
0x2e3: {  	v10 =	vshll.u32 v43, $0x7;
	v40 =	vshra.s32 v8, $0x1F;
	vm9 =	vlt.s32 v8, $0x1  }
0x2e4: {  	v49 =	vand.u32 $0xFFFFFF80, v12;
	v25 =	vadd.s32 $0xD, v12;
	v26 =	vadd.s32 $0xE, v12  }
0x2e5: {  	v27 =	vand.u32 $0x7F, v12;
	v28 =	vadd.s32 $0x1, v12;
	v9 =	vshrl.u32 v40, $0x1D  }
0x2e6: {  	v29 =	vadd.s32 $0xC, v12;
	v30 =	vadd.s32 $0x2, v12;
	v9 =	vadd.s32 v9, v8  }
0x2e7: {  	v31 =	vadd.s32 $0xB, v12;
	v32 =	vadd.s32 $0x3, v12;
	v9 =	vshra.s32 v9, $0x3  }
0x2e8: {  	v33 =	vadd.s32 $0xA, v12;
	v35 =	vadd.s32 $0x4, v12;
	v41 =	vshll.u32 v9, $0x3  }
0x2e9: {  	v36 =	vadd.s32 $0x9, v12;
	v37 =	vadd.s32 $0x5, v12;
	vm10 =	vne.s32 v8, v41  }
0x2ea: {  	v38 =	vadd.s32 $0x8, v12;
	v39 =	vadd.s32 $0x6, v12;
	vm9 =	vmand vm9, vm10  }
0x2eb: {  	v50 =	vand.u32 $0xFFFFFF80, v28;
	v8 =	vsub.s32 v8, v41;
	v42 =	vsel vm9, $0xFFFFFFFF, v6  }
0x2ec: {  	v28 =	vand.u32 $0x7F, v28;
	v8 =	vshll.u32 v8, $0x4;
	v9 =	vadd.s32 v42, v9  }
0x2ed: {  	v51 =	vand.u32 $0xFFFFFF80, v30;
	v8 =	vand.u32 $0x70, v8;
	v9 =	vshll.u32 v9, $0x7  }
0x2ee: {  	v30 =	vand.u32 $0x7F, v30;
	v8 =	vor.u32 v8, v9;
	v9 =	vor.u32 v7, v10  }
0x2ef: {  	v52 =	vand.u32 $0xFFFFFF80, v32;
	v32 =	vand.u32 $0x7F, v32;
	v24 =	vadd.s32 v9, v49  }
0x2f0: {  	v53 =	vand.u32 $0xFFFFFF80, v35;
	v35 =	vand.u32 $0x7F, v35;
	v24 =	vor.u32 v27, v24  }
0x2f1: {  	v54 =	vand.u32 $0xFFFFFF80, v37;
	v47 =	vor.u32 $0x1, v8;
	v27 =	vadd.s32 v9, v50  }
0x2f2: {  	v37 =	vand.u32 $0x7F, v37;
	v55 =	vand.u32 $0xFFFFFF80, v39;
	v27 =	vor.u32 v28, v27  }
0x2f3: {  	v40 =	vadd.s32 $0x7, v12;
	v48 =	vor.u32 $0x2, v8;
	v28 =	vadd.s32 v9, v51  }
0x2f4: {  	v56 =	vand.u32 $0x7F, v39;
	v60 =	vand.u32 $0xFFFFFF80, v38;
	v28 =	vor.u32 v30, v28;
	v34 =	vld.idx.msk [tilespmem:v8+s14+$0x0], $0xffff  }
0x2f5: {  	v38 =	vand.u32 $0x7F, v38;
	v44 =	vor.u32 $0x3, v8;
	v30 =	vadd.s32 v9, v52;
	v24 =	vld.idx.msk [tilespmem:v24+s17+$0x0], $0xffff  }
0x2f6: {  	v63 =	vand.u32 $0xFFFFFF80, v36;
	v36 =	vand.u32 $0x7F, v36;
	v30 =	vor.u32 v32, v30;
	v22 =	vld.idx.msk [tilespmem:v47+s14+$0x0], $0xffff  }
0x2f7: {  	v12 =	vadd.s32 $0xF, v12;
	v45 =	vor.u32 $0x4, v8;
	v32 =	vadd.s32 v9, v53;
	v27 =	vld.idx.msk [tilespmem:v27+s17+$0x0], $0xffff  }
0x2f8: {  	v57 =	vand.u32 $0xFFFFFF80, v40;
	v58 =	vand.u32 $0x7F, v40;
	v32 =	vor.u32 v35, v32;
	v23 =	vld.idx.msk [tilespmem:v48+s14+$0x0], $0xffff  }
0x2f9: {  	v42 =	vand.u32 $0xFFFFFF80, v33;
	v46 =	vor.u32 $0x5, v8;
	v35 =	vadd.s32 v9, v54;
	v28 =	vld.idx.msk [tilespmem:v28+s17+$0x0], $0xffff  }
0x2fa: {  	v33 =	vand.u32 $0x7F, v33;
	v19 =	vld.idx.msk [tilespmem:v44+s14+$0x0], $0xffff;
	v35 =	vor.u32 v37, v35;
	v24 =	vmul.f32 v34, v24  }
0x2fb: {  	v11 =	vor.u32 $0xC, v8;
	v16 =	vor.u32 $0x6, v8;
	v37 =	vadd.s32 v9, v55;
	v30 =	vld.idx.msk [tilespmem:v30+s17+$0x0], $0xffff  }
0x2fc: {  	v20 =	vld.idx.msk [tilespmem:v45+s14+$0x0], $0xffff;
	v34 =	vor.u32 v56, v37;
	v22 =	vmul.f32 v22, v27;
	v24 =	vadd.f32 $0.0e+00, v24  }
0x2fd: {  	v10 =	vor.u32 $0xD, v8;
	v17 =	vor.u32 $0x7, v8;
	v59 =	vadd.s32 v9, v57;
	v32 =	vld.idx.msk [tilespmem:v32+s17+$0x0], $0xffff  }
0x2fe: {  	v21 =	vld.idx.msk [tilespmem:v46+s14+$0x0], $0xffff;
	v27 =	vor.u32 v58, v59;
	v23 =	vmul.f32 v23, v28;
	v22 =	vadd.f32 v22, v24  }
0x2ff: {  	v13 =	vor.u32 $0x9, v8;
	v18 =	vor.u32 $0x8, v8;
	v61 =	vadd.s32 v9, v60;
	v62 =	vld.idx.msk [tilespmem:v35+s17+$0x0], $0xffff  }
0x300: {  	v16 =	vld.idx.msk [tilespmem:v16+s14+$0x0], $0xffff;
	v19 =	vmul.f32 v19, v30;
	v24 =	vor.u32 v38, v61;
	v22 =	vadd.f32 v23, v22  }
0x301: {  	v14 =	vor.u32 $0xA, v8;
	v15 =	vor.u32 $0xB, v8;
	v40 =	vadd.s32 v9, v63;
	v41 =	vld.idx.msk [tilespmem:v34+s17+$0x0], $0xffff  }
0x302: {  	v17 =	vld.idx.msk [tilespmem:v17+s14+$0x0], $0xffff;
	v20 =	vmul.f32 v20, v32;
	v23 =	vor.u32 v36, v40;
	v19 =	vadd.f32 v19, v22  }
0x303: {  	v43 =	vadd.s32 v9, v42;
	v49 =	vand.u32 $0xFFFFFF80, v25;
	v44 =	vand.u32 $0xFFFFFF80, v31;
	v27 =	vld.idx.msk [tilespmem:v27+s17+$0x0], $0xffff  }
0x304: {  	v18 =	vld.idx.msk [tilespmem:v18+s14+$0x0], $0xffff;
	v45 =	vmul.f32 v21, v62;
	v22 =	vor.u32 v33, v43;
	v19 =	vadd.f32 v20, v19  }
0x305: {  	v31 =	vand.u32 $0x7F, v31;
	v47 =	vand.u32 $0xFFFFFF80, v29;
	v46 =	vadd.s32 v9, v44;
	v24 =	vld.idx.msk [tilespmem:v24+s17+$0x0], $0xffff  }
0x306: {  	v13 =	vld.idx.msk [tilespmem:v13+s14+$0x0], $0xffff;
	v21 =	vor.u32 v31, v46;
	v16 =	vmul.f32 v16, v41;
	v19 =	vadd.f32 v45, v19  }
0x307: {  	v25 =	vand.u32 $0x7F, v25;
	v29 =	vand.u32 $0x7F, v29;
	v48 =	vadd.s32 v9, v47;
	v23 =	vld.idx.msk [tilespmem:v23+s17+$0x0], $0xffff  }
0x308: {  	v14 =	vld.idx.msk [tilespmem:v14+s14+$0x0], $0xffff;
	v20 =	vor.u32 v29, v48;
	v17 =	vmul.f32 v17, v27;
	v16 =	vadd.f32 v16, v19  }
0x309: {  	v50 =	vadd.s32 v9, v49;
	v51 =	vand.u32 $0xFFFFFF80, v26;
	v26 =	vand.u32 $0x7F, v26;
	v22 =	vld.idx.msk [tilespmem:v22+s17+$0x0], $0xffff  }
0x30a: {  	v15 =	vld.idx.msk [tilespmem:v15+s14+$0x0], $0xffff;
	v19 =	vor.u32 v25, v50;
	v52 =	vmul.f32 v18, v24;
	v16 =	vadd.f32 v17, v16  }
0x30b: {  	v53 =	vadd.s32 v9, v51;
	v54 =	vor.u32 $0xE, v8;
	v55 =	vand.u32 $0xFFFFFF80, v12;
	v21 =	vld.idx.msk [tilespmem:v21+s17+$0x0], $0xffff  }
0x30c: {  	v11 =	vld.idx.msk [tilespmem:v11+s14+$0x0], $0xffff;
	v18 =	vor.u32 v26, v53;
	v13 =	vmul.f32 v13, v23;
	v16 =	vadd.f32 v52, v16  }
0x30d: {  	v8 =	vor.u32 $0xF, v8;
	v12 =	vand.u32 $0x7F, v12;
	v9 =	vadd.s32 v9, v55;
	v56 =	vld.idx.msk [tilespmem:v20+s17+$0x0], $0xffff  }
0x30e: {  	v10 =	vld.idx.msk [tilespmem:v10+s14+$0x0], $0xffff;
	v9 =	vor.u32 v12, v9;
	v58 =	vmul.f32 v14, v22;
	v57 =	vadd.f32 v13, v16  }
0x30f: {  	v59 =	vld.idx.msk [tilespmem:v19+s17+$0x0], $0xffff  }
0x310: {  	v60 =	vld.idx.msk [tilespmem:v54+s14+$0x0], $0xffff;
	v61 =	vmul.f32 v15, v21;
	v12 =	vadd.f32 v58, v57  }
0x311: {  	v62 =	vld.idx.msk [tilespmem:v18+s17+$0x0], $0xffff  }
0x312: {  	v8 =	vld.idx.msk [tilespmem:v8+s14+$0x0], $0xffff;
	v11 =	vmul.f32 v11, v56;
	v12 =	vadd.f32 v61, v12  }
0x313: {  	v9 =	vld.idx.msk [tilespmem:v9+s17+$0x0], $0xffff  }
0x314: {  	v10 =	vmul.f32 v10, v59;
	v11 =	vadd.f32 v11, v12;
	_ =	sdelay $0x1  }
0x315: {  	v63 =	vmul.f32 v60, v62;
	v10 =	vadd.f32 v10, v11;
	_ =	sdelay $0x1  }
.Ltmp8:
0x316: {  	v8 =	vmul.f32 v8, v9;
	v10 =	vadd.f32 v63, v10;
	(pc) =	sbr.rel .LBB2_10-.Ltmp8, $4  }
0x317: {  	_ = 	snop  }
0x318: {  	v8 =	vadd.f32 v8, v10  }
0x319: {  	vm1 =	vcmask $0x704;
	vm11 =	vcmask $0x3B38;
	s31 =	sadd.s32 $0x10, s4  }
0x31a: {  	vm10 =	vcmask $0xF0C;
	vm9 =	vmmov vm6;
	vm6 =	vcmask $0x2B28;
	[tilespmem:s31+$0x0] =	vst v8  }
.LBB2_12:
0x31b: {  	_ =	sfence.sel $0x180000  }
0x31c: {  	[bflag:$0x0] =	sbarrier.arrive $0xFFFF  }
0x31d: {  	_ =	strace $0x9000004A  }
0x31e: {  	s0 =	stileid.u32;
	[bflag:$0x2] =	sbarrier.arrive $0xFFFF  }
0x31f: {  	p0 =	sne.s32 s0, $0x0;
	s0 =	rddreg [dreg:$0x1]  }
0x320: {  	s0 =	sadd.s32 @!p0 $0x100000, s0  }
0x321: {  	[sflag:s0] =	ssyncadd.tile.s32 @!p0 $0x1;
	_ =	shalt  }
.Lfunc_end2:
_tile_overlayer_lowered:
.L_overlay_start_2:
0x322: {  	(tag) =	ssettag $0x2  }
0x323: {  	s0 =	rddreg [dreg:$0x0];
	s2 =	stileid.u32  }
0x324: {  	s1 =	rddreg [dreg:$0x1];
	p0 =	sne.s32 s2, $0x0  }
0x325: {  	s3 =	rddreg [dreg:$0x2];
	[bflag:$0x3] =	sbarrier.arrive $0xFFFF;
	s2 =	simm.s32 @!p0 $0x1C02  }
0x326: {  	[timem:s3], [sflag:s2] =	dma.local @!p0 [hbm:s0], s1  }
0x327: {  	s0 =	simm.s32 @!p0 $0x2  }
0x328: {  	_ =	swait.ge @!p0 [sflag:s0], s1  }
0x329: {  	s1 =	ssub.s32 @!p0 $0x0, s1;
	[sflag:s0] =	ssyncset.done @!p0 $0x0  }
0x32a: {  	[sflag:s0] =	ssyncadd.s32 @!p0 s1  }
0x32b: {  	[bflag:$0x3] =	sbarrier.arrive $0xFFFF  }
0x32c: {  	_ =	shalt  }

</sc_bundles>
